<compile_context>
chip_gen: v7x
topology: tpu7x:2x2x1
jax: 0.10.2.dev20260603
libtpu: 0.0.44.dev20260713+nightly
codegen_flags: <defaults>
</compile_context>

<pallas_src>
import functools

import jax
import jax.numpy as jnp
from jax import lax
from jax.experimental import pallas as pl
from jax.experimental.pallas import tpu as pltpu
from jax.experimental.pallas import tpu_sc as plsc

_NC = 2
_NS = 16
_K = 80

_N = 10000
_D = 128
_NP = 10240


def _degree_body(dst_hbm, out_hbm, deg_sh, zbuf, ones_v, idx0, idx1, idx2,
                 is0, is1, is2, ss0, ss1, ss2):
    c = lax.axis_index("c")
    s = lax.axis_index("s")
    idxs = (idx0, idx1, idx2)
    isems = (is0, is1, is2)
    ssems = (ss0, ss1, ss2)

    def _fill(i, _):
        zbuf[pl.ds(i * 16, 16)] = jnp.zeros((16,), jnp.float32)
        return 0

    lax.fori_loop(0, 40, _fill, 0)

    def _fill1(i, _):
        ones_v[pl.ds(i * 16, 16)] = jnp.ones((16,), jnp.float32)
        return 0

    lax.fori_loop(0, _K // 16, _fill1, 0)

    pltpu.sync_copy(zbuf, deg_sh.at[pl.ds(s * 640, 640)])
    plsc.subcore_barrier()

    n_e = dst_hbm.shape[0] // (_NC * _NS)
    base = (c * _NS + s) * n_e

    def _start(k, b):
        pltpu.async_copy(dst_hbm.at[pl.ds(base + k * _K, _K)], idxs[b],
                         isems[b])

    def _wait(b):
        pltpu.make_async_copy(dst_hbm.at[pl.ds(base, _K)], idxs[b],
                              isems[b]).wait()

    def _scat_start(b):
        pltpu.async_copy(ones_v, deg_sh.at[idxs[b]], ssems[b], add=True)

    def _scat_wait(b):
        pltpu.make_async_copy(ones_v, deg_sh.at[idxs[b]], ssems[b]).wait()

    _start(0, 0)
    _start(1, 1)
    _wait(0)
    _scat_start(0)
    _start(2, 2)

    def _chunk(k, b):
        _wait(b)
        _scat_start(b)
        b2 = (b + 2) % 3
        _scat_wait(b2)
        _start(k + 2, b2)

    def _triple(i, _):
        for r in range(3):
            _chunk(1 + 3 * i + r, (1 + r) % 3)
        return 0

    lax.fori_loop(0, (_CPT - 5) // 3, _triple, 0)
    _chunk(_CPT - 4, 1)
    _chunk(_CPT - 3, 2)
    _wait(0)
    _scat_start(0)
    _wait(1)
    _scat_start(1)
    _scat_wait(2)
    _scat_wait(0)
    _scat_wait(1)

    plsc.subcore_barrier()
    pltpu.sync_copy(deg_sh.at[pl.ds(s * 640, 640)],
                    out_hbm.at[pl.ds(c * _NP + s * 640, 640)])


def _sc_degree(dst):
    kern = pl.kernel(
        _degree_body,
        out_type=jax.ShapeDtypeStruct((_NC * _NP,), jnp.float32),
        mesh=plsc.VectorSubcoreMesh(core_axis_name="c", subcore_axis_name="s"),
        scratch_types=[
            pltpu.VMEM_SHARED((_NP,), jnp.float32),
            pltpu.VMEM((640,), jnp.float32),
            pltpu.VMEM((_K,), jnp.float32),
            pltpu.VMEM((_K,), jnp.int32),
            pltpu.VMEM((_K,), jnp.int32),
            pltpu.VMEM((_K,), jnp.int32),
            pltpu.SemaphoreType.DMA,
            pltpu.SemaphoreType.DMA,
            pltpu.SemaphoreType.DMA,
            pltpu.SemaphoreType.DMA,
            pltpu.SemaphoreType.DMA,
            pltpu.SemaphoreType.DMA,
        ],
    )
    return kern(dst)


_CPT = 320000 // (_NC * _NS) // _K


def _agg_body(g_hbm, src4_hbm, dst_hbm, out_hbm, agg_sh, src_big, rows0,
              rows1, rows2, dst0, dst1, dst2, sem_e, gs0, gs1, gs2, ds0,
              ds1, ds2, ss0, ss1, ss2):
    c = lax.axis_index("c")
    s = lax.axis_index("s")
    rows = (rows0, rows1, rows2)
    gsems = (gs0, gs1, gs2)
    dsts = (dst0, dst1, dst2)
    dsems = (ds0, ds1, ds2)
    ssems = (ss0, ss1, ss2)

    ebase = (c * _NS + s) * _CPT * _K
    pltpu.async_copy(src4_hbm.at[pl.ds(ebase, _CPT * _K)], src_big, sem_e)

    def _fill(i, _):
        for j in range(_D // 16):
            rows0[i, pl.ds(j * 16, 16)] = jnp.zeros((16,), jnp.float32)
        return 0

    lax.fori_loop(0, _K, _fill, 0)

    @pl.when(s < 10)
    def _zero():
        for t in range(12):
            pltpu.sync_copy(rows0,
                            agg_sh.at[pl.ds(s * 1000 + t * _K, _K)])
        pltpu.sync_copy(rows0.at[pl.ds(0, 40)],
                        agg_sh.at[pl.ds(s * 1000 + 960, 40)])

    pltpu.make_async_copy(src4_hbm.at[pl.ds(ebase, _CPT * _K)], src_big,
                          sem_e).wait()
    plsc.subcore_barrier()

    def _start(k, b):
        pltpu.async_copy(g_hbm.at[src_big.at[pl.ds(k * _K, _K)]], rows[b],
                         gsems[b])
        pltpu.async_copy(dst_hbm.at[pl.ds(ebase + k * _K, _K)], dsts[b],
                         dsems[b])

    def _wait(b):
        pltpu.make_async_copy(g_hbm.at[src_big.at[pl.ds(0, _K)]], rows[b],
                              gsems[b]).wait()
        pltpu.make_async_copy(dst_hbm.at[pl.ds(ebase, _K)], dsts[b],
                              dsems[b]).wait()

    def _scat_start(b):
        pltpu.async_copy(rows[b], agg_sh.at[dsts[b]], ssems[b], add=True)

    def _scat_wait(b):
        pltpu.make_async_copy(rows[b], agg_sh.at[dsts[b]], ssems[b]).wait()

    _start(0, 0)
    _start(1, 1)
    _wait(0)
    _scat_start(0)
    _start(2, 2)

    def _chunk(k, b):
        _wait(b)
        _scat_start(b)
        b2 = (b + 2) % 3
        _scat_wait(b2)
        _start(k + 2, b2)

    def _triple(i, _):
        for r in range(3):
            _chunk(1 + 3 * i + r, (1 + r) % 3)
        return 0

    lax.fori_loop(0, (_CPT - 5) // 3, _triple, 0)
    _chunk(_CPT - 4, 1)
    _chunk(_CPT - 3, 2)
    _wait(0)
    _scat_start(0)
    _wait(1)
    _scat_start(1)
    _scat_wait(2)
    _scat_wait(0)
    _scat_wait(1)

    plsc.subcore_barrier()

    @pl.when(s < 10)
    def _out():
        pltpu.sync_copy(agg_sh.at[pl.ds(s * 1000, 1000)],
                        out_hbm.at[c, pl.ds(s * 1000, 1000)])


def _sc_aggregate(g, src4, dst):
    kern = pl.kernel(
        _agg_body,
        out_type=jax.ShapeDtypeStruct((_NC, _N, _D), jnp.float32),
        mesh=plsc.VectorSubcoreMesh(core_axis_name="c", subcore_axis_name="s"),
        scratch_types=[
            pltpu.VMEM_SHARED((_N, _D), jnp.float32),
            pltpu.VMEM((_CPT * _K,), jnp.int32),
            pltpu.VMEM((_K, _D), jnp.float32),
            pltpu.VMEM((_K, _D), jnp.float32),
            pltpu.VMEM((_K, _D), jnp.float32),
            pltpu.VMEM((_K,), jnp.int32),
            pltpu.VMEM((_K,), jnp.int32),
            pltpu.VMEM((_K,), jnp.int32),
            pltpu.SemaphoreType.DMA,
            pltpu.SemaphoreType.DMA,
            pltpu.SemaphoreType.DMA,
            pltpu.SemaphoreType.DMA,
            pltpu.SemaphoreType.DMA,
            pltpu.SemaphoreType.DMA,
            pltpu.SemaphoreType.DMA,
            pltpu.SemaphoreType.DMA,
            pltpu.SemaphoreType.DMA,
            pltpu.SemaphoreType.DMA,
        ],
    )
    return kern(g, src4, dst)


_ROWS = 1000


def _tc1_body(x_ref, w_ref, d_ref, g_ref, dinv_ref):
    dinv = lax.rsqrt(d_ref[...])
    h = jnp.dot(x_ref[...], w_ref[...], preferred_element_type=jnp.float32)
    g_ref[...] = dinv * h
    dinv_ref[...] = dinv


def _tc1(x, w1, degsum):
    return pl.pallas_call(
        _tc1_body,
        grid=(_N // _ROWS,),
        in_specs=[
            pl.BlockSpec((_ROWS, _D), lambda i: (i, 0)),
            pl.BlockSpec((_D, _D), lambda i: (0, 0)),
            pl.BlockSpec((_ROWS, 1), lambda i: (i, 0)),
        ],
        out_specs=[
            pl.BlockSpec((_ROWS, _D), lambda i: (i, 0)),
            pl.BlockSpec((_ROWS, 1), lambda i: (i, 0)),
        ],
        out_shape=[
            jax.ShapeDtypeStruct((_N, _D), jnp.float32),
            jax.ShapeDtypeStruct((_N, 1), jnp.float32),
        ],
    )(x, w1, degsum)


def _tc2_body(g_ref, a_ref, dinv_ref, b_ref, w_ref, g2_ref):
    dinv = dinv_ref[...]
    z = dinv * (g_ref[...] + a_ref[0] + a_ref[1]) + b_ref[...]
    z = jnp.maximum(z, 0.0)
    h2 = jnp.dot(z, w_ref[...], preferred_element_type=jnp.float32)
    g2_ref[...] = dinv * h2


def _tc2(g1, agg, dinv, b1, w2):
    return pl.pallas_call(
        _tc2_body,
        grid=(_N // _ROWS,),
        in_specs=[
            pl.BlockSpec((_ROWS, _D), lambda i: (i, 0)),
            pl.BlockSpec((_NC, _ROWS, _D), lambda i: (0, i, 0)),
            pl.BlockSpec((_ROWS, 1), lambda i: (i, 0)),
            pl.BlockSpec((1, _D), lambda i: (0, 0)),
            pl.BlockSpec((_D, _D), lambda i: (0, 0)),
        ],
        out_specs=pl.BlockSpec((_ROWS, _D), lambda i: (i, 0)),
        out_shape=jax.ShapeDtypeStruct((_N, _D), jnp.float32),
    )(g1, agg, dinv, b1, w2)


def _tc3_body(g_ref, a_ref, dinv_ref, b_ref, o_ref):
    o_ref[...] = (dinv_ref[...] * (g_ref[...] + a_ref[0] + a_ref[1])
                  + b_ref[...])


def _tc3(g2, agg, dinv, b2):
    return pl.pallas_call(
        _tc3_body,
        grid=(_N // _ROWS,),
        in_specs=[
            pl.BlockSpec((_ROWS, _D), lambda i: (i, 0)),
            pl.BlockSpec((_NC, _ROWS, _D), lambda i: (0, i, 0)),
            pl.BlockSpec((_ROWS, 1), lambda i: (i, 0)),
            pl.BlockSpec((1, _D), lambda i: (0, 0)),
        ],
        out_specs=pl.BlockSpec((_ROWS, _D), lambda i: (i, 0)),
        out_shape=jax.ShapeDtypeStruct((_N, _D), jnp.float32),
    )(g2, agg, dinv, b2)


def kernel(x, edge_index, W1, b1, W2, b2):
    ei = edge_index.astype(jnp.int32)
    dst = ei[1]
    n_e = ei.shape[1]
    src4 = ei[0]

    deg_p = _sc_degree(dst)
    degsum = (deg_p[:_N] + deg_p[_NP:_NP + _N] + 1.0).reshape(_N, 1)

    g1, dinv = _tc1(x, W1, degsum)
    agg1 = _sc_aggregate(g1, src4, dst)
    g2 = _tc2(g1, agg1, dinv, b1.reshape(1, _D), W2)
    agg2 = _sc_aggregate(g2, src4, dst)
    return _tc3(g2, agg2, dinv, b2.reshape(1, _D))

# --- scband reference (transcript-rebuilt; emitter-appended) ---
"""Pipeline reference for scband-gcn-33895881900397 (READ-ONLY COPY).

The authoritative reference and input builder live on the scoring server;
editing this copy changes nothing except your own understanding.
"""

import jax, jax.numpy as jnp
import numpy as np

N_NODES = 10000
D_IN = 128
D_HID = 128
D_OUT = 128
N_EDGES = 320000


def gcn_conv(x, edge_index, W, b, num_nodes):
    # PyG GCNConv with normalize=True, add_self_loops=True
    src = edge_index[0]
    dst = edge_index[1]
    loop = jnp.arange(num_nodes, dtype=edge_index.dtype)
    src = jnp.concatenate([src, loop])
    dst = jnp.concatenate([dst, loop])
    ew = jnp.ones(src.shape[0], dtype=x.dtype)
    deg = jnp.zeros((num_nodes,), dtype=x.dtype).at[dst].add(ew)
    dinv = jnp.where(deg > 0, deg ** -0.5, 0.0)
    norm = dinv[src] * dinv[dst] * ew
    h = x @ W  # linear transform first (no bias), as in PyG GCNConv
    msg = jnp.take(h, src, axis=0) * norm[:, None]
    out = jnp.zeros((num_nodes, W.shape[1]), dtype=h.dtype).at[dst].add(msg)
    return out + b


def setup_inputs(seed: int = 0) -> dict:
    key = jax.random.key(seed)
    k1, k2, k3, k4, k5, k6 = jax.random.split(key, 6)
    x = jax.random.normal(k1, (N_NODES, D_IN), dtype=jnp.float32)
    edge_index = jax.random.randint(k2, (2, N_EDGES), 0, N_NODES, dtype=jnp.int64)
    # glorot-style init for weights
    W1 = jax.random.normal(k3, (D_IN, D_HID), dtype=jnp.float32) * (1.0 / np.sqrt(D_IN))
    b1 = jnp.zeros((D_HID,), dtype=jnp.float32)
    W2 = jax.random.normal(k4, (D_HID, D_OUT), dtype=jnp.float32) * (1.0 / np.sqrt(D_HID))
    b2 = jnp.zeros((D_OUT,), dtype=jnp.float32)
    return {"x": x, "edge_index": edge_index, "W1": W1, "b1": b1, "W2": W2, "b2": b2}


def reference(x, edge_index, W1, b1, W2, b2):
    num_nodes = x.shape[0]
    h = gcn_conv(x, edge_index, W1, b1, num_nodes)
    h = jax.nn.relu(h)
    # dropout is identity in eval mode
    out = gcn_conv(h, edge_index, W2, b2, num_nodes)
    return out

if __name__ == "__main__":
    import jax
    _d = setup_inputs()
    print(jax.jit(kernel)(*tuple(_d.values())))

</pallas_src>

<mosaic_0001>
#map = affine_map<(d0, d1) -> (0, 0)>
#map1 = affine_map<(d0, d1) -> (0)>
#map2 = affine_map<(d0, d1) -> (0, 0, 0)>
module attributes {stable_mosaic.version = 14 : i64} {
  func.func @_agg_body(%arg0: i32, %arg1: i32, %arg2: memref<10000x128xf32, #tpu.memory_space<hbm>>, %arg3: memref<320000xi32, #tpu.memory_space<hbm>>, %arg4: memref<320000xi32, #tpu.memory_space<hbm>>, %arg5: memref<2x10000x128xf32, #tpu.memory_space<hbm>>, %arg6: memref<10000x128xf32, #tpu.memory_space<vmem_shared>>, %arg7: memref<10000xi32, #tpu.memory_space<vmem>>, %arg8: memref<80x128xf32, #tpu.memory_space<vmem>>, %arg9: memref<80x128xf32, #tpu.memory_space<vmem>>, %arg10: memref<80x128xf32, #tpu.memory_space<vmem>>, %arg11: memref<80xi32, #tpu.memory_space<vmem>>, %arg12: memref<80xi32, #tpu.memory_space<vmem>>, %arg13: memref<80xi32, #tpu.memory_space<vmem>>, %arg14: memref<!tpu.dma_semaphore, #tpu.memory_space<semaphore_mem>>, %arg15: memref<!tpu.dma_semaphore, #tpu.memory_space<semaphore_mem>>, %arg16: memref<!tpu.dma_semaphore, #tpu.memory_space<semaphore_mem>>, %arg17: memref<!tpu.dma_semaphore, #tpu.memory_space<semaphore_mem>>, %arg18: memref<!tpu.dma_semaphore, #tpu.memory_space<semaphore_mem>>, %arg19: memref<!tpu.dma_semaphore, #tpu.memory_space<semaphore_mem>>, %arg20: memref<!tpu.dma_semaphore, #tpu.memory_space<semaphore_mem>>, %arg21: memref<!tpu.dma_semaphore, #tpu.memory_space<semaphore_mem>>, %arg22: memref<!tpu.dma_semaphore, #tpu.memory_space<semaphore_mem>>, %arg23: memref<!tpu.dma_semaphore, #tpu.memory_space<semaphore_mem>>) attributes {dimension_semantics = [#tpu.dimension_semantics<core_parallel>, #tpu.dimension_semantics<subcore_parallel>], iteration_bounds = array<i64: 2, 16>, scalar_prefetch = 0 : i64, scratch_operands = 18 : i64, tpu.core_type = #tpu.core_type<sc_vector_subcore>, window_params = [{transform_indices = #map}, {transform_indices = #map1}, {transform_indices = #map1}, {transform_indices = #map2}]} {
    %mul3A = arith.constant 16 : i32
    %mul3A_0 = arith.muli %arg0, %mul3A : i32
    %add3A = arith.addi %mul3A_0, %arg1 : i32
    %mul3A_1 = arith.constant 125 : i32
    %mul3A_2 = arith.muli %add3A, %mul3A_1 : i32
    %mul3A_3 = arith.constant 80 : i32
    %mul3A_4 = arith.muli %mul3A_2, %mul3A_3 : i32
    %dma_start3A = tpu.memref_slice %arg3[%mul3A_4] : memref<320000xi32, #tpu.memory_space<hbm>> -> memref<10000xi32, #tpu.memory_space<hbm>>
    %dma_start3A_5 = tpu.memref_slice %arg3[%mul3A_4] : memref<320000xi32, #tpu.memory_space<hbm>> -> memref<10000xi32, #tpu.memory_space<hbm>>
    tpu.enqueue_dma source(%dma_start3A_5 : memref<10000xi32, #tpu.memory_space<hbm>>) target(%arg7 : memref<10000xi32, #tpu.memory_space<vmem>>) target_semaphore(%arg14 : memref<!tpu.dma_semaphore, #tpu.memory_space<semaphore_mem>>)
    %scan3A = arith.constant 0 : i32
    %scan3A_6 = arith.constant 0 : i32
    %scan3A_7 = arith.constant 80 : i32
    %scan3A_8 = arith.addi %scan3A_6, %scan3A_7 : i32
    %scan3A_9 = arith.constant 1 : i32
    %scan3A_10 = scf.for %scan3A_138 = %scan3A_6 to %scan3A_8 step %scan3A_9 iter_args(%scan3A_139 = %scan3A) -> (i32)  : i32 {
      %broadcast_in_dim3A = arith.constant 0.000000e+00 : f32
      %broadcast_in_dim3A_140 = vector.broadcast %broadcast_in_dim3A : f32 to vector<16xf32>
      %swap3A = arith.index_cast %scan3A_138 : i32 to index
      %swap3A_141 = arith.constant 0 : index
      %swap3A_142 = tpu.vector_load %arg8[%swap3A, %swap3A_141] {strides = array<i32>} : memref<80x128xf32, #tpu.memory_space<vmem>>, vector<1x16xf32>,
      %swap3A_143 = vector.shape_cast %swap3A_142 : vector<1x16xf32> to vector<16xf32>
      %swap3A_144 = vector.shape_cast %broadcast_in_dim3A_140 : vector<16xf32> to vector<1x16xf32>
      tpu.vector_store %arg8[%swap3A, %swap3A_141], %swap3A_144 {strides = array<i32>} : memref<80x128xf32, #tpu.memory_space<vmem>>, vector<1x16xf32>,
      %broadcast_in_dim3A_145 = arith.constant 0.000000e+00 : f32
      %broadcast_in_dim3A_146 = vector.broadcast %broadcast_in_dim3A_145 : f32 to vector<16xf32>
      %swap3A_147 = arith.index_cast %scan3A_138 : i32 to index
      %swap3A_148 = arith.constant 16 : index
      %swap3A_149 = tpu.vector_load %arg8[%swap3A_147, %swap3A_148] {strides = array<i32>} : memref<80x128xf32, #tpu.memory_space<vmem>>, vector<1x16xf32>,
      %swap3A_150 = vector.shape_cast %swap3A_149 : vector<1x16xf32> to vector<16xf32>
      %swap3A_151 = vector.shape_cast %broadcast_in_dim3A_146 : vector<16xf32> to vector<1x16xf32>
      tpu.vector_store %arg8[%swap3A_147, %swap3A_148], %swap3A_151 {strides = array<i32>} : memref<80x128xf32, #tpu.memory_space<vmem>>, vector<1x16xf32>,
      %broadcast_in_dim3A_152 = arith.constant 0.000000e+00 : f32
      %broadcast_in_dim3A_153 = vector.broadcast %broadcast_in_dim3A_152 : f32 to vector<16xf32>
      %swap3A_154 = arith.index_cast %scan3A_138 : i32 to index
      %swap3A_155 = arith.constant 32 : index
      %swap3A_156 = tpu.vector_load %arg8[%swap3A_154, %swap3A_155] {strides = array<i32>} : memref<80x128xf32, #tpu.memory_space<vmem>>, vector<1x16xf32>,
      %swap3A_157 = vector.shape_cast %swap3A_156 : vector<1x16xf32> to vector<16xf32>
      %swap3A_158 = vector.shape_cast %broadcast_in_dim3A_153 : vector<16xf32> to vector<1x16xf32>
      tpu.vector_store %arg8[%swap3A_154, %swap3A_155], %swap3A_158 {strides = array<i32>} : memref<80x128xf32, #tpu.memory_space<vmem>>, vector<1x16xf32>,
      %broadcast_in_dim3A_159 = arith.constant 0.000000e+00 : f32
      %broadcast_in_dim3A_160 = vector.broadcast %broadcast_in_dim3A_159 : f32 to vector<16xf32>
      %swap3A_161 = arith.index_cast %scan3A_138 : i32 to index
      %swap3A_162 = arith.constant 48 : index
      %swap3A_163 = tpu.vector_load %arg8[%swap3A_161, %swap3A_162] {strides = array<i32>} : memref<80x128xf32, #tpu.memory_space<vmem>>, vector<1x16xf32>,
      %swap3A_164 = vector.shape_cast %swap3A_163 : vector<1x16xf32> to vector<16xf32>
      %swap3A_165 = vector.shape_cast %broadcast_in_dim3A_160 : vector<16xf32> to vector<1x16xf32>
      tpu.vector_store %arg8[%swap3A_161, %swap3A_162], %swap3A_165 {strides = array<i32>} : memref<80x128xf32, #tpu.memory_space<vmem>>, vector<1x16xf32>,
      %broadcast_in_dim3A_166 = arith.constant 0.000000e+00 : f32
      %broadcast_in_dim3A_167 = vector.broadcast %broadcast_in_dim3A_166 : f32 to vector<16xf32>
      %swap3A_168 = arith.index_cast %scan3A_138 : i32 to index
      %swap3A_169 = arith.constant 64 : index
      %swap3A_170 = tpu.vector_load %arg8[%swap3A_168, %swap3A_169] {strides = array<i32>} : memref<80x128xf32, #tpu.memory_space<vmem>>, vector<1x16xf32>,
      %swap3A_171 = vector.shape_cast %swap3A_170 : vector<1x16xf32> to vector<16xf32>
      %swap3A_172 = vector.shape_cast %broadcast_in_dim3A_167 : vector<16xf32> to vector<1x16xf32>
      tpu.vector_store %arg8[%swap3A_168, %swap3A_169], %swap3A_172 {strides = array<i32>} : memref<80x128xf32, #tpu.memory_space<vmem>>, vector<1x16xf32>,
      %broadcast_in_dim3A_173 = arith.constant 0.000000e+00 : f32
      %broadcast_in_dim3A_174 = vector.broadcast %broadcast_in_dim3A_173 : f32 to vector<16xf32>
      %swap3A_175 = arith.index_cast %scan3A_138 : i32 to index
      %swap3A_176 = arith.constant 80 : index
      %swap3A_177 = tpu.vector_load %arg8[%swap3A_175, %swap3A_176] {strides = array<i32>} : memref<80x128xf32, #tpu.memory_space<vmem>>, vector<1x16xf32>,
      %swap3A_178 = vector.shape_cast %swap3A_177 : vector<1x16xf32> to vector<16xf32>
      %swap3A_179 = vector.shape_cast %broadcast_in_dim3A_174 : vector<16xf32> to vector<1x16xf32>
      tpu.vector_store %arg8[%swap3A_175, %swap3A_176], %swap3A_179 {strides = array<i32>} : memref<80x128xf32, #tpu.memory_space<vmem>>, vector<1x16xf32>,
      %broadcast_in_dim3A_180 = arith.constant 0.000000e+00 : f32
      %broadcast_in_dim3A_181 = vector.broadcast %broadcast_in_dim3A_180 : f32 to vector<16xf32>
      %swap3A_182 = arith.index_cast %scan3A_138 : i32 to index
      %swap3A_183 = arith.constant 96 : index
      %swap3A_184 = tpu.vector_load %arg8[%swap3A_182, %swap3A_183] {strides = array<i32>} : memref<80x128xf32, #tpu.memory_space<vmem>>, vector<1x16xf32>,
      %swap3A_185 = vector.shape_cast %swap3A_184 : vector<1x16xf32> to vector<16xf32>
      %swap3A_186 = vector.shape_cast %broadcast_in_dim3A_181 : vector<16xf32> to vector<1x16xf32>
      tpu.vector_store %arg8[%swap3A_182, %swap3A_183], %swap3A_186 {strides = array<i32>} : memref<80x128xf32, #tpu.memory_space<vmem>>, vector<1x16xf32>,
      %broadcast_in_dim3A_187 = arith.constant 0.000000e+00 : f32
      %broadcast_in_dim3A_188 = vector.broadcast %broadcast_in_dim3A_187 : f32 to vector<16xf32>
      %swap3A_189 = arith.index_cast %scan3A_138 : i32 to index
      %swap3A_190 = arith.constant 112 : index
      %swap3A_191 = tpu.vector_load %arg8[%swap3A_189, %swap3A_190] {strides = array<i32>} : memref<80x128xf32, #tpu.memory_space<vmem>>, vector<1x16xf32>,
      %swap3A_192 = vector.shape_cast %swap3A_191 : vector<1x16xf32> to vector<16xf32>
      %swap3A_193 = vector.shape_cast %broadcast_in_dim3A_188 : vector<16xf32> to vector<1x16xf32>
      tpu.vector_store %arg8[%swap3A_189, %swap3A_190], %swap3A_193 {strides = array<i32>} : memref<80x128xf32, #tpu.memory_space<vmem>>, vector<1x16xf32>,
      %scan3A_194 = arith.constant 0 : i32
      scf.yield %scan3A_194 : i32
    }
    %scan3A_11 = arith.constant 80 : i32
    %lt3A = arith.constant 10 : i32
    %lt3A_12 = arith.cmpi slt, %arg1, %lt3A : i32
    %convert_element_type3A = arith.extui %lt3A_12 : i1 to i32
    %cond3A = arith.constant 0 : i32
    %cond3A_13 = arith.cmpi ne, %convert_element_type3A, %cond3A : i32
    scf.if %cond3A_13 {
      %mul3A_138 = arith.constant 1000 : i32
      %mul3A_139 = arith.muli %arg1, %mul3A_138 : i32
      %add3A_140 = arith.constant 0 : i32
      %add3A_141 = arith.addi %mul3A_139, %add3A_140 : i32
      "tpu.region"() ({
        %run_scoped3A = tpu.sem_alloc : memref<!tpu.dma_semaphore, #tpu.memory_space<semaphore_mem>>
        %dma_start3A_190 = arith.constant 0 : i32
        %dma_start3A_191 = tpu.memref_slice %arg6[%add3A_141, %dma_start3A_190] : memref<10000x128xf32, #tpu.memory_space<vmem_shared>> -> memref<80x128xf32, #tpu.memory_space<vmem_shared>>
        %dma_start3A_192 = arith.constant 0 : i32
        %dma_start3A_193 = tpu.memref_slice %arg6[%add3A_141, %dma_start3A_192] : memref<10000x128xf32, #tpu.memory_space<vmem_shared>> -> memref<80x128xf32, #tpu.memory_space<vmem_shared>>
        tpu.enqueue_dma source(%arg8 : memref<80x128xf32, #tpu.memory_space<vmem>>) target(%dma_start3A_193 : memref<80x128xf32, #tpu.memory_space<vmem_shared>>) target_semaphore(%run_scoped3A : memref<!tpu.dma_semaphore, #tpu.memory_space<semaphore_mem>>)
        %dma_wait3A_194 = arith.constant 0 : i32
        %dma_wait3A_195 = tpu.memref_slice %arg6[%add3A_141, %dma_wait3A_194] : memref<10000x128xf32, #tpu.memory_space<vmem_shared>> -> memref<80x128xf32, #tpu.memory_space<vmem_shared>>
        %dma_wait3A_196 = arith.constant 0 : i32
        %dma_wait3A_197 = tpu.memref_slice %arg6[%add3A_141, %dma_wait3A_196] : memref<10000x128xf32, #tpu.memory_space<vmem_shared>> -> memref<80x128xf32, #tpu.memory_space<vmem_shared>>
        tpu.wait_dma2 semaphore(%run_scoped3A : memref<!tpu.dma_semaphore, #tpu.memory_space<semaphore_mem>>) src(%arg8 : memref<80x128xf32, #tpu.memory_space<vmem>>) dst(%dma_wait3A_197 : memref<80x128xf32, #tpu.memory_space<vmem_shared>>)
        tpu.yield
      }) : () -> ()
      %mul3A_142 = arith.constant 1000 : i32
      %mul3A_143 = arith.muli %arg1, %mul3A_142 : i32
      %add3A_144 = arith.constant 80 : i32
      %add3A_145 = arith.addi %mul3A_143, %add3A_144 : i32
      "tpu.region"() ({
        %run_scoped3A = tpu.sem_alloc : memref<!tpu.dma_semaphore, #tpu.memory_space<semaphore_mem>>
        %dma_start3A_190 = arith.constant 0 : i32
        %dma_start3A_191 = tpu.memref_slice %arg6[%add3A_145, %dma_start3A_190] : memref<10000x128xf32, #tpu.memory_space<vmem_shared>> -> memref<80x128xf32, #tpu.memory_space<vmem_shared>>
        %dma_start3A_192 = arith.constant 0 : i32
        %dma_start3A_193 = tpu.memref_slice %arg6[%add3A_145, %dma_start3A_192] : memref<10000x128xf32, #tpu.memory_space<vmem_shared>> -> memref<80x128xf32, #tpu.memory_space<vmem_shared>>
        tpu.enqueue_dma source(%arg8 : memref<80x128xf32, #tpu.memory_space<vmem>>) target(%dma_start3A_193 : memref<80x128xf32, #tpu.memory_space<vmem_shared>>) target_semaphore(%run_scoped3A : memref<!tpu.dma_semaphore, #tpu.memory_space<semaphore_mem>>)
        %dma_wait3A_194 = arith.constant 0 : i32
        %dma_wait3A_195 = tpu.memref_slice %arg6[%add3A_145, %dma_wait3A_194] : memref<10000x128xf32, #tpu.memory_space<vmem_shared>> -> memref<80x128xf32, #tpu.memory_space<vmem_shared>>
        %dma_wait3A_196 = arith.constant 0 : i32
        %dma_wait3A_197 = tpu.memref_slice %arg6[%add3A_145, %dma_wait3A_196] : memref<10000x128xf32, #tpu.memory_space<vmem_shared>> -> memref<80x128xf32, #tpu.memory_space<vmem_shared>>
        tpu.wait_dma2 semaphore(%run_scoped3A : memref<!tpu.dma_semaphore, #tpu.memory_space<semaphore_mem>>) src(%arg8 : memref<80x128xf32, #tpu.memory_space<vmem>>) dst(%dma_wait3A_197 : memref<80x128xf32, #tpu.memory_space<vmem_shared>>)
        tpu.yield
      }) : () -> ()
      %mul3A_146 = arith.constant 1000 : i32
      %mul3A_147 = arith.muli %arg1, %mul3A_146 : i32
      %add3A_148 = arith.constant 160 : i32
      %add3A_149 = arith.addi %mul3A_147, %add3A_148 : i32
      "tpu.region"() ({
        %run_scoped3A = tpu.sem_alloc : memref<!tpu.dma_semaphore, #tpu.memory_space<semaphore_mem>>
        %dma_start3A_190 = arith.constant 0 : i32
        %dma_start3A_191 = tpu.memref_slice %arg6[%add3A_149, %dma_start3A_190] : memref<10000x128xf32, #tpu.memory_space<vmem_shared>> -> memref<80x128xf32, #tpu.memory_space<vmem_shared>>
        %dma_start3A_192 = arith.constant 0 : i32
        %dma_start3A_193 = tpu.memref_slice %arg6[%add3A_149, %dma_start3A_192] : memref<10000x128xf32, #tpu.memory_space<vmem_shared>> -> memref<80x128xf32, #tpu.memory_space<vmem_shared>>
        tpu.enqueue_dma source(%arg8 : memref<80x128xf32, #tpu.memory_space<vmem>>) target(%dma_start3A_193 : memref<80x128xf32, #tpu.memory_space<vmem_shared>>) target_semaphore(%run_scoped3A : memref<!tpu.dma_semaphore, #tpu.memory_space<semaphore_mem>>)
        %dma_wait3A_194 = arith.constant 0 : i32
        %dma_wait3A_195 = tpu.memref_slice %arg6[%add3A_149, %dma_wait3A_194] : memref<10000x128xf32, #tpu.memory_space<vmem_shared>> -> memref<80x128xf32, #tpu.memory_space<vmem_shared>>
        %dma_wait3A_196 = arith.constant 0 : i32
        %dma_wait3A_197 = tpu.memref_slice %arg6[%add3A_149, %dma_wait3A_196] : memref<10000x128xf32, #tpu.memory_space<vmem_shared>> -> memref<80x128xf32, #tpu.memory_space<vmem_shared>>
        tpu.wait_dma2 semaphore(%run_scoped3A : memref<!tpu.dma_semaphore, #tpu.memory_space<semaphore_mem>>) src(%arg8 : memref<80x128xf32, #tpu.memory_space<vmem>>) dst(%dma_wait3A_197 : memref<80x128xf32, #tpu.memory_space<vmem_shared>>)
        tpu.yield
      }) : () -> ()
      %mul3A_150 = arith.constant 1000 : i32
      %mul3A_151 = arith.muli %arg1, %mul3A_150 : i32
      %add3A_152 = arith.constant 240 : i32
      %add3A_153 = arith.addi %mul3A_151, %add3A_152 : i32
      "tpu.region"() ({
        %run_scoped3A = tpu.sem_alloc : memref<!tpu.dma_semaphore, #tpu.memory_space<semaphore_mem>>
        %dma_start3A_190 = arith.constant 0 : i32
        %dma_start3A_191 = tpu.memref_slice %arg6[%add3A_153, %dma_start3A_190] : memref<10000x128xf32, #tpu.memory_space<vmem_shared>> -> memref<80x128xf32, #tpu.memory_space<vmem_shared>>
        %dma_start3A_192 = arith.constant 0 : i32
        %dma_start3A_193 = tpu.memref_slice %arg6[%add3A_153, %dma_start3A_192] : memref<10000x128xf32, #tpu.memory_space<vmem_shared>> -> memref<80x128xf32, #tpu.memory_space<vmem_shared>>
        tpu.enqueue_dma source(%arg8 : memref<80x128xf32, #tpu.memory_space<vmem>>) target(%dma_start3A_193 : memref<80x128xf32, #tpu.memory_space<vmem_shared>>) target_semaphore(%run_scoped3A : memref<!tpu.dma_semaphore, #tpu.memory_space<semaphore_mem>>)
        %dma_wait3A_194 = arith.constant 0 : i32
        %dma_wait3A_195 = tpu.memref_slice %arg6[%add3A_153, %dma_wait3A_194] : memref<10000x128xf32, #tpu.memory_space<vmem_shared>> -> memref<80x128xf32, #tpu.memory_space<vmem_shared>>
        %dma_wait3A_196 = arith.constant 0 : i32
        %dma_wait3A_197 = tpu.memref_slice %arg6[%add3A_153, %dma_wait3A_196] : memref<10000x128xf32, #tpu.memory_space<vmem_shared>> -> memref<80x128xf32, #tpu.memory_space<vmem_shared>>
        tpu.wait_dma2 semaphore(%run_scoped3A : memref<!tpu.dma_semaphore, #tpu.memory_space<semaphore_mem>>) src(%arg8 : memref<80x128xf32, #tpu.memory_space<vmem>>) dst(%dma_wait3A_197 : memref<80x128xf32, #tpu.memory_space<vmem_shared>>)
        tpu.yield
      }) : () -> ()
      %mul3A_154 = arith.constant 1000 : i32
      %mul3A_155 = arith.muli %arg1, %mul3A_154 : i32
      %add3A_156 = arith.constant 320 : i32
      %add3A_157 = arith.addi %mul3A_155, %add3A_156 : i32
      "tpu.region"() ({
        %run_scoped3A = tpu.sem_alloc : memref<!tpu.dma_semaphore, #tpu.memory_space<semaphore_mem>>
        %dma_start3A_190 = arith.constant 0 : i32
        %dma_start3A_191 = tpu.memref_slice %arg6[%add3A_157, %dma_start3A_190] : memref<10000x128xf32, #tpu.memory_space<vmem_shared>> -> memref<80x128xf32, #tpu.memory_space<vmem_shared>>
        %dma_start3A_192 = arith.constant 0 : i32
        %dma_start3A_193 = tpu.memref_slice %arg6[%add3A_157, %dma_start3A_192] : memref<10000x128xf32, #tpu.memory_space<vmem_shared>> -> memref<80x128xf32, #tpu.memory_space<vmem_shared>>
        tpu.enqueue_dma source(%arg8 : memref<80x128xf32, #tpu.memory_space<vmem>>) target(%dma_start3A_193 : memref<80x128xf32, #tpu.memory_space<vmem_shared>>) target_semaphore(%run_scoped3A : memref<!tpu.dma_semaphore, #tpu.memory_space<semaphore_mem>>)
        %dma_wait3A_194 = arith.constant 0 : i32
        %dma_wait3A_195 = tpu.memref_slice %arg6[%add3A_157, %dma_wait3A_194] : memref<10000x128xf32, #tpu.memory_space<vmem_shared>> -> memref<80x128xf32, #tpu.memory_space<vmem_shared>>
        %dma_wait3A_196 = arith.constant 0 : i32
        %dma_wait3A_197 = tpu.memref_slice %arg6[%add3A_157, %dma_wait3A_196] : memref<10000x128xf32, #tpu.memory_space<vmem_shared>> -> memref<80x128xf32, #tpu.memory_space<vmem_shared>>
        tpu.wait_dma2 semaphore(%run_scoped3A : memref<!tpu.dma_semaphore, #tpu.memory_space<semaphore_mem>>) src(%arg8 : memref<80x128xf32, #tpu.memory_space<vmem>>) dst(%dma_wait3A_197 : memref<80x128xf32, #tpu.memory_space<vmem_shared>>)
        tpu.yield
      }) : () -> ()
      %mul3A_158 = arith.constant 1000 : i32
      %mul3A_159 = arith.muli %arg1, %mul3A_158 : i32
      %add3A_160 = arith.constant 400 : i32
      %add3A_161 = arith.addi %mul3A_159, %add3A_160 : i32
      "tpu.region"() ({
        %run_scoped3A = tpu.sem_alloc : memref<!tpu.dma_semaphore, #tpu.memory_space<semaphore_mem>>
        %dma_start3A_190 = arith.constant 0 : i32
        %dma_start3A_191 = tpu.memref_slice %arg6[%add3A_161, %dma_start3A_190] : memref<10000x128xf32, #tpu.memory_space<vmem_shared>> -> memref<80x128xf32, #tpu.memory_space<vmem_shared>>
        %dma_start3A_192 = arith.constant 0 : i32
        %dma_start3A_193 = tpu.memref_slice %arg6[%add3A_161, %dma_start3A_192] : memref<10000x128xf32, #tpu.memory_space<vmem_shared>> -> memref<80x128xf32, #tpu.memory_space<vmem_shared>>
        tpu.enqueue_dma source(%arg8 : memref<80x128xf32, #tpu.memory_space<vmem>>) target(%dma_start3A_193 : memref<80x128xf32, #tpu.memory_space<vmem_shared>>) target_semaphore(%run_scoped3A : memref<!tpu.dma_semaphore, #tpu.memory_space<semaphore_mem>>)
        %dma_wait3A_194 = arith.constant 0 : i32
        %dma_wait3A_195 = tpu.memref_slice %arg6[%add3A_161, %dma_wait3A_194] : memref<10000x128xf32, #tpu.memory_space<vmem_shared>> -> memref<80x128xf32, #tpu.memory_space<vmem_shared>>
        %dma_wait3A_196 = arith.constant 0 : i32
        %dma_wait3A_197 = tpu.memref_slice %arg6[%add3A_161, %dma_wait3A_196] : memref<10000x128xf32, #tpu.memory_space<vmem_shared>> -> memref<80x128xf32, #tpu.memory_space<vmem_shared>>
        tpu.wait_dma2 semaphore(%run_scoped3A : memref<!tpu.dma_semaphore, #tpu.memory_space<semaphore_mem>>) src(%arg8 : memref<80x128xf32, #tpu.memory_space<vmem>>) dst(%dma_wait3A_197 : memref<80x128xf32, #tpu.memory_space<vmem_shared>>)
        tpu.yield
      }) : () -> ()
      %mul3A_162 = arith.constant 1000 : i32
      %mul3A_163 = arith.muli %arg1, %mul3A_162 : i32
      %add3A_164 = arith.constant 480 : i32
      %add3A_165 = arith.addi %mul3A_163, %add3A_164 : i32
      "tpu.region"() ({
        %run_scoped3A = tpu.sem_alloc : memref<!tpu.dma_semaphore, #tpu.memory_space<semaphore_mem>>
        %dma_start3A_190 = arith.constant 0 : i32
        %dma_start3A_191 = tpu.memref_slice %arg6[%add3A_165, %dma_start3A_190] : memref<10000x128xf32, #tpu.memory_space<vmem_shared>> -> memref<80x128xf32, #tpu.memory_space<vmem_shared>>
        %dma_start3A_192 = arith.constant 0 : i32
        %dma_start3A_193 = tpu.memref_slice %arg6[%add3A_165, %dma_start3A_192] : memref<10000x128xf32, #tpu.memory_space<vmem_shared>> -> memref<80x128xf32, #tpu.memory_space<vmem_shared>>
        tpu.enqueue_dma source(%arg8 : memref<80x128xf32, #tpu.memory_space<vmem>>) target(%dma_start3A_193 : memref<80x128xf32, #tpu.memory_space<vmem_shared>>) target_semaphore(%run_scoped3A : memref<!tpu.dma_semaphore, #tpu.memory_space<semaphore_mem>>)
        %dma_wait3A_194 = arith.constant 0 : i32
        %dma_wait3A_195 = tpu.memref_slice %arg6[%add3A_165, %dma_wait3A_194] : memref<10000x128xf32, #tpu.memory_space<vmem_shared>> -> memref<80x128xf32, #tpu.memory_space<vmem_shared>>
        %dma_wait3A_196 = arith.constant 0 : i32
        %dma_wait3A_197 = tpu.memref_slice %arg6[%add3A_165, %dma_wait3A_196] : memref<10000x128xf32, #tpu.memory_space<vmem_shared>> -> memref<80x128xf32, #tpu.memory_space<vmem_shared>>
        tpu.wait_dma2 semaphore(%run_scoped3A : memref<!tpu.dma_semaphore, #tpu.memory_space<semaphore_mem>>) src(%arg8 : memref<80x128xf32, #tpu.memory_space<vmem>>) dst(%dma_wait3A_197 : memref<80x128xf32, #tpu.memory_space<vmem_shared>>)
        tpu.yield
      }) : () -> ()
      %mul3A_166 = arith.constant 1000 : i32
      %mul3A_167 = arith.muli %arg1, %mul3A_166 : i32
      %add3A_168 = arith.constant 560 : i32
      %add3A_169 = arith.addi %mul3A_167, %add3A_168 : i32
      "tpu.region"() ({
        %run_scoped3A = tpu.sem_alloc : memref<!tpu.dma_semaphore, #tpu.memory_space<semaphore_mem>>
        %dma_start3A_190 = arith.constant 0 : i32
        %dma_start3A_191 = tpu.memref_slice %arg6[%add3A_169, %dma_start3A_190] : memref<10000x128xf32, #tpu.memory_space<vmem_shared>> -> memref<80x128xf32, #tpu.memory_space<vmem_shared>>
        %dma_start3A_192 = arith.constant 0 : i32
        %dma_start3A_193 = tpu.memref_slice %arg6[%add3A_169, %dma_start3A_192] : memref<10000x128xf32, #tpu.memory_space<vmem_shared>> -> memref<80x128xf32, #tpu.memory_space<vmem_shared>>
        tpu.enqueue_dma source(%arg8 : memref<80x128xf32, #tpu.memory_space<vmem>>) target(%dma_start3A_193 : memref<80x128xf32, #tpu.memory_space<vmem_shared>>) target_semaphore(%run_scoped3A : memref<!tpu.dma_semaphore, #tpu.memory_space<semaphore_mem>>)
        %dma_wait3A_194 = arith.constant 0 : i32
        %dma_wait3A_195 = tpu.memref_slice %arg6[%add3A_169, %dma_wait3A_194] : memref<10000x128xf32, #tpu.memory_space<vmem_shared>> -> memref<80x128xf32, #tpu.memory_space<vmem_shared>>
        %dma_wait3A_196 = arith.constant 0 : i32
        %dma_wait3A_197 = tpu.memref_slice %arg6[%add3A_169, %dma_wait3A_196] : memref<10000x128xf32, #tpu.memory_space<vmem_shared>> -> memref<80x128xf32, #tpu.memory_space<vmem_shared>>
        tpu.wait_dma2 semaphore(%run_scoped3A : memref<!tpu.dma_semaphore, #tpu.memory_space<semaphore_mem>>) src(%arg8 : memref<80x128xf32, #tpu.memory_space<vmem>>) dst(%dma_wait3A_197 : memref<80x128xf32, #tpu.memory_space<vmem_shared>>)
        tpu.yield
      }) : () -> ()
      %mul3A_170 = arith.constant 1000 : i32
      %mul3A_171 = arith.muli %arg1, %mul3A_170 : i32
      %add3A_172 = arith.constant 640 : i32
      %add3A_173 = arith.addi %mul3A_171, %add3A_172 : i32
      "tpu.region"() ({
        %run_scoped3A = tpu.sem_alloc : memref<!tpu.dma_semaphore, #tpu.memory_space<semaphore_mem>>
        %dma_start3A_190 = arith.constant 0 : i32
        %dma_start3A_191 = tpu.memref_slice %arg6[%add3A_173, %dma_start3A_190] : memref<10000x128xf32, #tpu.memory_space<vmem_shared>> -> memref<80x128xf32, #tpu.memory_space<vmem_shared>>
        %dma_start3A_192 = arith.constant 0 : i32
        %dma_start3A_193 = tpu.memref_slice %arg6[%add3A_173, %dma_start3A_192] : memref<10000x128xf32, #tpu.memory_space<vmem_shared>> -> memref<80x128xf32, #tpu.memory_space<vmem_shared>>
        tpu.enqueue_dma source(%arg8 : memref<80x128xf32, #tpu.memory_space<vmem>>) target(%dma_start3A_193 : memref<80x128xf32, #tpu.memory_space<vmem_shared>>) target_semaphore(%run_scoped3A : memref<!tpu.dma_semaphore, #tpu.memory_space<semaphore_mem>>)
        %dma_wait3A_194 = arith.constant 0 : i32
        %dma_wait3A_195 = tpu.memref_slice %arg6[%add3A_173, %dma_wait3A_194] : memref<10000x128xf32, #tpu.memory_space<vmem_shared>> -> memref<80x128xf32, #tpu.memory_space<vmem_shared>>
        %dma_wait3A_196 = arith.constant 0 : i32
        %dma_wait3A_197 = tpu.memref_slice %arg6[%add3A_173, %dma_wait3A_196] : memref<10000x128xf32, #tpu.memory_space<vmem_shared>> -> memref<80x128xf32, #tpu.memory_space<vmem_shared>>
        tpu.wait_dma2 semaphore(%run_scoped3A : memref<!tpu.dma_semaphore, #tpu.memory_space<semaphore_mem>>) src(%arg8 : memref<80x128xf32, #tpu.memory_space<vmem>>) dst(%dma_wait3A_197 : memref<80x128xf32, #tpu.memory_space<vmem_shared>>)
        tpu.yield
      }) : () -> ()
      %mul3A_174 = arith.constant 1000 : i32
      %mul3A_175 = arith.muli %arg1, %mul3A_174 : i32
      %add3A_176 = arith.constant 720 : i32
      %add3A_177 = arith.addi %mul3A_175, %add3A_176 : i32
      "tpu.region"() ({
        %run_scoped3A = tpu.sem_alloc : memref<!tpu.dma_semaphore, #tpu.memory_space<semaphore_mem>>
        %dma_start3A_190 = arith.constant 0 : i32
        %dma_start3A_191 = tpu.memref_slice %arg6[%add3A_177, %dma_start3A_190] : memref<10000x128xf32, #tpu.memory_space<vmem_shared>> -> memref<80x128xf32, #tpu.memory_space<vmem_shared>>
        %dma_start3A_192 = arith.constant 0 : i32
        %dma_start3A_193 = tpu.memref_slice %arg6[%add3A_177, %dma_start3A_192] : memref<10000x128xf32, #tpu.memory_space<vmem_shared>> -> memref<80x128xf32, #tpu.memory_space<vmem_shared>>
        tpu.enqueue_dma source(%arg8 : memref<80x128xf32, #tpu.memory_space<vmem>>) target(%dma_start3A_193 : memref<80x128xf32, #tpu.memory_space<vmem_shared>>) target_semaphore(%run_scoped3A : memref<!tpu.dma_semaphore, #tpu.memory_space<semaphore_mem>>)
        %dma_wait3A_194 = arith.constant 0 : i32
        %dma_wait3A_195 = tpu.memref_slice %arg6[%add3A_177, %dma_wait3A_194] : memref<10000x128xf32, #tpu.memory_space<vmem_shared>> -> memref<80x128xf32, #tpu.memory_space<vmem_shared>>
        %dma_wait3A_196 = arith.constant 0 : i32
        %dma_wait3A_197 = tpu.memref_slice %arg6[%add3A_177, %dma_wait3A_196] : memref<10000x128xf32, #tpu.memory_space<vmem_shared>> -> memref<80x128xf32, #tpu.memory_space<vmem_shared>>
        tpu.wait_dma2 semaphore(%run_scoped3A : memref<!tpu.dma_semaphore, #tpu.memory_space<semaphore_mem>>) src(%arg8 : memref<80x128xf32, #tpu.memory_space<vmem>>) dst(%dma_wait3A_197 : memref<80x128xf32, #tpu.memory_space<vmem_shared>>)
        tpu.yield
      }) : () -> ()
      %mul3A_178 = arith.constant 1000 : i32
      %mul3A_179 = arith.muli %arg1, %mul3A_178 : i32
      %add3A_180 = arith.constant 800 : i32
      %add3A_181 = arith.addi %mul3A_179, %add3A_180 : i32
      "tpu.region"() ({
        %run_scoped3A = tpu.sem_alloc : memref<!tpu.dma_semaphore, #tpu.memory_space<semaphore_mem>>
        %dma_start3A_190 = arith.constant 0 : i32
        %dma_start3A_191 = tpu.memref_slice %arg6[%add3A_181, %dma_start3A_190] : memref<10000x128xf32, #tpu.memory_space<vmem_shared>> -> memref<80x128xf32, #tpu.memory_space<vmem_shared>>
        %dma_start3A_192 = arith.constant 0 : i32
        %dma_start3A_193 = tpu.memref_slice %arg6[%add3A_181, %dma_start3A_192] : memref<10000x128xf32, #tpu.memory_space<vmem_shared>> -> memref<80x128xf32, #tpu.memory_space<vmem_shared>>
        tpu.enqueue_dma source(%arg8 : memref<80x128xf32, #tpu.memory_space<vmem>>) target(%dma_start3A_193 : memref<80x128xf32, #tpu.memory_space<vmem_shared>>) target_semaphore(%run_scoped3A : memref<!tpu.dma_semaphore, #tpu.memory_space<semaphore_mem>>)
        %dma_wait3A_194 = arith.constant 0 : i32
        %dma_wait3A_195 = tpu.memref_slice %arg6[%add3A_181, %dma_wait3A_194] : memref<10000x128xf32, #tpu.memory_space<vmem_shared>> -> memref<80x128xf32, #tpu.memory_space<vmem_shared>>
        %dma_wait3A_196 = arith.constant 0 : i32
        %dma_wait3A_197 = tpu.memref_slice %arg6[%add3A_181, %dma_wait3A_196] : memref<10000x128xf32, #tpu.memory_space<vmem_shared>> -> memref<80x128xf32, #tpu.memory_space<vmem_shared>>
        tpu.wait_dma2 semaphore(%run_scoped3A : memref<!tpu.dma_semaphore, #tpu.memory_space<semaphore_mem>>) src(%arg8 : memref<80x128xf32, #tpu.memory_space<vmem>>) dst(%dma_wait3A_197 : memref<80x128xf32, #tpu.memory_space<vmem_shared>>)
        tpu.yield
      }) : () -> ()
      %mul3A_182 = arith.constant 1000 : i32
      %mul3A_183 = arith.muli %arg1, %mul3A_182 : i32
      %add3A_184 = arith.constant 880 : i32
      %add3A_185 = arith.addi %mul3A_183, %add3A_184 : i32
      "tpu.region"() ({
        %run_scoped3A = tpu.sem_alloc : memref<!tpu.dma_semaphore, #tpu.memory_space<semaphore_mem>>
        %dma_start3A_190 = arith.constant 0 : i32
        %dma_start3A_191 = tpu.memref_slice %arg6[%add3A_185, %dma_start3A_190] : memref<10000x128xf32, #tpu.memory_space<vmem_shared>> -> memref<80x128xf32, #tpu.memory_space<vmem_shared>>
        %dma_start3A_192 = arith.constant 0 : i32
        %dma_start3A_193 = tpu.memref_slice %arg6[%add3A_185, %dma_start3A_192] : memref<10000x128xf32, #tpu.memory_space<vmem_shared>> -> memref<80x128xf32, #tpu.memory_space<vmem_shared>>
        tpu.enqueue_dma source(%arg8 : memref<80x128xf32, #tpu.memory_space<vmem>>) target(%dma_start3A_193 : memref<80x128xf32, #tpu.memory_space<vmem_shared>>) target_semaphore(%run_scoped3A : memref<!tpu.dma_semaphore, #tpu.memory_space<semaphore_mem>>)
        %dma_wait3A_194 = arith.constant 0 : i32
        %dma_wait3A_195 = tpu.memref_slice %arg6[%add3A_185, %dma_wait3A_194] : memref<10000x128xf32, #tpu.memory_space<vmem_shared>> -> memref<80x128xf32, #tpu.memory_space<vmem_shared>>
        %dma_wait3A_196 = arith.constant 0 : i32
        %dma_wait3A_197 = tpu.memref_slice %arg6[%add3A_185, %dma_wait3A_196] : memref<10000x128xf32, #tpu.memory_space<vmem_shared>> -> memref<80x128xf32, #tpu.memory_space<vmem_shared>>
        tpu.wait_dma2 semaphore(%run_scoped3A : memref<!tpu.dma_semaphore, #tpu.memory_space<semaphore_mem>>) src(%arg8 : memref<80x128xf32, #tpu.memory_space<vmem>>) dst(%dma_wait3A_197 : memref<80x128xf32, #tpu.memory_space<vmem_shared>>)
        tpu.yield
      }) : () -> ()
      %mul3A_186 = arith.constant 1000 : i32
      %mul3A_187 = arith.muli %arg1, %mul3A_186 : i32
      %add3A_188 = arith.constant 960 : i32
      %add3A_189 = arith.addi %mul3A_187, %add3A_188 : i32
      "tpu.region"() ({
        %run_scoped3A = tpu.sem_alloc : memref<!tpu.dma_semaphore, #tpu.memory_space<semaphore_mem>>
        %dma_start3A_190 = arith.constant 0 : i32
        %dma_start3A_191 = arith.constant 0 : i32
        %dma_start3A_192 = tpu.memref_slice %arg8[%dma_start3A_190, %dma_start3A_191] : memref<80x128xf32, #tpu.memory_space<vmem>> -> memref<40x128xf32, #tpu.memory_space<vmem>>
        %dma_start3A_193 = arith.constant 0 : i32
        %dma_start3A_194 = tpu.memref_slice %arg6[%add3A_189, %dma_start3A_193] : memref<10000x128xf32, #tpu.memory_space<vmem_shared>> -> memref<40x128xf32, #tpu.memory_space<vmem_shared>>
        %dma_start3A_195 = arith.constant 0 : i32
        %dma_start3A_196 = tpu.memref_slice %arg6[%add3A_189, %dma_start3A_195] : memref<10000x128xf32, #tpu.memory_space<vmem_shared>> -> memref<40x128xf32, #tpu.memory_space<vmem_shared>>
        %dma_start3A_197 = arith.constant 0 : i32
        %dma_start3A_198 = arith.constant 0 : i32
        %dma_start3A_199 = tpu.memref_slice %arg8[%dma_start3A_197, %dma_start3A_198] : memref<80x128xf32, #tpu.memory_space<vmem>> -> memref<40x128xf32, #tpu.memory_space<vmem>>
        tpu.enqueue_dma source(%dma_start3A_199 : memref<40x128xf32, #tpu.memory_space<vmem>>) target(%dma_start3A_196 : memref<40x128xf32, #tpu.memory_space<vmem_shared>>) target_semaphore(%run_scoped3A : memref<!tpu.dma_semaphore, #tpu.memory_space<semaphore_mem>>)
        %dma_wait3A_200 = arith.constant 0 : i32
        %dma_wait3A_201 = arith.constant 0 : i32
        %dma_wait3A_202 = tpu.memref_slice %arg8[%dma_wait3A_200, %dma_wait3A_201] : memref<80x128xf32, #tpu.memory_space<vmem>> -> memref<40x128xf32, #tpu.memory_space<vmem>>
        %dma_wait3A_203 = arith.constant 0 : i32
        %dma_wait3A_204 = tpu.memref_slice %arg6[%add3A_189, %dma_wait3A_203] : memref<10000x128xf32, #tpu.memory_space<vmem_shared>> -> memref<40x128xf32, #tpu.memory_space<vmem_shared>>
        %dma_wait3A_205 = arith.constant 0 : i32
        %dma_wait3A_206 = tpu.memref_slice %arg6[%add3A_189, %dma_wait3A_205] : memref<10000x128xf32, #tpu.memory_space<vmem_shared>> -> memref<40x128xf32, #tpu.memory_space<vmem_shared>>
        %dma_wait3A_207 = arith.constant 0 : i32
        %dma_wait3A_208 = arith.constant 0 : i32
        %dma_wait3A_209 = tpu.memref_slice %arg8[%dma_wait3A_207, %dma_wait3A_208] : memref<80x128xf32, #tpu.memory_space<vmem>> -> memref<40x128xf32, #tpu.memory_space<vmem>>
        tpu.wait_dma2 semaphore(%run_scoped3A : memref<!tpu.dma_semaphore, #tpu.memory_space<semaphore_mem>>) src(%dma_wait3A_209 : memref<40x128xf32, #tpu.memory_space<vmem>>) dst(%dma_wait3A_206 : memref<40x128xf32, #tpu.memory_space<vmem_shared>>)
        tpu.yield
      }) : () -> ()
    } else {
    }
    %dma_wait3A = tpu.memref_slice %arg3[%mul3A_4] : memref<320000xi32, #tpu.memory_space<hbm>> -> memref<10000xi32, #tpu.memory_space<hbm>>
    %dma_wait3A_14 = tpu.memref_slice %arg3[%mul3A_4] : memref<320000xi32, #tpu.memory_space<hbm>> -> memref<10000xi32, #tpu.memory_space<hbm>>
    tpu.wait_dma2 semaphore(%arg14 : memref<!tpu.dma_semaphore, #tpu.memory_space<semaphore_mem>>) src(%dma_wait3A_14 : memref<10000xi32, #tpu.memory_space<hbm>>) dst(%arg7 : memref<10000xi32, #tpu.memory_space<vmem>>)
    %barrier3A = arith.constant 0 : index
    tpu.barrier barrier_id(%barrier3A)
    %dma_start3A_15 = arith.constant 0 : i32
    %dma_start3A_16 = tpu.memref_slice %arg7[%dma_start3A_15] : memref<10000xi32, #tpu.memory_space<vmem>> -> memref<80xi32, #tpu.memory_space<vmem>>
    %dma_start3A_17 = arith.constant 0 : i32
    %dma_start3A_18 = arith.constant 0 : i32
    %dma_start3A_19 = tpu.memref_slice %arg2[%dma_start3A_17, %dma_start3A_18] : memref<10000x128xf32, #tpu.memory_space<hbm>> -> memref<10000x128xf32, #tpu.memory_space<hbm>>
    tpu.enqueue_indirect_dma source(%dma_start3A_19 : memref<10000x128xf32, #tpu.memory_space<hbm>>) target(%arg8 : memref<80x128xf32, #tpu.memory_space<vmem>>) offsets(%dma_start3A_16 : memref<80xi32, #tpu.memory_space<vmem>>) semaphore(%arg15 : memref<!tpu.dma_semaphore, #tpu.memory_space<semaphore_mem>>)
    %add3A_20 = arith.constant 0 : i32
    %add3A_21 = arith.addi %mul3A_4, %add3A_20 : i32
    %dma_start3A_22 = tpu.memref_slice %arg4[%add3A_21] : memref<320000xi32, #tpu.memory_space<hbm>> -> memref<80xi32, #tpu.memory_space<hbm>>
    %dma_start3A_23 = tpu.memref_slice %arg4[%add3A_21] : memref<320000xi32, #tpu.memory_space<hbm>> -> memref<80xi32, #tpu.memory_space<hbm>>
    tpu.enqueue_dma source(%dma_start3A_23 : memref<80xi32, #tpu.memory_space<hbm>>) target(%arg11 : memref<80xi32, #tpu.memory_space<vmem>>) target_semaphore(%arg18 : memref<!tpu.dma_semaphore, #tpu.memory_space<semaphore_mem>>)
    %dma_start3A_24 = arith.constant 80 : i32
    %dma_start3A_25 = tpu.memref_slice %arg7[%dma_start3A_24] : memref<10000xi32, #tpu.memory_space<vmem>> -> memref<80xi32, #tpu.memory_space<vmem>>
    %dma_start3A_26 = arith.constant 0 : i32
    %dma_start3A_27 = arith.constant 0 : i32
    %dma_start3A_28 = tpu.memref_slice %arg2[%dma_start3A_26, %dma_start3A_27] : memref<10000x128xf32, #tpu.memory_space<hbm>> -> memref<10000x128xf32, #tpu.memory_space<hbm>>
    tpu.enqueue_indirect_dma source(%dma_start3A_28 : memref<10000x128xf32, #tpu.memory_space<hbm>>) target(%arg9 : memref<80x128xf32, #tpu.memory_space<vmem>>) offsets(%dma_start3A_25 : memref<80xi32, #tpu.memory_space<vmem>>) semaphore(%arg16 : memref<!tpu.dma_semaphore, #tpu.memory_space<semaphore_mem>>)
    %add3A_29 = arith.constant 80 : i32
    %add3A_30 = arith.addi %mul3A_4, %add3A_29 : i32
    %dma_start3A_31 = tpu.memref_slice %arg4[%add3A_30] : memref<320000xi32, #tpu.memory_space<hbm>> -> memref<80xi32, #tpu.memory_space<hbm>>
    %dma_start3A_32 = tpu.memref_slice %arg4[%add3A_30] : memref<320000xi32, #tpu.memory_space<hbm>> -> memref<80xi32, #tpu.memory_space<hbm>>
    tpu.enqueue_dma source(%dma_start3A_32 : memref<80xi32, #tpu.memory_space<hbm>>) target(%arg12 : memref<80xi32, #tpu.memory_space<vmem>>) target_semaphore(%arg19 : memref<!tpu.dma_semaphore, #tpu.memory_space<semaphore_mem>>)
    %dma_wait3A_33 = arith.constant 0 : i32
    %dma_wait3A_34 = tpu.memref_slice %arg7[%dma_wait3A_33] : memref<10000xi32, #tpu.memory_space<vmem>> -> memref<80xi32, #tpu.memory_space<vmem>>
    %dma_wait3A_35 = arith.constant 0 : i32
    %dma_wait3A_36 = arith.constant 0 : i32
    %dma_wait3A_37 = tpu.memref_slice %arg2[%dma_wait3A_35, %dma_wait3A_36] : memref<10000x128xf32, #tpu.memory_space<hbm>> -> memref<10000x128xf32, #tpu.memory_space<hbm>>
    tpu.wait_indirect_dma semaphore(%arg15 : memref<!tpu.dma_semaphore, #tpu.memory_space<semaphore_mem>>) src(%dma_wait3A_37 : memref<10000x128xf32, #tpu.memory_space<hbm>>) dst(%arg8 : memref<80x128xf32, #tpu.memory_space<vmem>>)
    %dma_wait3A_38 = tpu.memref_slice %arg4[%mul3A_4] : memref<320000xi32, #tpu.memory_space<hbm>> -> memref<80xi32, #tpu.memory_space<hbm>>
    %dma_wait3A_39 = tpu.memref_slice %arg4[%mul3A_4] : memref<320000xi32, #tpu.memory_space<hbm>> -> memref<80xi32, #tpu.memory_space<hbm>>
    tpu.wait_dma2 semaphore(%arg18 : memref<!tpu.dma_semaphore, #tpu.memory_space<semaphore_mem>>) src(%dma_wait3A_39 : memref<80xi32, #tpu.memory_space<hbm>>) dst(%arg11 : memref<80xi32, #tpu.memory_space<vmem>>)
    %dma_start3A_40 = arith.constant 0 : i32
    %dma_start3A_41 = arith.constant 0 : i32
    %dma_start3A_42 = tpu.memref_slice %arg6[%dma_start3A_40, %dma_start3A_41] : memref<10000x128xf32, #tpu.memory_space<vmem_shared>> -> memref<10000x128xf32, #tpu.memory_space<vmem_shared>>
    tpu.enqueue_indirect_dma source(%arg8 : memref<80x128xf32, #tpu.memory_space<vmem>>) target(%dma_start3A_42 : memref<10000x128xf32, #tpu.memory_space<vmem_shared>>) offsets(%arg11 : memref<80xi32, #tpu.memory_space<vmem>>) semaphore(%arg21 : memref<!tpu.dma_semaphore, #tpu.memory_space<semaphore_mem>>) {add = true}
    %dma_start3A_43 = arith.constant 160 : i32
    %dma_start3A_44 = tpu.memref_slice %arg7[%dma_start3A_43] : memref<10000xi32, #tpu.memory_space<vmem>> -> memref<80xi32, #tpu.memory_space<vmem>>
    %dma_start3A_45 = arith.constant 0 : i32
    %dma_start3A_46 = arith.constant 0 : i32
    %dma_start3A_47 = tpu.memref_slice %arg2[%dma_start3A_45, %dma_start3A_46] : memref<10000x128xf32, #tpu.memory_space<hbm>> -> memref<10000x128xf32, #tpu.memory_space<hbm>>
    tpu.enqueue_indirect_dma source(%dma_start3A_47 : memref<10000x128xf32, #tpu.memory_space<hbm>>) target(%arg10 : memref<80x128xf32, #tpu.memory_space<vmem>>) offsets(%dma_start3A_44 : memref<80xi32, #tpu.memory_space<vmem>>) semaphore(%arg17 : memref<!tpu.dma_semaphore, #tpu.memory_space<semaphore_mem>>)
    %add3A_48 = arith.constant 160 : i32
    %add3A_49 = arith.addi %mul3A_4, %add3A_48 : i32
    %dma_start3A_50 = tpu.memref_slice %arg4[%add3A_49] : memref<320000xi32, #tpu.memory_space<hbm>> -> memref<80xi32, #tpu.memory_space<hbm>>
    %dma_start3A_51 = tpu.memref_slice %arg4[%add3A_49] : memref<320000xi32, #tpu.memory_space<hbm>> -> memref<80xi32, #tpu.memory_space<hbm>>
    tpu.enqueue_dma source(%dma_start3A_51 : memref<80xi32, #tpu.memory_space<hbm>>) target(%arg13 : memref<80xi32, #tpu.memory_space<vmem>>) target_semaphore(%arg20 : memref<!tpu.dma_semaphore, #tpu.memory_space<semaphore_mem>>)
    %scan3A_52 = arith.constant 0 : i32
    %scan3A_53 = arith.constant 0 : i32
    %scan3A_54 = arith.constant 40 : i32
    %scan3A_55 = arith.addi %scan3A_53, %scan3A_54 : i32
    %scan3A_56 = arith.constant 1 : i32
    %scan3A_57 = scf.for %scan3A_138 = %scan3A_53 to %scan3A_55 step %scan3A_56 iter_args(%scan3A_139 = %scan3A_52) -> (i32)  : i32 {
      %mul3A_140 = arith.constant 3 : i32
      %mul3A_141 = arith.muli %mul3A_140, %scan3A_138 : i32
      %add3A_142 = arith.constant 1 : i32
      %add3A_143 = arith.addi %add3A_142, %mul3A_141 : i32
      %add3A_144 = arith.constant 0 : i32
      %add3A_145 = arith.addi %add3A_143, %add3A_144 : i32
      %dma_wait3A_146 = arith.constant 0 : i32
      %dma_wait3A_147 = tpu.memref_slice %arg7[%dma_wait3A_146] : memref<10000xi32, #tpu.memory_space<vmem>> -> memref<80xi32, #tpu.memory_space<vmem>>
      %dma_wait3A_148 = arith.constant 0 : i32
      %dma_wait3A_149 = arith.constant 0 : i32
      %dma_wait3A_150 = tpu.memref_slice %arg2[%dma_wait3A_148, %dma_wait3A_149] : memref<10000x128xf32, #tpu.memory_space<hbm>> -> memref<10000x128xf32, #tpu.memory_space<hbm>>
      tpu.wait_indirect_dma semaphore(%arg16 : memref<!tpu.dma_semaphore, #tpu.memory_space<semaphore_mem>>) src(%dma_wait3A_150 : memref<10000x128xf32, #tpu.memory_space<hbm>>) dst(%arg9 : memref<80x128xf32, #tpu.memory_space<vmem>>)
      %dma_wait3A_151 = tpu.memref_slice %arg4[%mul3A_4] : memref<320000xi32, #tpu.memory_space<hbm>> -> memref<80xi32, #tpu.memory_space<hbm>>
      %dma_wait3A_152 = tpu.memref_slice %arg4[%mul3A_4] : memref<320000xi32, #tpu.memory_space<hbm>> -> memref<80xi32, #tpu.memory_space<hbm>>
      tpu.wait_dma2 semaphore(%arg19 : memref<!tpu.dma_semaphore, #tpu.memory_space<semaphore_mem>>) src(%dma_wait3A_152 : memref<80xi32, #tpu.memory_space<hbm>>) dst(%arg12 : memref<80xi32, #tpu.memory_space<vmem>>)
      %dma_start3A_153 = arith.constant 0 : i32
      %dma_start3A_154 = arith.constant 0 : i32
      %dma_start3A_155 = tpu.memref_slice %arg6[%dma_start3A_153, %dma_start3A_154] : memref<10000x128xf32, #tpu.memory_space<vmem_shared>> -> memref<10000x128xf32, #tpu.memory_space<vmem_shared>>
      tpu.enqueue_indirect_dma source(%arg9 : memref<80x128xf32, #tpu.memory_space<vmem>>) target(%dma_start3A_155 : memref<10000x128xf32, #tpu.memory_space<vmem_shared>>) offsets(%arg12 : memref<80xi32, #tpu.memory_space<vmem>>) semaphore(%arg22 : memref<!tpu.dma_semaphore, #tpu.memory_space<semaphore_mem>>) {add = true}
      %dma_wait3A_156 = arith.constant 0 : i32
      %dma_wait3A_157 = arith.constant 0 : i32
      %dma_wait3A_158 = tpu.memref_slice %arg6[%dma_wait3A_156, %dma_wait3A_157] : memref<10000x128xf32, #tpu.memory_space<vmem_shared>> -> memref<10000x128xf32, #tpu.memory_space<vmem_shared>>
      tpu.wait_indirect_dma semaphore(%arg21 : memref<!tpu.dma_semaphore, #tpu.memory_space<semaphore_mem>>) src(%arg8 : memref<80x128xf32, #tpu.memory_space<vmem>>) dst(%dma_wait3A_158 : memref<10000x128xf32, #tpu.memory_space<vmem_shared>>)
      %add3A_159 = arith.constant 2 : i32
      %add3A_160 = arith.addi %add3A_145, %add3A_159 : i32
      %mul3A_161 = arith.constant 80 : i32
      %mul3A_162 = arith.muli %add3A_160, %mul3A_161 : i32
      %dma_start3A_163 = tpu.memref_slice %arg7[%mul3A_162] : memref<10000xi32, #tpu.memory_space<vmem>> -> memref<80xi32, #tpu.memory_space<vmem>>
      %dma_start3A_164 = arith.constant 0 : i32
      %dma_start3A_165 = arith.constant 0 : i32
      %dma_start3A_166 = tpu.memref_slice %arg2[%dma_start3A_164, %dma_start3A_165] : memref<10000x128xf32, #tpu.memory_space<hbm>> -> memref<10000x128xf32, #tpu.memory_space<hbm>>
      tpu.enqueue_indirect_dma source(%dma_start3A_166 : memref<10000x128xf32, #tpu.memory_space<hbm>>) target(%arg8 : memref<80x128xf32, #tpu.memory_space<vmem>>) offsets(%dma_start3A_163 : memref<80xi32, #tpu.memory_space<vmem>>) semaphore(%arg15 : memref<!tpu.dma_semaphore, #tpu.memory_space<semaphore_mem>>)
      %mul3A_167 = arith.constant 80 : i32
      %mul3A_168 = arith.muli %add3A_160, %mul3A_167 : i32
      %add3A_169 = arith.addi %mul3A_4, %mul3A_168 : i32
      %dma_start3A_170 = tpu.memref_slice %arg4[%add3A_169] : memref<320000xi32, #tpu.memory_space<hbm>> -> memref<80xi32, #tpu.memory_space<hbm>>
      %dma_start3A_171 = tpu.memref_slice %arg4[%add3A_169] : memref<320000xi32, #tpu.memory_space<hbm>> -> memref<80xi32, #tpu.memory_space<hbm>>
      tpu.enqueue_dma source(%dma_start3A_171 : memref<80xi32, #tpu.memory_space<hbm>>) target(%arg11 : memref<80xi32, #tpu.memory_space<vmem>>) target_semaphore(%arg18 : memref<!tpu.dma_semaphore, #tpu.memory_space<semaphore_mem>>)
      %mul3A_172 = arith.constant 3 : i32
      %mul3A_173 = arith.muli %mul3A_172, %scan3A_138 : i32
      %add3A_174 = arith.constant 1 : i32
      %add3A_175 = arith.addi %add3A_174, %mul3A_173 : i32
      %add3A_176 = arith.constant 1 : i32
      %add3A_177 = arith.addi %add3A_175, %add3A_176 : i32
      %dma_wait3A_178 = arith.constant 0 : i32
      %dma_wait3A_179 = tpu.memref_slice %arg7[%dma_wait3A_178] : memref<10000xi32, #tpu.memory_space<vmem>> -> memref<80xi32, #tpu.memory_space<vmem>>
      %dma_wait3A_180 = arith.constant 0 : i32
      %dma_wait3A_181 = arith.constant 0 : i32
      %dma_wait3A_182 = tpu.memref_slice %arg2[%dma_wait3A_180, %dma_wait3A_181] : memref<10000x128xf32, #tpu.memory_space<hbm>> -> memref<10000x128xf32, #tpu.memory_space<hbm>>
      tpu.wait_indirect_dma semaphore(%arg17 : memref<!tpu.dma_semaphore, #tpu.memory_space<semaphore_mem>>) src(%dma_wait3A_182 : memref<10000x128xf32, #tpu.memory_space<hbm>>) dst(%arg10 : memref<80x128xf32, #tpu.memory_space<vmem>>)
      %dma_wait3A_183 = tpu.memref_slice %arg4[%mul3A_4] : memref<320000xi32, #tpu.memory_space<hbm>> -> memref<80xi32, #tpu.memory_space<hbm>>
      %dma_wait3A_184 = tpu.memref_slice %arg4[%mul3A_4] : memref<320000xi32, #tpu.memory_space<hbm>> -> memref<80xi32, #tpu.memory_space<hbm>>
      tpu.wait_dma2 semaphore(%arg20 : memref<!tpu.dma_semaphore, #tpu.memory_space<semaphore_mem>>) src(%dma_wait3A_184 : memref<80xi32, #tpu.memory_space<hbm>>) dst(%arg13 : memref<80xi32, #tpu.memory_space<vmem>>)
      %dma_start3A_185 = arith.constant 0 : i32
      %dma_start3A_186 = arith.constant 0 : i32
      %dma_start3A_187 = tpu.memref_slice %arg6[%dma_start3A_185, %dma_start3A_186] : memref<10000x128xf32, #tpu.memory_space<vmem_shared>> -> memref<10000x128xf32, #tpu.memory_space<vmem_shared>>
      tpu.enqueue_indirect_dma source(%arg10 : memref<80x128xf32, #tpu.memory_space<vmem>>) target(%dma_start3A_187 : memref<10000x128xf32, #tpu.memory_space<vmem_shared>>) offsets(%arg13 : memref<80xi32, #tpu.memory_space<vmem>>) semaphore(%arg23 : memref<!tpu.dma_semaphore, #tpu.memory_space<semaphore_mem>>) {add = true}
      %dma_wait3A_188 = arith.constant 0 : i32
      %dma_wait3A_189 = arith.constant 0 : i32
      %dma_wait3A_190 = tpu.memref_slice %arg6[%dma_wait3A_188, %dma_wait3A_189] : memref<10000x128xf32, #tpu.memory_space<vmem_shared>> -> memref<10000x128xf32, #tpu.memory_space<vmem_shared>>
      tpu.wait_indirect_dma semaphore(%arg22 : memref<!tpu.dma_semaphore, #tpu.memory_space<semaphore_mem>>) src(%arg9 : memref<80x128xf32, #tpu.memory_space<vmem>>) dst(%dma_wait3A_190 : memref<10000x128xf32, #tpu.memory_space<vmem_shared>>)
      %add3A_191 = arith.constant 2 : i32
      %add3A_192 = arith.addi %add3A_177, %add3A_191 : i32
      %mul3A_193 = arith.constant 80 : i32
      %mul3A_194 = arith.muli %add3A_192, %mul3A_193 : i32
      %dma_start3A_195 = tpu.memref_slice %arg7[%mul3A_194] : memref<10000xi32, #tpu.memory_space<vmem>> -> memref<80xi32, #tpu.memory_space<vmem>>
      %dma_start3A_196 = arith.constant 0 : i32
      %dma_start3A_197 = arith.constant 0 : i32
      %dma_start3A_198 = tpu.memref_slice %arg2[%dma_start3A_196, %dma_start3A_197] : memref<10000x128xf32, #tpu.memory_space<hbm>> -> memref<10000x128xf32, #tpu.memory_space<hbm>>
      tpu.enqueue_indirect_dma source(%dma_start3A_198 : memref<10000x128xf32, #tpu.memory_space<hbm>>) target(%arg9 : memref<80x128xf32, #tpu.memory_space<vmem>>) offsets(%dma_start3A_195 : memref<80xi32, #tpu.memory_space<vmem>>) semaphore(%arg16 : memref<!tpu.dma_semaphore, #tpu.memory_space<semaphore_mem>>)
      %mul3A_199 = arith.constant 80 : i32
      %mul3A_200 = arith.muli %add3A_192, %mul3A_199 : i32
      %add3A_201 = arith.addi %mul3A_4, %mul3A_200 : i32
      %dma_start3A_202 = tpu.memref_slice %arg4[%add3A_201] : memref<320000xi32, #tpu.memory_space<hbm>> -> memref<80xi32, #tpu.memory_space<hbm>>
      %dma_start3A_203 = tpu.memref_slice %arg4[%add3A_201] : memref<320000xi32, #tpu.memory_space<hbm>> -> memref<80xi32, #tpu.memory_space<hbm>>
      tpu.enqueue_dma source(%dma_start3A_203 : memref<80xi32, #tpu.memory_space<hbm>>) target(%arg12 : memref<80xi32, #tpu.memory_space<vmem>>) target_semaphore(%arg19 : memref<!tpu.dma_semaphore, #tpu.memory_space<semaphore_mem>>)
      %mul3A_204 = arith.constant 3 : i32
      %mul3A_205 = arith.muli %mul3A_204, %scan3A_138 : i32
      %add3A_206 = arith.constant 1 : i32
      %add3A_207 = arith.addi %add3A_206, %mul3A_205 : i32
      %add3A_208 = arith.constant 2 : i32
      %add3A_209 = arith.addi %add3A_207, %add3A_208 : i32
      %dma_wait3A_210 = arith.constant 0 : i32
      %dma_wait3A_211 = tpu.memref_slice %arg7[%dma_wait3A_210] : memref<10000xi32, #tpu.memory_space<vmem>> -> memref<80xi32, #tpu.memory_space<vmem>>
      %dma_wait3A_212 = arith.constant 0 : i32
      %dma_wait3A_213 = arith.constant 0 : i32
      %dma_wait3A_214 = tpu.memref_slice %arg2[%dma_wait3A_212, %dma_wait3A_213] : memref<10000x128xf32, #tpu.memory_space<hbm>> -> memref<10000x128xf32, #tpu.memory_space<hbm>>
      tpu.wait_indirect_dma semaphore(%arg15 : memref<!tpu.dma_semaphore, #tpu.memory_space<semaphore_mem>>) src(%dma_wait3A_214 : memref<10000x128xf32, #tpu.memory_space<hbm>>) dst(%arg8 : memref<80x128xf32, #tpu.memory_space<vmem>>)
      %dma_wait3A_215 = tpu.memref_slice %arg4[%mul3A_4] : memref<320000xi32, #tpu.memory_space<hbm>> -> memref<80xi32, #tpu.memory_space<hbm>>
      %dma_wait3A_216 = tpu.memref_slice %arg4[%mul3A_4] : memref<320000xi32, #tpu.memory_space<hbm>> -> memref<80xi32, #tpu.memory_space<hbm>>
      tpu.wait_dma2 semaphore(%arg18 : memref<!tpu.dma_semaphore, #tpu.memory_space<semaphore_mem>>) src(%dma_wait3A_216 : memref<80xi32, #tpu.memory_space<hbm>>) dst(%arg11 : memref<80xi32, #tpu.memory_space<vmem>>)
      %dma_start3A_217 = arith.constant 0 : i32
      %dma_start3A_218 = arith.constant 0 : i32
      %dma_start3A_219 = tpu.memref_slice %arg6[%dma_start3A_217, %dma_start3A_218] : memref<10000x128xf32, #tpu.memory_space<vmem_shared>> -> memref<10000x128xf32, #tpu.memory_space<vmem_shared>>
      tpu.enqueue_indirect_dma source(%arg8 : memref<80x128xf32, #tpu.memory_space<vmem>>) target(%dma_start3A_219 : memref<10000x128xf32, #tpu.memory_space<vmem_shared>>) offsets(%arg11 : memref<80xi32, #tpu.memory_space<vmem>>) semaphore(%arg21 : memref<!tpu.dma_semaphore, #tpu.memory_space<semaphore_mem>>) {add = true}
      %dma_wait3A_220 = arith.constant 0 : i32
      %dma_wait3A_221 = arith.constant 0 : i32
      %dma_wait3A_222 = tpu.memref_slice %arg6[%dma_wait3A_220, %dma_wait3A_221] : memref<10000x128xf32, #tpu.memory_space<vmem_shared>> -> memref<10000x128xf32, #tpu.memory_space<vmem_shared>>
      tpu.wait_indirect_dma semaphore(%arg23 : memref<!tpu.dma_semaphore, #tpu.memory_space<semaphore_mem>>) src(%arg10 : memref<80x128xf32, #tpu.memory_space<vmem>>) dst(%dma_wait3A_222 : memref<10000x128xf32, #tpu.memory_space<vmem_shared>>)
      %add3A_223 = arith.constant 2 : i32
      %add3A_224 = arith.addi %add3A_209, %add3A_223 : i32
      %mul3A_225 = arith.constant 80 : i32
      %mul3A_226 = arith.muli %add3A_224, %mul3A_225 : i32
      %dma_start3A_227 = tpu.memref_slice %arg7[%mul3A_226] : memref<10000xi32, #tpu.memory_space<vmem>> -> memref<80xi32, #tpu.memory_space<vmem>>
      %dma_start3A_228 = arith.constant 0 : i32
      %dma_start3A_229 = arith.constant 0 : i32
      %dma_start3A_230 = tpu.memref_slice %arg2[%dma_start3A_228, %dma_start3A_229] : memref<10000x128xf32, #tpu.memory_space<hbm>> -> memref<10000x128xf32, #tpu.memory_space<hbm>>
      tpu.enqueue_indirect_dma source(%dma_start3A_230 : memref<10000x128xf32, #tpu.memory_space<hbm>>) target(%arg10 : memref<80x128xf32, #tpu.memory_space<vmem>>) offsets(%dma_start3A_227 : memref<80xi32, #tpu.memory_space<vmem>>) semaphore(%arg17 : memref<!tpu.dma_semaphore, #tpu.memory_space<semaphore_mem>>)
      %mul3A_231 = arith.constant 80 : i32
      %mul3A_232 = arith.muli %add3A_224, %mul3A_231 : i32
      %add3A_233 = arith.addi %mul3A_4, %mul3A_232 : i32
      %dma_start3A_234 = tpu.memref_slice %arg4[%add3A_233] : memref<320000xi32, #tpu.memory_space<hbm>> -> memref<80xi32, #tpu.memory_space<hbm>>
      %dma_start3A_235 = tpu.memref_slice %arg4[%add3A_233] : memref<320000xi32, #tpu.memory_space<hbm>> -> memref<80xi32, #tpu.memory_space<hbm>>
      tpu.enqueue_dma source(%dma_start3A_235 : memref<80xi32, #tpu.memory_space<hbm>>) target(%arg13 : memref<80xi32, #tpu.memory_space<vmem>>) target_semaphore(%arg20 : memref<!tpu.dma_semaphore, #tpu.memory_space<semaphore_mem>>)
      %scan3A_236 = arith.constant 0 : i32
      scf.yield %scan3A_236 : i32
    }
    %scan3A_58 = arith.constant 40 : i32
    %dma_wait3A_59 = arith.constant 0 : i32
    %dma_wait3A_60 = tpu.memref_slice %arg7[%dma_wait3A_59] : memref<10000xi32, #tpu.memory_space<vmem>> -> memref<80xi32, #tpu.memory_space<vmem>>
    %dma_wait3A_61 = arith.constant 0 : i32
    %dma_wait3A_62 = arith.constant 0 : i32
    %dma_wait3A_63 = tpu.memref_slice %arg2[%dma_wait3A_61, %dma_wait3A_62] : memref<10000x128xf32, #tpu.memory_space<hbm>> -> memref<10000x128xf32, #tpu.memory_space<hbm>>
    tpu.wait_indirect_dma semaphore(%arg16 : memref<!tpu.dma_semaphore, #tpu.memory_space<semaphore_mem>>) src(%dma_wait3A_63 : memref<10000x128xf32, #tpu.memory_space<hbm>>) dst(%arg9 : memref<80x128xf32, #tpu.memory_space<vmem>>)
    %dma_wait3A_64 = tpu.memref_slice %arg4[%mul3A_4] : memref<320000xi32, #tpu.memory_space<hbm>> -> memref<80xi32, #tpu.memory_space<hbm>>
    %dma_wait3A_65 = tpu.memref_slice %arg4[%mul3A_4] : memref<320000xi32, #tpu.memory_space<hbm>> -> memref<80xi32, #tpu.memory_space<hbm>>
    tpu.wait_dma2 semaphore(%arg19 : memref<!tpu.dma_semaphore, #tpu.memory_space<semaphore_mem>>) src(%dma_wait3A_65 : memref<80xi32, #tpu.memory_space<hbm>>) dst(%arg12 : memref<80xi32, #tpu.memory_space<vmem>>)
    %dma_start3A_66 = arith.constant 0 : i32
    %dma_start3A_67 = arith.constant 0 : i32
    %dma_start3A_68 = tpu.memref_slice %arg6[%dma_start3A_66, %dma_start3A_67] : memref<10000x128xf32, #tpu.memory_space<vmem_shared>> -> memref<10000x128xf32, #tpu.memory_space<vmem_shared>>
    tpu.enqueue_indirect_dma source(%arg9 : memref<80x128xf32, #tpu.memory_space<vmem>>) target(%dma_start3A_68 : memref<10000x128xf32, #tpu.memory_space<vmem_shared>>) offsets(%arg12 : memref<80xi32, #tpu.memory_space<vmem>>) semaphore(%arg22 : memref<!tpu.dma_semaphore, #tpu.memory_space<semaphore_mem>>) {add = true}
    %dma_wait3A_69 = arith.constant 0 : i32
    %dma_wait3A_70 = arith.constant 0 : i32
    %dma_wait3A_71 = tpu.memref_slice %arg6[%dma_wait3A_69, %dma_wait3A_70] : memref<10000x128xf32, #tpu.memory_space<vmem_shared>> -> memref<10000x128xf32, #tpu.memory_space<vmem_shared>>
    tpu.wait_indirect_dma semaphore(%arg21 : memref<!tpu.dma_semaphore, #tpu.memory_space<semaphore_mem>>) src(%arg8 : memref<80x128xf32, #tpu.memory_space<vmem>>) dst(%dma_wait3A_71 : memref<10000x128xf32, #tpu.memory_space<vmem_shared>>)
    %dma_start3A_72 = arith.constant 9840 : i32
    %dma_start3A_73 = tpu.memref_slice %arg7[%dma_start3A_72] : memref<10000xi32, #tpu.memory_space<vmem>> -> memref<80xi32, #tpu.memory_space<vmem>>
    %dma_start3A_74 = arith.constant 0 : i32
    %dma_start3A_75 = arith.constant 0 : i32
    %dma_start3A_76 = tpu.memref_slice %arg2[%dma_start3A_74, %dma_start3A_75] : memref<10000x128xf32, #tpu.memory_space<hbm>> -> memref<10000x128xf32, #tpu.memory_space<hbm>>
    tpu.enqueue_indirect_dma source(%dma_start3A_76 : memref<10000x128xf32, #tpu.memory_space<hbm>>) target(%arg8 : memref<80x128xf32, #tpu.memory_space<vmem>>) offsets(%dma_start3A_73 : memref<80xi32, #tpu.memory_space<vmem>>) semaphore(%arg15 : memref<!tpu.dma_semaphore, #tpu.memory_space<semaphore_mem>>)
    %add3A_77 = arith.constant 9840 : i32
    %add3A_78 = arith.addi %mul3A_4, %add3A_77 : i32
    %dma_start3A_79 = tpu.memref_slice %arg4[%add3A_78] : memref<320000xi32, #tpu.memory_space<hbm>> -> memref<80xi32, #tpu.memory_space<hbm>>
    %dma_start3A_80 = tpu.memref_slice %arg4[%add3A_78] : memref<320000xi32, #tpu.memory_space<hbm>> -> memref<80xi32, #tpu.memory_space<hbm>>
    tpu.enqueue_dma source(%dma_start3A_80 : memref<80xi32, #tpu.memory_space<hbm>>) target(%arg11 : memref<80xi32, #tpu.memory_space<vmem>>) target_semaphore(%arg18 : memref<!tpu.dma_semaphore, #tpu.memory_space<semaphore_mem>>)
    %dma_wait3A_81 = arith.constant 0 : i32
    %dma_wait3A_82 = tpu.memref_slice %arg7[%dma_wait3A_81] : memref<10000xi32, #tpu.memory_space<vmem>> -> memref<80xi32, #tpu.memory_space<vmem>>
    %dma_wait3A_83 = arith.constant 0 : i32
    %dma_wait3A_84 = arith.constant 0 : i32
    %dma_wait3A_85 = tpu.memref_slice %arg2[%dma_wait3A_83, %dma_wait3A_84] : memref<10000x128xf32, #tpu.memory_space<hbm>> -> memref<10000x128xf32, #tpu.memory_space<hbm>>
    tpu.wait_indirect_dma semaphore(%arg17 : memref<!tpu.dma_semaphore, #tpu.memory_space<semaphore_mem>>) src(%dma_wait3A_85 : memref<10000x128xf32, #tpu.memory_space<hbm>>) dst(%arg10 : memref<80x128xf32, #tpu.memory_space<vmem>>)
    %dma_wait3A_86 = tpu.memref_slice %arg4[%mul3A_4] : memref<320000xi32, #tpu.memory_space<hbm>> -> memref<80xi32, #tpu.memory_space<hbm>>
    %dma_wait3A_87 = tpu.memref_slice %arg4[%mul3A_4] : memref<320000xi32, #tpu.memory_space<hbm>> -> memref<80xi32, #tpu.memory_space<hbm>>
    tpu.wait_dma2 semaphore(%arg20 : memref<!tpu.dma_semaphore, #tpu.memory_space<semaphore_mem>>) src(%dma_wait3A_87 : memref<80xi32, #tpu.memory_space<hbm>>) dst(%arg13 : memref<80xi32, #tpu.memory_space<vmem>>)
    %dma_start3A_88 = arith.constant 0 : i32
    %dma_start3A_89 = arith.constant 0 : i32
    %dma_start3A_90 = tpu.memref_slice %arg6[%dma_start3A_88, %dma_start3A_89] : memref<10000x128xf32, #tpu.memory_space<vmem_shared>> -> memref<10000x128xf32, #tpu.memory_space<vmem_shared>>
    tpu.enqueue_indirect_dma source(%arg10 : memref<80x128xf32, #tpu.memory_space<vmem>>) target(%dma_start3A_90 : memref<10000x128xf32, #tpu.memory_space<vmem_shared>>) offsets(%arg13 : memref<80xi32, #tpu.memory_space<vmem>>) semaphore(%arg23 : memref<!tpu.dma_semaphore, #tpu.memory_space<semaphore_mem>>) {add = true}
    %dma_wait3A_91 = arith.constant 0 : i32
    %dma_wait3A_92 = arith.constant 0 : i32
    %dma_wait3A_93 = tpu.memref_slice %arg6[%dma_wait3A_91, %dma_wait3A_92] : memref<10000x128xf32, #tpu.memory_space<vmem_shared>> -> memref<10000x128xf32, #tpu.memory_space<vmem_shared>>
    tpu.wait_indirect_dma semaphore(%arg22 : memref<!tpu.dma_semaphore, #tpu.memory_space<semaphore_mem>>) src(%arg9 : memref<80x128xf32, #tpu.memory_space<vmem>>) dst(%dma_wait3A_93 : memref<10000x128xf32, #tpu.memory_space<vmem_shared>>)
    %dma_start3A_94 = arith.constant 9920 : i32
    %dma_start3A_95 = tpu.memref_slice %arg7[%dma_start3A_94] : memref<10000xi32, #tpu.memory_space<vmem>> -> memref<80xi32, #tpu.memory_space<vmem>>
    %dma_start3A_96 = arith.constant 0 : i32
    %dma_start3A_97 = arith.constant 0 : i32
    %dma_start3A_98 = tpu.memref_slice %arg2[%dma_start3A_96, %dma_start3A_97] : memref<10000x128xf32, #tpu.memory_space<hbm>> -> memref<10000x128xf32, #tpu.memory_space<hbm>>
    tpu.enqueue_indirect_dma source(%dma_start3A_98 : memref<10000x128xf32, #tpu.memory_space<hbm>>) target(%arg9 : memref<80x128xf32, #tpu.memory_space<vmem>>) offsets(%dma_start3A_95 : memref<80xi32, #tpu.memory_space<vmem>>) semaphore(%arg16 : memref<!tpu.dma_semaphore, #tpu.memory_space<semaphore_mem>>)
    %add3A_99 = arith.constant 9920 : i32
    %add3A_100 = arith.addi %mul3A_4, %add3A_99 : i32
    %dma_start3A_101 = tpu.memref_slice %arg4[%add3A_100] : memref<320000xi32, #tpu.memory_space<hbm>> -> memref<80xi32, #tpu.memory_space<hbm>>
    %dma_start3A_102 = tpu.memref_slice %arg4[%add3A_100] : memref<320000xi32, #tpu.memory_space<hbm>> -> memref<80xi32, #tpu.memory_space<hbm>>
    tpu.enqueue_dma source(%dma_start3A_102 : memref<80xi32, #tpu.memory_space<hbm>>) target(%arg12 : memref<80xi32, #tpu.memory_space<vmem>>) target_semaphore(%arg19 : memref<!tpu.dma_semaphore, #tpu.memory_space<semaphore_mem>>)
    %dma_wait3A_103 = arith.constant 0 : i32
    %dma_wait3A_104 = tpu.memref_slice %arg7[%dma_wait3A_103] : memref<10000xi32, #tpu.memory_space<vmem>> -> memref<80xi32, #tpu.memory_space<vmem>>
    %dma_wait3A_105 = arith.constant 0 : i32
    %dma_wait3A_106 = arith.constant 0 : i32
    %dma_wait3A_107 = tpu.memref_slice %arg2[%dma_wait3A_105, %dma_wait3A_106] : memref<10000x128xf32, #tpu.memory_space<hbm>> -> memref<10000x128xf32, #tpu.memory_space<hbm>>
    tpu.wait_indirect_dma semaphore(%arg15 : memref<!tpu.dma_semaphore, #tpu.memory_space<semaphore_mem>>) src(%dma_wait3A_107 : memref<10000x128xf32, #tpu.memory_space<hbm>>) dst(%arg8 : memref<80x128xf32, #tpu.memory_space<vmem>>)
    %dma_wait3A_108 = tpu.memref_slice %arg4[%mul3A_4] : memref<320000xi32, #tpu.memory_space<hbm>> -> memref<80xi32, #tpu.memory_space<hbm>>
    %dma_wait3A_109 = tpu.memref_slice %arg4[%mul3A_4] : memref<320000xi32, #tpu.memory_space<hbm>> -> memref<80xi32, #tpu.memory_space<hbm>>
    tpu.wait_dma2 semaphore(%arg18 : memref<!tpu.dma_semaphore, #tpu.memory_space<semaphore_mem>>) src(%dma_wait3A_109 : memref<80xi32, #tpu.memory_space<hbm>>) dst(%arg11 : memref<80xi32, #tpu.memory_space<vmem>>)
    %dma_start3A_110 = arith.constant 0 : i32
    %dma_start3A_111 = arith.constant 0 : i32
    %dma_start3A_112 = tpu.memref_slice %arg6[%dma_start3A_110, %dma_start3A_111] : memref<10000x128xf32, #tpu.memory_space<vmem_shared>> -> memref<10000x128xf32, #tpu.memory_space<vmem_shared>>
    tpu.enqueue_indirect_dma source(%arg8 : memref<80x128xf32, #tpu.memory_space<vmem>>) target(%dma_start3A_112 : memref<10000x128xf32, #tpu.memory_space<vmem_shared>>) offsets(%arg11 : memref<80xi32, #tpu.memory_space<vmem>>) semaphore(%arg21 : memref<!tpu.dma_semaphore, #tpu.memory_space<semaphore_mem>>) {add = true}
    %dma_wait3A_113 = arith.constant 0 : i32
    %dma_wait3A_114 = tpu.memref_slice %arg7[%dma_wait3A_113] : memref<10000xi32, #tpu.memory_space<vmem>> -> memref<80xi32, #tpu.memory_space<vmem>>
    %dma_wait3A_115 = arith.constant 0 : i32
    %dma_wait3A_116 = arith.constant 0 : i32
    %dma_wait3A_117 = tpu.memref_slice %arg2[%dma_wait3A_115, %dma_wait3A_116] : memref<10000x128xf32, #tpu.memory_space<hbm>> -> memref<10000x128xf32, #tpu.memory_space<hbm>>
    tpu.wait_indirect_dma semaphore(%arg16 : memref<!tpu.dma_semaphore, #tpu.memory_space<semaphore_mem>>) src(%dma_wait3A_117 : memref<10000x128xf32, #tpu.memory_space<hbm>>) dst(%arg9 : memref<80x128xf32, #tpu.memory_space<vmem>>)
    %dma_wait3A_118 = tpu.memref_slice %arg4[%mul3A_4] : memref<320000xi32, #tpu.memory_space<hbm>> -> memref<80xi32, #tpu.memory_space<hbm>>
    %dma_wait3A_119 = tpu.memref_slice %arg4[%mul3A_4] : memref<320000xi32, #tpu.memory_space<hbm>> -> memref<80xi32, #tpu.memory_space<hbm>>
    tpu.wait_dma2 semaphore(%arg19 : memref<!tpu.dma_semaphore, #tpu.memory_space<semaphore_mem>>) src(%dma_wait3A_119 : memref<80xi32, #tpu.memory_space<hbm>>) dst(%arg12 : memref<80xi32, #tpu.memory_space<vmem>>)
    %dma_start3A_120 = arith.constant 0 : i32
    %dma_start3A_121 = arith.constant 0 : i32
    %dma_start3A_122 = tpu.memref_slice %arg6[%dma_start3A_120, %dma_start3A_121] : memref<10000x128xf32, #tpu.memory_space<vmem_shared>> -> memref<10000x128xf32, #tpu.memory_space<vmem_shared>>
    tpu.enqueue_indirect_dma source(%arg9 : memref<80x128xf32, #tpu.memory_space<vmem>>) target(%dma_start3A_122 : memref<10000x128xf32, #tpu.memory_space<vmem_shared>>) offsets(%arg12 : memref<80xi32, #tpu.memory_space<vmem>>) semaphore(%arg22 : memref<!tpu.dma_semaphore, #tpu.memory_space<semaphore_mem>>) {add = true}
    %dma_wait3A_123 = arith.constant 0 : i32
    %dma_wait3A_124 = arith.constant 0 : i32
    %dma_wait3A_125 = tpu.memref_slice %arg6[%dma_wait3A_123, %dma_wait3A_124] : memref<10000x128xf32, #tpu.memory_space<vmem_shared>> -> memref<10000x128xf32, #tpu.memory_space<vmem_shared>>
    tpu.wait_indirect_dma semaphore(%arg23 : memref<!tpu.dma_semaphore, #tpu.memory_space<semaphore_mem>>) src(%arg10 : memref<80x128xf32, #tpu.memory_space<vmem>>) dst(%dma_wait3A_125 : memref<10000x128xf32, #tpu.memory_space<vmem_shared>>)
    %dma_wait3A_126 = arith.constant 0 : i32
    %dma_wait3A_127 = arith.constant 0 : i32
    %dma_wait3A_128 = tpu.memref_slice %arg6[%dma_wait3A_126, %dma_wait3A_127] : memref<10000x128xf32, #tpu.memory_space<vmem_shared>> -> memref<10000x128xf32, #tpu.memory_space<vmem_shared>>
    tpu.wait_indirect_dma semaphore(%arg21 : memref<!tpu.dma_semaphore, #tpu.memory_space<semaphore_mem>>) src(%arg8 : memref<80x128xf32, #tpu.memory_space<vmem>>) dst(%dma_wait3A_128 : memref<10000x128xf32, #tpu.memory_space<vmem_shared>>)
    %dma_wait3A_129 = arith.constant 0 : i32
    %dma_wait3A_130 = arith.constant 0 : i32
    %dma_wait3A_131 = tpu.memref_slice %arg6[%dma_wait3A_129, %dma_wait3A_130] : memref<10000x128xf32, #tpu.memory_space<vmem_shared>> -> memref<10000x128xf32, #tpu.memory_space<vmem_shared>>
    tpu.wait_indirect_dma semaphore(%arg22 : memref<!tpu.dma_semaphore, #tpu.memory_space<semaphore_mem>>) src(%arg9 : memref<80x128xf32, #tpu.memory_space<vmem>>) dst(%dma_wait3A_131 : memref<10000x128xf32, #tpu.memory_space<vmem_shared>>)
    %barrier3A_132 = arith.constant 0 : index
    tpu.barrier barrier_id(%barrier3A_132)
    %lt3A_133 = arith.constant 10 : i32
    %lt3A_134 = arith.cmpi slt, %arg1, %lt3A_133 : i32
    %convert_element_type3A_135 = arith.extui %lt3A_134 : i1 to i32
    %cond3A_136 = arith.constant 0 : i32
    %cond3A_137 = arith.cmpi ne, %convert_element_type3A_135, %cond3A_136 : i32
    scf.if %cond3A_137 {
      %mul3A_138 = arith.constant 1000 : i32
      %mul3A_139 = arith.muli %arg1, %mul3A_138 : i32
      %mul3A_140 = arith.constant 1000 : i32
      %mul3A_141 = arith.muli %arg1, %mul3A_140 : i32
      "tpu.region"() ({
        %run_scoped3A = tpu.sem_alloc : memref<!tpu.dma_semaphore, #tpu.memory_space<semaphore_mem>>
        %dma_start3A_142 = arith.constant 0 : i32
        %dma_start3A_143 = tpu.memref_slice %arg5[%arg0, %mul3A_141, %dma_start3A_142] : memref<2x10000x128xf32, #tpu.memory_space<hbm>> -> memref<1x1000x128xf32, #tpu.memory_space<hbm>>
        %dma_start3A_144 = tpu.memref_squeeze %dma_start3A_143 : memref<1x1000x128xf32, #tpu.memory_space<hbm>> -> memref<1000x128xf32, #tpu.memory_space<hbm>>
        %dma_start3A_145 = arith.constant 0 : i32
        %dma_start3A_146 = tpu.memref_slice %arg6[%mul3A_139, %dma_start3A_145] : memref<10000x128xf32, #tpu.memory_space<vmem_shared>> -> memref<1000x128xf32, #tpu.memory_space<vmem_shared>>
        tpu.enqueue_dma source(%dma_start3A_146 : memref<1000x128xf32, #tpu.memory_space<vmem_shared>>) target(%dma_start3A_144 : memref<1000x128xf32, #tpu.memory_space<hbm>>) target_semaphore(%run_scoped3A : memref<!tpu.dma_semaphore, #tpu.memory_space<semaphore_mem>>)
        %dma_wait3A_147 = arith.constant 0 : i32
        %dma_wait3A_148 = tpu.memref_slice %arg5[%arg0, %mul3A_141, %dma_wait3A_147] : memref<2x10000x128xf32, #tpu.memory_space<hbm>> -> memref<1x1000x128xf32, #tpu.memory_space<hbm>>
        %dma_wait3A_149 = tpu.memref_squeeze %dma_wait3A_148 : memref<1x1000x128xf32, #tpu.memory_space<hbm>> -> memref<1000x128xf32, #tpu.memory_space<hbm>>
        %dma_wait3A_150 = arith.constant 0 : i32
        %dma_wait3A_151 = tpu.memref_slice %arg6[%mul3A_139, %dma_wait3A_150] : memref<10000x128xf32, #tpu.memory_space<vmem_shared>> -> memref<1000x128xf32, #tpu.memory_space<vmem_shared>>
        tpu.wait_dma2 semaphore(%run_scoped3A : memref<!tpu.dma_semaphore, #tpu.memory_space<semaphore_mem>>) src(%dma_wait3A_151 : memref<1000x128xf32, #tpu.memory_space<vmem_shared>>) dst(%dma_wait3A_149 : memref<1000x128xf32, #tpu.memory_space<hbm>>)
        tpu.yield
      }) : () -> ()
    } else {
    }
    return
  }
}

#map = affine_map<(d0, d1) -> (0)>
module attributes {stable_mosaic.version = 14 : i64} {
  func.func @_degree_body(%arg0: i32, %arg1: i32, %arg2: memref<320000xi32, #tpu.memory_space<hbm>>, %arg3: memref<20480xf32, #tpu.memory_space<hbm>>, %arg4: memref<10240xf32, #tpu.memory_space<vmem_shared>>, %arg5: memref<640xf32, #tpu.memory_space<vmem>>, %arg6: memref<80xf32, #tpu.memory_space<vmem>>, %arg7: memref<80xi32, #tpu.memory_space<vmem>>, %arg8: memref<80xi32, #tpu.memory_space<vmem>>, %arg9: memref<80xi32, #tpu.memory_space<vmem>>, %arg10: memref<!tpu.dma_semaphore, #tpu.memory_space<semaphore_mem>>, %arg11: memref<!tpu.dma_semaphore, #tpu.memory_space<semaphore_mem>>, %arg12: memref<!tpu.dma_semaphore, #tpu.memory_space<semaphore_mem>>, %arg13: memref<!tpu.dma_semaphore, #tpu.memory_space<semaphore_mem>>, %arg14: memref<!tpu.dma_semaphore, #tpu.memory_space<semaphore_mem>>, %arg15: memref<!tpu.dma_semaphore, #tpu.memory_space<semaphore_mem>>) attributes {dimension_semantics = [#tpu.dimension_semantics<core_parallel>, #tpu.dimension_semantics<subcore_parallel>], iteration_bounds = array<i64: 2, 16>, scalar_prefetch = 0 : i64, scratch_operands = 12 : i64, tpu.core_type = #tpu.core_type<sc_vector_subcore>, window_params = [{transform_indices = #map}, {transform_indices = #map}]} {
    %scan3A = arith.constant 0 : i32
    %scan3A_0 = arith.constant 0 : i32
    %scan3A_1 = arith.constant 40 : i32
    %scan3A_2 = arith.addi %scan3A_0, %scan3A_1 : i32
    %scan3A_3 = arith.constant 1 : i32
    %scan3A_4 = scf.for %scan3A_81 = %scan3A_0 to %scan3A_2 step %scan3A_3 iter_args(%scan3A_82 = %scan3A) -> (i32)  : i32 {
      %broadcast_in_dim3A = arith.constant 0.000000e+00 : f32
      %broadcast_in_dim3A_83 = vector.broadcast %broadcast_in_dim3A : f32 to vector<16xf32>
      %mul3A_84 = arith.constant 16 : i32
      %mul3A_85 = arith.muli %scan3A_81, %mul3A_84 : i32
      %swap3A = arith.index_cast %mul3A_85 : i32 to index
      %swap3A_86 = tpu.vector_load %arg5[%swap3A] {strides = array<i32>} : memref<640xf32, #tpu.memory_space<vmem>>, vector<16xf32>,
      %swap3A_87 = vector.shape_cast %swap3A_86 : vector<16xf32> to vector<16xf32>
      %swap3A_88 = vector.shape_cast %broadcast_in_dim3A_83 : vector<16xf32> to vector<16xf32>
      tpu.vector_store %arg5[%swap3A], %swap3A_88 {strides = array<i32>} : memref<640xf32, #tpu.memory_space<vmem>>, vector<16xf32>,
      %scan3A_89 = arith.constant 0 : i32
      scf.yield %scan3A_89 : i32
    }
    %scan3A_5 = arith.constant 40 : i32
    %scan3A_6 = arith.constant 0 : i32
    %scan3A_7 = arith.constant 0 : i32
    %scan3A_8 = arith.constant 5 : i32
    %scan3A_9 = arith.addi %scan3A_7, %scan3A_8 : i32
    %scan3A_10 = arith.constant 1 : i32
    %scan3A_11 = scf.for %scan3A_81 = %scan3A_7 to %scan3A_9 step %scan3A_10 iter_args(%scan3A_82 = %scan3A_6) -> (i32)  : i32 {
      %broadcast_in_dim3A = arith.constant 1.000000e+00 : f32
      %broadcast_in_dim3A_83 = vector.broadcast %broadcast_in_dim3A : f32 to vector<16xf32>
      %mul3A_84 = arith.constant 16 : i32
      %mul3A_85 = arith.muli %scan3A_81, %mul3A_84 : i32
      %swap3A = arith.index_cast %mul3A_85 : i32 to index
      %swap3A_86 = tpu.vector_load %arg6[%swap3A] {strides = array<i32>} : memref<80xf32, #tpu.memory_space<vmem>>, vector<16xf32>,
      %swap3A_87 = vector.shape_cast %swap3A_86 : vector<16xf32> to vector<16xf32>
      %swap3A_88 = vector.shape_cast %broadcast_in_dim3A_83 : vector<16xf32> to vector<16xf32>
      tpu.vector_store %arg6[%swap3A], %swap3A_88 {strides = array<i32>} : memref<80xf32, #tpu.memory_space<vmem>>, vector<16xf32>,
      %scan3A_89 = arith.constant 0 : i32
      scf.yield %scan3A_89 : i32
    }
    %scan3A_12 = arith.constant 5 : i32
    %mul3A = arith.constant 640 : i32
    %mul3A_13 = arith.muli %arg1, %mul3A : i32
    "tpu.region"() ({
      %run_scoped3A = tpu.sem_alloc : memref<!tpu.dma_semaphore, #tpu.memory_space<semaphore_mem>>
      %dma_start3A_81 = tpu.memref_slice %arg4[%mul3A_13] : memref<10240xf32, #tpu.memory_space<vmem_shared>> -> memref<640xf32, #tpu.memory_space<vmem_shared>>
      %dma_start3A_82 = tpu.memref_slice %arg4[%mul3A_13] : memref<10240xf32, #tpu.memory_space<vmem_shared>> -> memref<640xf32, #tpu.memory_space<vmem_shared>>
      tpu.enqueue_dma source(%arg5 : memref<640xf32, #tpu.memory_space<vmem>>) target(%dma_start3A_82 : memref<640xf32, #tpu.memory_space<vmem_shared>>) target_semaphore(%run_scoped3A : memref<!tpu.dma_semaphore, #tpu.memory_space<semaphore_mem>>)
      %dma_wait3A_83 = tpu.memref_slice %arg4[%mul3A_13] : memref<10240xf32, #tpu.memory_space<vmem_shared>> -> memref<640xf32, #tpu.memory_space<vmem_shared>>
      %dma_wait3A_84 = tpu.memref_slice %arg4[%mul3A_13] : memref<10240xf32, #tpu.memory_space<vmem_shared>> -> memref<640xf32, #tpu.memory_space<vmem_shared>>
      tpu.wait_dma2 semaphore(%run_scoped3A : memref<!tpu.dma_semaphore, #tpu.memory_space<semaphore_mem>>) src(%arg5 : memref<640xf32, #tpu.memory_space<vmem>>) dst(%dma_wait3A_84 : memref<640xf32, #tpu.memory_space<vmem_shared>>)
      tpu.yield
    }) : () -> ()
    %barrier3A = arith.constant 0 : index
    tpu.barrier barrier_id(%barrier3A)
    %mul3A_14 = arith.constant 16 : i32
    %mul3A_15 = arith.muli %arg0, %mul3A_14 : i32
    %add3A = arith.addi %mul3A_15, %arg1 : i32
    %mul3A_16 = arith.constant 10000 : i32
    %mul3A_17 = arith.muli %add3A, %mul3A_16 : i32
    %add3A_18 = arith.constant 0 : i32
    %add3A_19 = arith.addi %mul3A_17, %add3A_18 : i32
    %dma_start3A = tpu.memref_slice %arg2[%add3A_19] : memref<320000xi32, #tpu.memory_space<hbm>> -> memref<80xi32, #tpu.memory_space<hbm>>
    %dma_start3A_20 = tpu.memref_slice %arg2[%add3A_19] : memref<320000xi32, #tpu.memory_space<hbm>> -> memref<80xi32, #tpu.memory_space<hbm>>
    tpu.enqueue_dma source(%dma_start3A_20 : memref<80xi32, #tpu.memory_space<hbm>>) target(%arg7 : memref<80xi32, #tpu.memory_space<vmem>>) target_semaphore(%arg10 : memref<!tpu.dma_semaphore, #tpu.memory_space<semaphore_mem>>)
    %add3A_21 = arith.constant 80 : i32
    %add3A_22 = arith.addi %mul3A_17, %add3A_21 : i32
    %dma_start3A_23 = tpu.memref_slice %arg2[%add3A_22] : memref<320000xi32, #tpu.memory_space<hbm>> -> memref<80xi32, #tpu.memory_space<hbm>>
    %dma_start3A_24 = tpu.memref_slice %arg2[%add3A_22] : memref<320000xi32, #tpu.memory_space<hbm>> -> memref<80xi32, #tpu.memory_space<hbm>>
    tpu.enqueue_dma source(%dma_start3A_24 : memref<80xi32, #tpu.memory_space<hbm>>) target(%arg8 : memref<80xi32, #tpu.memory_space<vmem>>) target_semaphore(%arg11 : memref<!tpu.dma_semaphore, #tpu.memory_space<semaphore_mem>>)
    %dma_wait3A = tpu.memref_slice %arg2[%mul3A_17] : memref<320000xi32, #tpu.memory_space<hbm>> -> memref<80xi32, #tpu.memory_space<hbm>>
    %dma_wait3A_25 = tpu.memref_slice %arg2[%mul3A_17] : memref<320000xi32, #tpu.memory_space<hbm>> -> memref<80xi32, #tpu.memory_space<hbm>>
    tpu.wait_dma2 semaphore(%arg10 : memref<!tpu.dma_semaphore, #tpu.memory_space<semaphore_mem>>) src(%dma_wait3A_25 : memref<80xi32, #tpu.memory_space<hbm>>) dst(%arg7 : memref<80xi32, #tpu.memory_space<vmem>>)
    %dma_start3A_26 = arith.constant 0 : i32
    %dma_start3A_27 = tpu.memref_slice %arg4[%dma_start3A_26] : memref<10240xf32, #tpu.memory_space<vmem_shared>> -> memref<10240xf32, #tpu.memory_space<vmem_shared>>
    tpu.enqueue_indirect_dma source(%arg6 : memref<80xf32, #tpu.memory_space<vmem>>) target(%dma_start3A_27 : memref<10240xf32, #tpu.memory_space<vmem_shared>>) offsets(%arg7 : memref<80xi32, #tpu.memory_space<vmem>>) semaphore(%arg13 : memref<!tpu.dma_semaphore, #tpu.memory_space<semaphore_mem>>) {add = true}
    %add3A_28 = arith.constant 160 : i32
    %add3A_29 = arith.addi %mul3A_17, %add3A_28 : i32
    %dma_start3A_30 = tpu.memref_slice %arg2[%add3A_29] : memref<320000xi32, #tpu.memory_space<hbm>> -> memref<80xi32, #tpu.memory_space<hbm>>
    %dma_start3A_31 = tpu.memref_slice %arg2[%add3A_29] : memref<320000xi32, #tpu.memory_space<hbm>> -> memref<80xi32, #tpu.memory_space<hbm>>
    tpu.enqueue_dma source(%dma_start3A_31 : memref<80xi32, #tpu.memory_space<hbm>>) target(%arg9 : memref<80xi32, #tpu.memory_space<vmem>>) target_semaphore(%arg12 : memref<!tpu.dma_semaphore, #tpu.memory_space<semaphore_mem>>)
    %scan3A_32 = arith.constant 0 : i32
    %scan3A_33 = arith.constant 0 : i32
    %scan3A_34 = arith.constant 40 : i32
    %scan3A_35 = arith.addi %scan3A_33, %scan3A_34 : i32
    %scan3A_36 = arith.constant 1 : i32
    %scan3A_37 = scf.for %scan3A_81 = %scan3A_33 to %scan3A_35 step %scan3A_36 iter_args(%scan3A_82 = %scan3A_32) -> (i32)  : i32 {
      %mul3A_83 = arith.constant 3 : i32
      %mul3A_84 = arith.muli %mul3A_83, %scan3A_81 : i32
      %add3A_85 = arith.constant 1 : i32
      %add3A_86 = arith.addi %add3A_85, %mul3A_84 : i32
      %add3A_87 = arith.constant 0 : i32
      %add3A_88 = arith.addi %add3A_86, %add3A_87 : i32
      %dma_wait3A_89 = tpu.memref_slice %arg2[%mul3A_17] : memref<320000xi32, #tpu.memory_space<hbm>> -> memref<80xi32, #tpu.memory_space<hbm>>
      %dma_wait3A_90 = tpu.memref_slice %arg2[%mul3A_17] : memref<320000xi32, #tpu.memory_space<hbm>> -> memref<80xi32, #tpu.memory_space<hbm>>
      tpu.wait_dma2 semaphore(%arg11 : memref<!tpu.dma_semaphore, #tpu.memory_space<semaphore_mem>>) src(%dma_wait3A_90 : memref<80xi32, #tpu.memory_space<hbm>>) dst(%arg8 : memref<80xi32, #tpu.memory_space<vmem>>)
      %dma_start3A_91 = arith.constant 0 : i32
      %dma_start3A_92 = tpu.memref_slice %arg4[%dma_start3A_91] : memref<10240xf32, #tpu.memory_space<vmem_shared>> -> memref<10240xf32, #tpu.memory_space<vmem_shared>>
      tpu.enqueue_indirect_dma source(%arg6 : memref<80xf32, #tpu.memory_space<vmem>>) target(%dma_start3A_92 : memref<10240xf32, #tpu.memory_space<vmem_shared>>) offsets(%arg8 : memref<80xi32, #tpu.memory_space<vmem>>) semaphore(%arg14 : memref<!tpu.dma_semaphore, #tpu.memory_space<semaphore_mem>>) {add = true}
      %dma_wait3A_93 = arith.constant 0 : i32
      %dma_wait3A_94 = tpu.memref_slice %arg4[%dma_wait3A_93] : memref<10240xf32, #tpu.memory_space<vmem_shared>> -> memref<10240xf32, #tpu.memory_space<vmem_shared>>
      tpu.wait_indirect_dma semaphore(%arg13 : memref<!tpu.dma_semaphore, #tpu.memory_space<semaphore_mem>>) src(%arg6 : memref<80xf32, #tpu.memory_space<vmem>>) dst(%dma_wait3A_94 : memref<10240xf32, #tpu.memory_space<vmem_shared>>)
      %add3A_95 = arith.constant 2 : i32
      %add3A_96 = arith.addi %add3A_88, %add3A_95 : i32
      %mul3A_97 = arith.constant 80 : i32
      %mul3A_98 = arith.muli %add3A_96, %mul3A_97 : i32
      %add3A_99 = arith.addi %mul3A_17, %mul3A_98 : i32
      %dma_start3A_100 = tpu.memref_slice %arg2[%add3A_99] : memref<320000xi32, #tpu.memory_space<hbm>> -> memref<80xi32, #tpu.memory_space<hbm>>
      %dma_start3A_101 = tpu.memref_slice %arg2[%add3A_99] : memref<320000xi32, #tpu.memory_space<hbm>> -> memref<80xi32, #tpu.memory_space<hbm>>
      tpu.enqueue_dma source(%dma_start3A_101 : memref<80xi32, #tpu.memory_space<hbm>>) target(%arg7 : memref<80xi32, #tpu.memory_space<vmem>>) target_semaphore(%arg10 : memref<!tpu.dma_semaphore, #tpu.memory_space<semaphore_mem>>)
      %mul3A_102 = arith.constant 3 : i32
      %mul3A_103 = arith.muli %mul3A_102, %scan3A_81 : i32
      %add3A_104 = arith.constant 1 : i32
      %add3A_105 = arith.addi %add3A_104, %mul3A_103 : i32
      %add3A_106 = arith.constant 1 : i32
      %add3A_107 = arith.addi %add3A_105, %add3A_106 : i32
      %dma_wait3A_108 = tpu.memref_slice %arg2[%mul3A_17] : memref<320000xi32, #tpu.memory_space<hbm>> -> memref<80xi32, #tpu.memory_space<hbm>>
      %dma_wait3A_109 = tpu.memref_slice %arg2[%mul3A_17] : memref<320000xi32, #tpu.memory_space<hbm>> -> memref<80xi32, #tpu.memory_space<hbm>>
      tpu.wait_dma2 semaphore(%arg12 : memref<!tpu.dma_semaphore, #tpu.memory_space<semaphore_mem>>) src(%dma_wait3A_109 : memref<80xi32, #tpu.memory_space<hbm>>) dst(%arg9 : memref<80xi32, #tpu.memory_space<vmem>>)
      %dma_start3A_110 = arith.constant 0 : i32
      %dma_start3A_111 = tpu.memref_slice %arg4[%dma_start3A_110] : memref<10240xf32, #tpu.memory_space<vmem_shared>> -> memref<10240xf32, #tpu.memory_space<vmem_shared>>
      tpu.enqueue_indirect_dma source(%arg6 : memref<80xf32, #tpu.memory_space<vmem>>) target(%dma_start3A_111 : memref<10240xf32, #tpu.memory_space<vmem_shared>>) offsets(%arg9 : memref<80xi32, #tpu.memory_space<vmem>>) semaphore(%arg15 : memref<!tpu.dma_semaphore, #tpu.memory_space<semaphore_mem>>) {add = true}
      %dma_wait3A_112 = arith.constant 0 : i32
      %dma_wait3A_113 = tpu.memref_slice %arg4[%dma_wait3A_112] : memref<10240xf32, #tpu.memory_space<vmem_shared>> -> memref<10240xf32, #tpu.memory_space<vmem_shared>>
      tpu.wait_indirect_dma semaphore(%arg14 : memref<!tpu.dma_semaphore, #tpu.memory_space<semaphore_mem>>) src(%arg6 : memref<80xf32, #tpu.memory_space<vmem>>) dst(%dma_wait3A_113 : memref<10240xf32, #tpu.memory_space<vmem_shared>>)
      %add3A_114 = arith.constant 2 : i32
      %add3A_115 = arith.addi %add3A_107, %add3A_114 : i32
      %mul3A_116 = arith.constant 80 : i32
      %mul3A_117 = arith.muli %add3A_115, %mul3A_116 : i32
      %add3A_118 = arith.addi %mul3A_17, %mul3A_117 : i32
      %dma_start3A_119 = tpu.memref_slice %arg2[%add3A_118] : memref<320000xi32, #tpu.memory_space<hbm>> -> memref<80xi32, #tpu.memory_space<hbm>>
      %dma_start3A_120 = tpu.memref_slice %arg2[%add3A_118] : memref<320000xi32, #tpu.memory_space<hbm>> -> memref<80xi32, #tpu.memory_space<hbm>>
      tpu.enqueue_dma source(%dma_start3A_120 : memref<80xi32, #tpu.memory_space<hbm>>) target(%arg8 : memref<80xi32, #tpu.memory_space<vmem>>) target_semaphore(%arg11 : memref<!tpu.dma_semaphore, #tpu.memory_space<semaphore_mem>>)
      %mul3A_121 = arith.constant 3 : i32
      %mul3A_122 = arith.muli %mul3A_121, %scan3A_81 : i32
      %add3A_123 = arith.constant 1 : i32
      %add3A_124 = arith.addi %add3A_123, %mul3A_122 : i32
      %add3A_125 = arith.constant 2 : i32
      %add3A_126 = arith.addi %add3A_124, %add3A_125 : i32
      %dma_wait3A_127 = tpu.memref_slice %arg2[%mul3A_17] : memref<320000xi32, #tpu.memory_space<hbm>> -> memref<80xi32, #tpu.memory_space<hbm>>
      %dma_wait3A_128 = tpu.memref_slice %arg2[%mul3A_17] : memref<320000xi32, #tpu.memory_space<hbm>> -> memref<80xi32, #tpu.memory_space<hbm>>
      tpu.wait_dma2 semaphore(%arg10 : memref<!tpu.dma_semaphore, #tpu.memory_space<semaphore_mem>>) src(%dma_wait3A_128 : memref<80xi32, #tpu.memory_space<hbm>>) dst(%arg7 : memref<80xi32, #tpu.memory_space<vmem>>)
      %dma_start3A_129 = arith.constant 0 : i32
      %dma_start3A_130 = tpu.memref_slice %arg4[%dma_start3A_129] : memref<10240xf32, #tpu.memory_space<vmem_shared>> -> memref<10240xf32, #tpu.memory_space<vmem_shared>>
      tpu.enqueue_indirect_dma source(%arg6 : memref<80xf32, #tpu.memory_space<vmem>>) target(%dma_start3A_130 : memref<10240xf32, #tpu.memory_space<vmem_shared>>) offsets(%arg7 : memref<80xi32, #tpu.memory_space<vmem>>) semaphore(%arg13 : memref<!tpu.dma_semaphore, #tpu.memory_space<semaphore_mem>>) {add = true}
      %dma_wait3A_131 = arith.constant 0 : i32
      %dma_wait3A_132 = tpu.memref_slice %arg4[%dma_wait3A_131] : memref<10240xf32, #tpu.memory_space<vmem_shared>> -> memref<10240xf32, #tpu.memory_space<vmem_shared>>
      tpu.wait_indirect_dma semaphore(%arg15 : memref<!tpu.dma_semaphore, #tpu.memory_space<semaphore_mem>>) src(%arg6 : memref<80xf32, #tpu.memory_space<vmem>>) dst(%dma_wait3A_132 : memref<10240xf32, #tpu.memory_space<vmem_shared>>)
      %add3A_133 = arith.constant 2 : i32
      %add3A_134 = arith.addi %add3A_126, %add3A_133 : i32
      %mul3A_135 = arith.constant 80 : i32
      %mul3A_136 = arith.muli %add3A_134, %mul3A_135 : i32
      %add3A_137 = arith.addi %mul3A_17, %mul3A_136 : i32
      %dma_start3A_138 = tpu.memref_slice %arg2[%add3A_137] : memref<320000xi32, #tpu.memory_space<hbm>> -> memref<80xi32, #tpu.memory_space<hbm>>
      %dma_start3A_139 = tpu.memref_slice %arg2[%add3A_137] : memref<320000xi32, #tpu.memory_space<hbm>> -> memref<80xi32, #tpu.memory_space<hbm>>
      tpu.enqueue_dma source(%dma_start3A_139 : memref<80xi32, #tpu.memory_space<hbm>>) target(%arg9 : memref<80xi32, #tpu.memory_space<vmem>>) target_semaphore(%arg12 : memref<!tpu.dma_semaphore, #tpu.memory_space<semaphore_mem>>)
      %scan3A_140 = arith.constant 0 : i32
      scf.yield %scan3A_140 : i32
    }
    %scan3A_38 = arith.constant 40 : i32
    %dma_wait3A_39 = tpu.memref_slice %arg2[%mul3A_17] : memref<320000xi32, #tpu.memory_space<hbm>> -> memref<80xi32, #tpu.memory_space<hbm>>
    %dma_wait3A_40 = tpu.memref_slice %arg2[%mul3A_17] : memref<320000xi32, #tpu.memory_space<hbm>> -> memref<80xi32, #tpu.memory_space<hbm>>
    tpu.wait_dma2 semaphore(%arg11 : memref<!tpu.dma_semaphore, #tpu.memory_space<semaphore_mem>>) src(%dma_wait3A_40 : memref<80xi32, #tpu.memory_space<hbm>>) dst(%arg8 : memref<80xi32, #tpu.memory_space<vmem>>)
    %dma_start3A_41 = arith.constant 0 : i32
    %dma_start3A_42 = tpu.memref_slice %arg4[%dma_start3A_41] : memref<10240xf32, #tpu.memory_space<vmem_shared>> -> memref<10240xf32, #tpu.memory_space<vmem_shared>>
    tpu.enqueue_indirect_dma source(%arg6 : memref<80xf32, #tpu.memory_space<vmem>>) target(%dma_start3A_42 : memref<10240xf32, #tpu.memory_space<vmem_shared>>) offsets(%arg8 : memref<80xi32, #tpu.memory_space<vmem>>) semaphore(%arg14 : memref<!tpu.dma_semaphore, #tpu.memory_space<semaphore_mem>>) {add = true}
    %dma_wait3A_43 = arith.constant 0 : i32
    %dma_wait3A_44 = tpu.memref_slice %arg4[%dma_wait3A_43] : memref<10240xf32, #tpu.memory_space<vmem_shared>> -> memref<10240xf32, #tpu.memory_space<vmem_shared>>
    tpu.wait_indirect_dma semaphore(%arg13 : memref<!tpu.dma_semaphore, #tpu.memory_space<semaphore_mem>>) src(%arg6 : memref<80xf32, #tpu.memory_space<vmem>>) dst(%dma_wait3A_44 : memref<10240xf32, #tpu.memory_space<vmem_shared>>)
    %add3A_45 = arith.constant 9840 : i32
    %add3A_46 = arith.addi %mul3A_17, %add3A_45 : i32
    %dma_start3A_47 = tpu.memref_slice %arg2[%add3A_46] : memref<320000xi32, #tpu.memory_space<hbm>> -> memref<80xi32, #tpu.memory_space<hbm>>
    %dma_start3A_48 = tpu.memref_slice %arg2[%add3A_46] : memref<320000xi32, #tpu.memory_space<hbm>> -> memref<80xi32, #tpu.memory_space<hbm>>
    tpu.enqueue_dma source(%dma_start3A_48 : memref<80xi32, #tpu.memory_space<hbm>>) target(%arg7 : memref<80xi32, #tpu.memory_space<vmem>>) target_semaphore(%arg10 : memref<!tpu.dma_semaphore, #tpu.memory_space<semaphore_mem>>)
    %dma_wait3A_49 = tpu.memref_slice %arg2[%mul3A_17] : memref<320000xi32, #tpu.memory_space<hbm>> -> memref<80xi32, #tpu.memory_space<hbm>>
    %dma_wait3A_50 = tpu.memref_slice %arg2[%mul3A_17] : memref<320000xi32, #tpu.memory_space<hbm>> -> memref<80xi32, #tpu.memory_space<hbm>>
    tpu.wait_dma2 semaphore(%arg12 : memref<!tpu.dma_semaphore, #tpu.memory_space<semaphore_mem>>) src(%dma_wait3A_50 : memref<80xi32, #tpu.memory_space<hbm>>) dst(%arg9 : memref<80xi32, #tpu.memory_space<vmem>>)
    %dma_start3A_51 = arith.constant 0 : i32
    %dma_start3A_52 = tpu.memref_slice %arg4[%dma_start3A_51] : memref<10240xf32, #tpu.memory_space<vmem_shared>> -> memref<10240xf32, #tpu.memory_space<vmem_shared>>
    tpu.enqueue_indirect_dma source(%arg6 : memref<80xf32, #tpu.memory_space<vmem>>) target(%dma_start3A_52 : memref<10240xf32, #tpu.memory_space<vmem_shared>>) offsets(%arg9 : memref<80xi32, #tpu.memory_space<vmem>>) semaphore(%arg15 : memref<!tpu.dma_semaphore, #tpu.memory_space<semaphore_mem>>) {add = true}
    %dma_wait3A_53 = arith.constant 0 : i32
    %dma_wait3A_54 = tpu.memref_slice %arg4[%dma_wait3A_53] : memref<10240xf32, #tpu.memory_space<vmem_shared>> -> memref<10240xf32, #tpu.memory_space<vmem_shared>>
    tpu.wait_indirect_dma semaphore(%arg14 : memref<!tpu.dma_semaphore, #tpu.memory_space<semaphore_mem>>) src(%arg6 : memref<80xf32, #tpu.memory_space<vmem>>) dst(%dma_wait3A_54 : memref<10240xf32, #tpu.memory_space<vmem_shared>>)
    %add3A_55 = arith.constant 9920 : i32
    %add3A_56 = arith.addi %mul3A_17, %add3A_55 : i32
    %dma_start3A_57 = tpu.memref_slice %arg2[%add3A_56] : memref<320000xi32, #tpu.memory_space<hbm>> -> memref<80xi32, #tpu.memory_space<hbm>>
    %dma_start3A_58 = tpu.memref_slice %arg2[%add3A_56] : memref<320000xi32, #tpu.memory_space<hbm>> -> memref<80xi32, #tpu.memory_space<hbm>>
    tpu.enqueue_dma source(%dma_start3A_58 : memref<80xi32, #tpu.memory_space<hbm>>) target(%arg8 : memref<80xi32, #tpu.memory_space<vmem>>) target_semaphore(%arg11 : memref<!tpu.dma_semaphore, #tpu.memory_space<semaphore_mem>>)
    %dma_wait3A_59 = tpu.memref_slice %arg2[%mul3A_17] : memref<320000xi32, #tpu.memory_space<hbm>> -> memref<80xi32, #tpu.memory_space<hbm>>
    %dma_wait3A_60 = tpu.memref_slice %arg2[%mul3A_17] : memref<320000xi32, #tpu.memory_space<hbm>> -> memref<80xi32, #tpu.memory_space<hbm>>
    tpu.wait_dma2 semaphore(%arg10 : memref<!tpu.dma_semaphore, #tpu.memory_space<semaphore_mem>>) src(%dma_wait3A_60 : memref<80xi32, #tpu.memory_space<hbm>>) dst(%arg7 : memref<80xi32, #tpu.memory_space<vmem>>)
    %dma_start3A_61 = arith.constant 0 : i32
    %dma_start3A_62 = tpu.memref_slice %arg4[%dma_start3A_61] : memref<10240xf32, #tpu.memory_space<vmem_shared>> -> memref<10240xf32, #tpu.memory_space<vmem_shared>>
    tpu.enqueue_indirect_dma source(%arg6 : memref<80xf32, #tpu.memory_space<vmem>>) target(%dma_start3A_62 : memref<10240xf32, #tpu.memory_space<vmem_shared>>) offsets(%arg7 : memref<80xi32, #tpu.memory_space<vmem>>) semaphore(%arg13 : memref<!tpu.dma_semaphore, #tpu.memory_space<semaphore_mem>>) {add = true}
    %dma_wait3A_63 = tpu.memref_slice %arg2[%mul3A_17] : memref<320000xi32, #tpu.memory_space<hbm>> -> memref<80xi32, #tpu.memory_space<hbm>>
    %dma_wait3A_64 = tpu.memref_slice %arg2[%mul3A_17] : memref<320000xi32, #tpu.memory_space<hbm>> -> memref<80xi32, #tpu.memory_space<hbm>>
    tpu.wait_dma2 semaphore(%arg11 : memref<!tpu.dma_semaphore, #tpu.memory_space<semaphore_mem>>) src(%dma_wait3A_64 : memref<80xi32, #tpu.memory_space<hbm>>) dst(%arg8 : memref<80xi32, #tpu.memory_space<vmem>>)
    %dma_start3A_65 = arith.constant 0 : i32
    %dma_start3A_66 = tpu.memref_slice %arg4[%dma_start3A_65] : memref<10240xf32, #tpu.memory_space<vmem_shared>> -> memref<10240xf32, #tpu.memory_space<vmem_shared>>
    tpu.enqueue_indirect_dma source(%arg6 : memref<80xf32, #tpu.memory_space<vmem>>) target(%dma_start3A_66 : memref<10240xf32, #tpu.memory_space<vmem_shared>>) offsets(%arg8 : memref<80xi32, #tpu.memory_space<vmem>>) semaphore(%arg14 : memref<!tpu.dma_semaphore, #tpu.memory_space<semaphore_mem>>) {add = true}
    %dma_wait3A_67 = arith.constant 0 : i32
    %dma_wait3A_68 = tpu.memref_slice %arg4[%dma_wait3A_67] : memref<10240xf32, #tpu.memory_space<vmem_shared>> -> memref<10240xf32, #tpu.memory_space<vmem_shared>>
    tpu.wait_indirect_dma semaphore(%arg15 : memref<!tpu.dma_semaphore, #tpu.memory_space<semaphore_mem>>) src(%arg6 : memref<80xf32, #tpu.memory_space<vmem>>) dst(%dma_wait3A_68 : memref<10240xf32, #tpu.memory_space<vmem_shared>>)
    %dma_wait3A_69 = arith.constant 0 : i32
    %dma_wait3A_70 = tpu.memref_slice %arg4[%dma_wait3A_69] : memref<10240xf32, #tpu.memory_space<vmem_shared>> -> memref<10240xf32, #tpu.memory_space<vmem_shared>>
    tpu.wait_indirect_dma semaphore(%arg13 : memref<!tpu.dma_semaphore, #tpu.memory_space<semaphore_mem>>) src(%arg6 : memref<80xf32, #tpu.memory_space<vmem>>) dst(%dma_wait3A_70 : memref<10240xf32, #tpu.memory_space<vmem_shared>>)
    %dma_wait3A_71 = arith.constant 0 : i32
    %dma_wait3A_72 = tpu.memref_slice %arg4[%dma_wait3A_71] : memref<10240xf32, #tpu.memory_space<vmem_shared>> -> memref<10240xf32, #tpu.memory_space<vmem_shared>>
    tpu.wait_indirect_dma semaphore(%arg14 : memref<!tpu.dma_semaphore, #tpu.memory_space<semaphore_mem>>) src(%arg6 : memref<80xf32, #tpu.memory_space<vmem>>) dst(%dma_wait3A_72 : memref<10240xf32, #tpu.memory_space<vmem_shared>>)
    %barrier3A_73 = arith.constant 0 : index
    tpu.barrier barrier_id(%barrier3A_73)
    %mul3A_74 = arith.constant 640 : i32
    %mul3A_75 = arith.muli %arg1, %mul3A_74 : i32
    %mul3A_76 = arith.constant 10240 : i32
    %mul3A_77 = arith.muli %arg0, %mul3A_76 : i32
    %mul3A_78 = arith.constant 640 : i32
    %mul3A_79 = arith.muli %arg1, %mul3A_78 : i32
    %add3A_80 = arith.addi %mul3A_77, %mul3A_79 : i32
    "tpu.region"() ({
      %run_scoped3A = tpu.sem_alloc : memref<!tpu.dma_semaphore, #tpu.memory_space<semaphore_mem>>
      %dma_start3A_81 = tpu.memref_slice %arg3[%add3A_80] : memref<20480xf32, #tpu.memory_space<hbm>> -> memref<640xf32, #tpu.memory_space<hbm>>
      %dma_start3A_82 = tpu.memref_slice %arg4[%mul3A_75] : memref<10240xf32, #tpu.memory_space<vmem_shared>> -> memref<640xf32, #tpu.memory_space<vmem_shared>>
      tpu.enqueue_dma source(%dma_start3A_82 : memref<640xf32, #tpu.memory_space<vmem_shared>>) target(%dma_start3A_81 : memref<640xf32, #tpu.memory_space<hbm>>) target_semaphore(%run_scoped3A : memref<!tpu.dma_semaphore, #tpu.memory_space<semaphore_mem>>)
      %dma_wait3A_83 = tpu.memref_slice %arg3[%add3A_80] : memref<20480xf32, #tpu.memory_space<hbm>> -> memref<640xf32, #tpu.memory_space<hbm>>
      %dma_wait3A_84 = tpu.memref_slice %arg4[%mul3A_75] : memref<10240xf32, #tpu.memory_space<vmem_shared>> -> memref<640xf32, #tpu.memory_space<vmem_shared>>
      tpu.wait_dma2 semaphore(%run_scoped3A : memref<!tpu.dma_semaphore, #tpu.memory_space<semaphore_mem>>) src(%dma_wait3A_84 : memref<640xf32, #tpu.memory_space<vmem_shared>>) dst(%dma_wait3A_83 : memref<640xf32, #tpu.memory_space<hbm>>)
      tpu.yield
    }) : () -> ()
    return
  }
}

#map = affine_map<(d0, d1) -> (0, 0)>
#map1 = affine_map<(d0, d1) -> (0)>
#map2 = affine_map<(d0, d1) -> (0, 0, 0)>
module attributes {stable_mosaic.version = 14 : i64} {
  func.func @_agg_body(%arg0: i32, %arg1: i32, %arg2: memref<10000x128xf32, #tpu.memory_space<hbm>>, %arg3: memref<320000xi32, #tpu.memory_space<hbm>>, %arg4: memref<320000xi32, #tpu.memory_space<hbm>>, %arg5: memref<2x10000x128xf32, #tpu.memory_space<hbm>>, %arg6: memref<10000x128xf32, #tpu.memory_space<vmem_shared>>, %arg7: memref<10000xi32, #tpu.memory_space<vmem>>, %arg8: memref<80x128xf32, #tpu.memory_space<vmem>>, %arg9: memref<80x128xf32, #tpu.memory_space<vmem>>, %arg10: memref<80x128xf32, #tpu.memory_space<vmem>>, %arg11: memref<80xi32, #tpu.memory_space<vmem>>, %arg12: memref<80xi32, #tpu.memory_space<vmem>>, %arg13: memref<80xi32, #tpu.memory_space<vmem>>, %arg14: memref<!tpu.dma_semaphore, #tpu.memory_space<semaphore_mem>>, %arg15: memref<!tpu.dma_semaphore, #tpu.memory_space<semaphore_mem>>, %arg16: memref<!tpu.dma_semaphore, #tpu.memory_space<semaphore_mem>>, %arg17: memref<!tpu.dma_semaphore, #tpu.memory_space<semaphore_mem>>, %arg18: memref<!tpu.dma_semaphore, #tpu.memory_space<semaphore_mem>>, %arg19: memref<!tpu.dma_semaphore, #tpu.memory_space<semaphore_mem>>, %arg20: memref<!tpu.dma_semaphore, #tpu.memory_space<semaphore_mem>>, %arg21: memref<!tpu.dma_semaphore, #tpu.memory_space<semaphore_mem>>, %arg22: memref<!tpu.dma_semaphore, #tpu.memory_space<semaphore_mem>>, %arg23: memref<!tpu.dma_semaphore, #tpu.memory_space<semaphore_mem>>) attributes {dimension_semantics = [#tpu.dimension_semantics<core_parallel>, #tpu.dimension_semantics<subcore_parallel>], iteration_bounds = array<i64: 2, 16>, scalar_prefetch = 0 : i64, scratch_operands = 18 : i64, tpu.core_type = #tpu.core_type<sc_vector_subcore>, window_params = [{transform_indices = #map}, {transform_indices = #map1}, {transform_indices = #map1}, {transform_indices = #map2}]} {
    %mul3A = arith.constant 16 : i32
    %mul3A_0 = arith.muli %arg0, %mul3A : i32
    %add3A = arith.addi %mul3A_0, %arg1 : i32
    %mul3A_1 = arith.constant 125 : i32
    %mul3A_2 = arith.muli %add3A, %mul3A_1 : i32
    %mul3A_3 = arith.constant 80 : i32
    %mul3A_4 = arith.muli %mul3A_2, %mul3A_3 : i32
    %dma_start3A = tpu.memref_slice %arg3[%mul3A_4] : memref<320000xi32, #tpu.memory_space<hbm>> -> memref<10000xi32, #tpu.memory_space<hbm>>
    %dma_start3A_5 = tpu.memref_slice %arg3[%mul3A_4] : memref<320000xi32, #tpu.memory_space<hbm>> -> memref<10000xi32, #tpu.memory_space<hbm>>
    tpu.enqueue_dma source(%dma_start3A_5 : memref<10000xi32, #tpu.memory_space<hbm>>) target(%arg7 : memref<10000xi32, #tpu.memory_space<vmem>>) target_semaphore(%arg14 : memref<!tpu.dma_semaphore, #tpu.memory_space<semaphore_mem>>)
    %scan3A = arith.constant 0 : i32
    %scan3A_6 = arith.constant 0 : i32
    %scan3A_7 = arith.constant 80 : i32
    %scan3A_8 = arith.addi %scan3A_6, %scan3A_7 : i32
    %scan3A_9 = arith.constant 1 : i32
    %scan3A_10 = scf.for %scan3A_138 = %scan3A_6 to %scan3A_8 step %scan3A_9 iter_args(%scan3A_139 = %scan3A) -> (i32)  : i32 {
      %broadcast_in_dim3A = arith.constant 0.000000e+00 : f32
      %broadcast_in_dim3A_140 = vector.broadcast %broadcast_in_dim3A : f32 to vector<16xf32>
      %swap3A = arith.index_cast %scan3A_138 : i32 to index
      %swap3A_141 = arith.constant 0 : index
      %swap3A_142 = tpu.vector_load %arg8[%swap3A, %swap3A_141] {strides = array<i32>} : memref<80x128xf32, #tpu.memory_space<vmem>>, vector<1x16xf32>,
      %swap3A_143 = vector.shape_cast %swap3A_142 : vector<1x16xf32> to vector<16xf32>
      %swap3A_144 = vector.shape_cast %broadcast_in_dim3A_140 : vector<16xf32> to vector<1x16xf32>
      tpu.vector_store %arg8[%swap3A, %swap3A_141], %swap3A_144 {strides = array<i32>} : memref<80x128xf32, #tpu.memory_space<vmem>>, vector<1x16xf32>,
      %broadcast_in_dim3A_145 = arith.constant 0.000000e+00 : f32
      %broadcast_in_dim3A_146 = vector.broadcast %broadcast_in_dim3A_145 : f32 to vector<16xf32>
      %swap3A_147 = arith.index_cast %scan3A_138 : i32 to index
      %swap3A_148 = arith.constant 16 : index
      %swap3A_149 = tpu.vector_load %arg8[%swap3A_147, %swap3A_148] {strides = array<i32>} : memref<80x128xf32, #tpu.memory_space<vmem>>, vector<1x16xf32>,
      %swap3A_150 = vector.shape_cast %swap3A_149 : vector<1x16xf32> to vector<16xf32>
      %swap3A_151 = vector.shape_cast %broadcast_in_dim3A_146 : vector<16xf32> to vector<1x16xf32>
      tpu.vector_store %arg8[%swap3A_147, %swap3A_148], %swap3A_151 {strides = array<i32>} : memref<80x128xf32, #tpu.memory_space<vmem>>, vector<1x16xf32>,
      %broadcast_in_dim3A_152 = arith.constant 0.000000e+00 : f32
      %broadcast_in_dim3A_153 = vector.broadcast %broadcast_in_dim3A_152 : f32 to vector<16xf32>
      %swap3A_154 = arith.index_cast %scan3A_138 : i32 to index
      %swap3A_155 = arith.constant 32 : index
      %swap3A_156 = tpu.vector_load %arg8[%swap3A_154, %swap3A_155] {strides = array<i32>} : memref<80x128xf32, #tpu.memory_space<vmem>>, vector<1x16xf32>,
      %swap3A_157 = vector.shape_cast %swap3A_156 : vector<1x16xf32> to vector<16xf32>
      %swap3A_158 = vector.shape_cast %broadcast_in_dim3A_153 : vector<16xf32> to vector<1x16xf32>
      tpu.vector_store %arg8[%swap3A_154, %swap3A_155], %swap3A_158 {strides = array<i32>} : memref<80x128xf32, #tpu.memory_space<vmem>>, vector<1x16xf32>,
      %broadcast_in_dim3A_159 = arith.constant 0.000000e+00 : f32
      %broadcast_in_dim3A_160 = vector.broadcast %broadcast_in_dim3A_159 : f32 to vector<16xf32>
      %swap3A_161 = arith.index_cast %scan3A_138 : i32 to index
      %swap3A_162 = arith.constant 48 : index
      %swap3A_163 = tpu.vector_load %arg8[%swap3A_161, %swap3A_162] {strides = array<i32>} : memref<80x128xf32, #tpu.memory_space<vmem>>, vector<1x16xf32>,
      %swap3A_164 = vector.shape_cast %swap3A_163 : vector<1x16xf32> to vector<16xf32>
      %swap3A_165 = vector.shape_cast %broadcast_in_dim3A_160 : vector<16xf32> to vector<1x16xf32>
      tpu.vector_store %arg8[%swap3A_161, %swap3A_162], %swap3A_165 {strides = array<i32>} : memref<80x128xf32, #tpu.memory_space<vmem>>, vector<1x16xf32>,
      %broadcast_in_dim3A_166 = arith.constant 0.000000e+00 : f32
      %broadcast_in_dim3A_167 = vector.broadcast %broadcast_in_dim3A_166 : f32 to vector<16xf32>
      %swap3A_168 = arith.index_cast %scan3A_138 : i32 to index
      %swap3A_169 = arith.constant 64 : index
      %swap3A_170 = tpu.vector_load %arg8[%swap3A_168, %swap3A_169] {strides = array<i32>} : memref<80x128xf32, #tpu.memory_space<vmem>>, vector<1x16xf32>,
      %swap3A_171 = vector.shape_cast %swap3A_170 : vector<1x16xf32> to vector<16xf32>
      %swap3A_172 = vector.shape_cast %broadcast_in_dim3A_167 : vector<16xf32> to vector<1x16xf32>
      tpu.vector_store %arg8[%swap3A_168, %swap3A_169], %swap3A_172 {strides = array<i32>} : memref<80x128xf32, #tpu.memory_space<vmem>>, vector<1x16xf32>,
      %broadcast_in_dim3A_173 = arith.constant 0.000000e+00 : f32
      %broadcast_in_dim3A_174 = vector.broadcast %broadcast_in_dim3A_173 : f32 to vector<16xf32>
      %swap3A_175 = arith.index_cast %scan3A_138 : i32 to index
      %swap3A_176 = arith.constant 80 : index
      %swap3A_177 = tpu.vector_load %arg8[%swap3A_175, %swap3A_176] {strides = array<i32>} : memref<80x128xf32, #tpu.memory_space<vmem>>, vector<1x16xf32>,
      %swap3A_178 = vector.shape_cast %swap3A_177 : vector<1x16xf32> to vector<16xf32>
      %swap3A_179 = vector.shape_cast %broadcast_in_dim3A_174 : vector<16xf32> to vector<1x16xf32>
      tpu.vector_store %arg8[%swap3A_175, %swap3A_176], %swap3A_179 {strides = array<i32>} : memref<80x128xf32, #tpu.memory_space<vmem>>, vector<1x16xf32>,
      %broadcast_in_dim3A_180 = arith.constant 0.000000e+00 : f32
      %broadcast_in_dim3A_181 = vector.broadcast %broadcast_in_dim3A_180 : f32 to vector<16xf32>
      %swap3A_182 = arith.index_cast %scan3A_138 : i32 to index
      %swap3A_183 = arith.constant 96 : index
      %swap3A_184 = tpu.vector_load %arg8[%swap3A_182, %swap3A_183] {strides = array<i32>} : memref<80x128xf32, #tpu.memory_space<vmem>>, vector<1x16xf32>,
      %swap3A_185 = vector.shape_cast %swap3A_184 : vector<1x16xf32> to vector<16xf32>
      %swap3A_186 = vector.shape_cast %broadcast_in_dim3A_181 : vector<16xf32> to vector<1x16xf32>
      tpu.vector_store %arg8[%swap3A_182, %swap3A_183], %swap3A_186 {strides = array<i32>} : memref<80x128xf32, #tpu.memory_space<vmem>>, vector<1x16xf32>,
      %broadcast_in_dim3A_187 = arith.constant 0.000000e+00 : f32
      %broadcast_in_dim3A_188 = vector.broadcast %broadcast_in_dim3A_187 : f32 to vector<16xf32>
      %swap3A_189 = arith.index_cast %scan3A_138 : i32 to index
      %swap3A_190 = arith.constant 112 : index
      %swap3A_191 = tpu.vector_load %arg8[%swap3A_189, %swap3A_190] {strides = array<i32>} : memref<80x128xf32, #tpu.memory_space<vmem>>, vector<1x16xf32>,
      %swap3A_192 = vector.shape_cast %swap3A_191 : vector<1x16xf32> to vector<16xf32>
      %swap3A_193 = vector.shape_cast %broadcast_in_dim3A_188 : vector<16xf32> to vector<1x16xf32>
      tpu.vector_store %arg8[%swap3A_189, %swap3A_190], %swap3A_193 {strides = array<i32>} : memref<80x128xf32, #tpu.memory_space<vmem>>, vector<1x16xf32>,
      %scan3A_194 = arith.constant 0 : i32
      scf.yield %scan3A_194 : i32
    }
    %scan3A_11 = arith.constant 80 : i32
    %lt3A = arith.constant 10 : i32
    %lt3A_12 = arith.cmpi slt, %arg1, %lt3A : i32
    %convert_element_type3A = arith.extui %lt3A_12 : i1 to i32
    %cond3A = arith.constant 0 : i32
    %cond3A_13 = arith.cmpi ne, %convert_element_type3A, %cond3A : i32
    scf.if %cond3A_13 {
      %mul3A_138 = arith.constant 1000 : i32
      %mul3A_139 = arith.muli %arg1, %mul3A_138 : i32
      %add3A_140 = arith.constant 0 : i32
      %add3A_141 = arith.addi %mul3A_139, %add3A_140 : i32
      "tpu.region"() ({
        %run_scoped3A = tpu.sem_alloc : memref<!tpu.dma_semaphore, #tpu.memory_space<semaphore_mem>>
        %dma_start3A_190 = arith.constant 0 : i32
        %dma_start3A_191 = tpu.memref_slice %arg6[%add3A_141, %dma_start3A_190] : memref<10000x128xf32, #tpu.memory_space<vmem_shared>> -> memref<80x128xf32, #tpu.memory_space<vmem_shared>>
        %dma_start3A_192 = arith.constant 0 : i32
        %dma_start3A_193 = tpu.memref_slice %arg6[%add3A_141, %dma_start3A_192] : memref<10000x128xf32, #tpu.memory_space<vmem_shared>> -> memref<80x128xf32, #tpu.memory_space<vmem_shared>>
        tpu.enqueue_dma source(%arg8 : memref<80x128xf32, #tpu.memory_space<vmem>>) target(%dma_start3A_193 : memref<80x128xf32, #tpu.memory_space<vmem_shared>>) target_semaphore(%run_scoped3A : memref<!tpu.dma_semaphore, #tpu.memory_space<semaphore_mem>>)
        %dma_wait3A_194 = arith.constant 0 : i32
        %dma_wait3A_195 = tpu.memref_slice %arg6[%add3A_141, %dma_wait3A_194] : memref<10000x128xf32, #tpu.memory_space<vmem_shared>> -> memref<80x128xf32, #tpu.memory_space<vmem_shared>>
        %dma_wait3A_196 = arith.constant 0 : i32
        %dma_wait3A_197 = tpu.memref_slice %arg6[%add3A_141, %dma_wait3A_196] : memref<10000x128xf32, #tpu.memory_space<vmem_shared>> -> memref<80x128xf32, #tpu.memory_space<vmem_shared>>
        tpu.wait_dma2 semaphore(%run_scoped3A : memref<!tpu.dma_semaphore, #tpu.memory_space<semaphore_mem>>) src(%arg8 : memref<80x128xf32, #tpu.memory_space<vmem>>) dst(%dma_wait3A_197 : memref<80x128xf32, #tpu.memory_space<vmem_shared>>)
        tpu.yield
      }) : () -> ()
      %mul3A_142 = arith.constant 1000 : i32
      %mul3A_143 = arith.muli %arg1, %mul3A_142 : i32
      %add3A_144 = arith.constant 80 : i32
      %add3A_145 = arith.addi %mul3A_143, %add3A_144 : i32
      "tpu.region"() ({
        %run_scoped3A = tpu.sem_alloc : memref<!tpu.dma_semaphore, #tpu.memory_space<semaphore_mem>>
        %dma_start3A_190 = arith.constant 0 : i32
        %dma_start3A_191 = tpu.memref_slice %arg6[%add3A_145, %dma_start3A_190] : memref<10000x128xf32, #tpu.memory_space<vmem_shared>> -> memref<80x128xf32, #tpu.memory_space<vmem_shared>>
        %dma_start3A_192 = arith.constant 0 : i32
        %dma_start3A_193 = tpu.memref_slice %arg6[%add3A_145, %dma_start3A_192] : memref<10000x128xf32, #tpu.memory_space<vmem_shared>> -> memref<80x128xf32, #tpu.memory_space<vmem_shared>>
        tpu.enqueue_dma source(%arg8 : memref<80x128xf32, #tpu.memory_space<vmem>>) target(%dma_start3A_193 : memref<80x128xf32, #tpu.memory_space<vmem_shared>>) target_semaphore(%run_scoped3A : memref<!tpu.dma_semaphore, #tpu.memory_space<semaphore_mem>>)
        %dma_wait3A_194 = arith.constant 0 : i32
        %dma_wait3A_195 = tpu.memref_slice %arg6[%add3A_145, %dma_wait3A_194] : memref<10000x128xf32, #tpu.memory_space<vmem_shared>> -> memref<80x128xf32, #tpu.memory_space<vmem_shared>>
        %dma_wait3A_196 = arith.constant 0 : i32
        %dma_wait3A_197 = tpu.memref_slice %arg6[%add3A_145, %dma_wait3A_196] : memref<10000x128xf32, #tpu.memory_space<vmem_shared>> -> memref<80x128xf32, #tpu.memory_space<vmem_shared>>
        tpu.wait_dma2 semaphore(%run_scoped3A : memref<!tpu.dma_semaphore, #tpu.memory_space<semaphore_mem>>) src(%arg8 : memref<80x128xf32, #tpu.memory_space<vmem>>) dst(%dma_wait3A_197 : memref<80x128xf32, #tpu.memory_space<vmem_shared>>)
        tpu.yield
      }) : () -> ()
      %mul3A_146 = arith.constant 1000 : i32
      %mul3A_147 = arith.muli %arg1, %mul3A_146 : i32
      %add3A_148 = arith.constant 160 : i32
      %add3A_149 = arith.addi %mul3A_147, %add3A_148 : i32
      "tpu.region"() ({
        %run_scoped3A = tpu.sem_alloc : memref<!tpu.dma_semaphore, #tpu.memory_space<semaphore_mem>>
        %dma_start3A_190 = arith.constant 0 : i32
        %dma_start3A_191 = tpu.memref_slice %arg6[%add3A_149, %dma_start3A_190] : memref<10000x128xf32, #tpu.memory_space<vmem_shared>> -> memref<80x128xf32, #tpu.memory_space<vmem_shared>>
        %dma_start3A_192 = arith.constant 0 : i32
        %dma_start3A_193 = tpu.memref_slice %arg6[%add3A_149, %dma_start3A_192] : memref<10000x128xf32, #tpu.memory_space<vmem_shared>> -> memref<80x128xf32, #tpu.memory_space<vmem_shared>>
        tpu.enqueue_dma source(%arg8 : memref<80x128xf32, #tpu.memory_space<vmem>>) target(%dma_start3A_193 : memref<80x128xf32, #tpu.memory_space<vmem_shared>>) target_semaphore(%run_scoped3A : memref<!tpu.dma_semaphore, #tpu.memory_space<semaphore_mem>>)
        %dma_wait3A_194 = arith.constant 0 : i32
        %dma_wait3A_195 = tpu.memref_slice %arg6[%add3A_149, %dma_wait3A_194] : memref<10000x128xf32, #tpu.memory_space<vmem_shared>> -> memref<80x128xf32, #tpu.memory_space<vmem_shared>>
        %dma_wait3A_196 = arith.constant 0 : i32
        %dma_wait3A_197 = tpu.memref_slice %arg6[%add3A_149, %dma_wait3A_196] : memref<10000x128xf32, #tpu.memory_space<vmem_shared>> -> memref<80x128xf32, #tpu.memory_space<vmem_shared>>
        tpu.wait_dma2 semaphore(%run_scoped3A : memref<!tpu.dma_semaphore, #tpu.memory_space<semaphore_mem>>) src(%arg8 : memref<80x128xf32, #tpu.memory_space<vmem>>) dst(%dma_wait3A_197 : memref<80x128xf32, #tpu.memory_space<vmem_shared>>)
        tpu.yield
      }) : () -> ()
      %mul3A_150 = arith.constant 1000 : i32
      %mul3A_151 = arith.muli %arg1, %mul3A_150 : i32
      %add3A_152 = arith.constant 240 : i32
      %add3A_153 = arith.addi %mul3A_151, %add3A_152 : i32
      "tpu.region"() ({
        %run_scoped3A = tpu.sem_alloc : memref<!tpu.dma_semaphore, #tpu.memory_space<semaphore_mem>>
        %dma_start3A_190 = arith.constant 0 : i32
        %dma_start3A_191 = tpu.memref_slice %arg6[%add3A_153, %dma_start3A_190] : memref<10000x128xf32, #tpu.memory_space<vmem_shared>> -> memref<80x128xf32, #tpu.memory_space<vmem_shared>>
        %dma_start3A_192 = arith.constant 0 : i32
        %dma_start3A_193 = tpu.memref_slice %arg6[%add3A_153, %dma_start3A_192] : memref<10000x128xf32, #tpu.memory_space<vmem_shared>> -> memref<80x128xf32, #tpu.memory_space<vmem_shared>>
        tpu.enqueue_dma source(%arg8 : memref<80x128xf32, #tpu.memory_space<vmem>>) target(%dma_start3A_193 : memref<80x128xf32, #tpu.memory_space<vmem_shared>>) target_semaphore(%run_scoped3A : memref<!tpu.dma_semaphore, #tpu.memory_space<semaphore_mem>>)
        %dma_wait3A_194 = arith.constant 0 : i32
        %dma_wait3A_195 = tpu.memref_slice %arg6[%add3A_153, %dma_wait3A_194] : memref<10000x128xf32, #tpu.memory_space<vmem_shared>> -> memref<80x128xf32, #tpu.memory_space<vmem_shared>>
        %dma_wait3A_196 = arith.constant 0 : i32
        %dma_wait3A_197 = tpu.memref_slice %arg6[%add3A_153, %dma_wait3A_196] : memref<10000x128xf32, #tpu.memory_space<vmem_shared>> -> memref<80x128xf32, #tpu.memory_space<vmem_shared>>
        tpu.wait_dma2 semaphore(%run_scoped3A : memref<!tpu.dma_semaphore, #tpu.memory_space<semaphore_mem>>) src(%arg8 : memref<80x128xf32, #tpu.memory_space<vmem>>) dst(%dma_wait3A_197 : memref<80x128xf32, #tpu.memory_space<vmem_shared>>)
        tpu.yield
      }) : () -> ()
      %mul3A_154 = arith.constant 1000 : i32
      %mul3A_155 = arith.muli %arg1, %mul3A_154 : i32
      %add3A_156 = arith.constant 320 : i32
      %add3A_157 = arith.addi %mul3A_155, %add3A_156 : i32
      "tpu.region"() ({
        %run_scoped3A = tpu.sem_alloc : memref<!tpu.dma_semaphore, #tpu.memory_space<semaphore_mem>>
        %dma_start3A_190 = arith.constant 0 : i32
        %dma_start3A_191 = tpu.memref_slice %arg6[%add3A_157, %dma_start3A_190] : memref<10000x128xf32, #tpu.memory_space<vmem_shared>> -> memref<80x128xf32, #tpu.memory_space<vmem_shared>>
        %dma_start3A_192 = arith.constant 0 : i32
        %dma_start3A_193 = tpu.memref_slice %arg6[%add3A_157, %dma_start3A_192] : memref<10000x128xf32, #tpu.memory_space<vmem_shared>> -> memref<80x128xf32, #tpu.memory_space<vmem_shared>>
        tpu.enqueue_dma source(%arg8 : memref<80x128xf32, #tpu.memory_space<vmem>>) target(%dma_start3A_193 : memref<80x128xf32, #tpu.memory_space<vmem_shared>>) target_semaphore(%run_scoped3A : memref<!tpu.dma_semaphore, #tpu.memory_space<semaphore_mem>>)
        %dma_wait3A_194 = arith.constant 0 : i32
        %dma_wait3A_195 = tpu.memref_slice %arg6[%add3A_157, %dma_wait3A_194] : memref<10000x128xf32, #tpu.memory_space<vmem_shared>> -> memref<80x128xf32, #tpu.memory_space<vmem_shared>>
        %dma_wait3A_196 = arith.constant 0 : i32
        %dma_wait3A_197 = tpu.memref_slice %arg6[%add3A_157, %dma_wait3A_196] : memref<10000x128xf32, #tpu.memory_space<vmem_shared>> -> memref<80x128xf32, #tpu.memory_space<vmem_shared>>
        tpu.wait_dma2 semaphore(%run_scoped3A : memref<!tpu.dma_semaphore, #tpu.memory_space<semaphore_mem>>) src(%arg8 : memref<80x128xf32, #tpu.memory_space<vmem>>) dst(%dma_wait3A_197 : memref<80x128xf32, #tpu.memory_space<vmem_shared>>)
        tpu.yield
      }) : () -> ()
      %mul3A_158 = arith.constant 1000 : i32
      %mul3A_159 = arith.muli %arg1, %mul3A_158 : i32
      %add3A_160 = arith.constant 400 : i32
      %add3A_161 = arith.addi %mul3A_159, %add3A_160 : i32
      "tpu.region"() ({
        %run_scoped3A = tpu.sem_alloc : memref<!tpu.dma_semaphore, #tpu.memory_space<semaphore_mem>>
        %dma_start3A_190 = arith.constant 0 : i32
        %dma_start3A_191 = tpu.memref_slice %arg6[%add3A_161, %dma_start3A_190] : memref<10000x128xf32, #tpu.memory_space<vmem_shared>> -> memref<80x128xf32, #tpu.memory_space<vmem_shared>>
        %dma_start3A_192 = arith.constant 0 : i32
        %dma_start3A_193 = tpu.memref_slice %arg6[%add3A_161, %dma_start3A_192] : memref<10000x128xf32, #tpu.memory_space<vmem_shared>> -> memref<80x128xf32, #tpu.memory_space<vmem_shared>>
        tpu.enqueue_dma source(%arg8 : memref<80x128xf32, #tpu.memory_space<vmem>>) target(%dma_start3A_193 : memref<80x128xf32, #tpu.memory_space<vmem_shared>>) target_semaphore(%run_scoped3A : memref<!tpu.dma_semaphore, #tpu.memory_space<semaphore_mem>>)
        %dma_wait3A_194 = arith.constant 0 : i32
        %dma_wait3A_195 = tpu.memref_slice %arg6[%add3A_161, %dma_wait3A_194] : memref<10000x128xf32, #tpu.memory_space<vmem_shared>> -> memref<80x128xf32, #tpu.memory_space<vmem_shared>>
        %dma_wait3A_196 = arith.constant 0 : i32
        %dma_wait3A_197 = tpu.memref_slice %arg6[%add3A_161, %dma_wait3A_196] : memref<10000x128xf32, #tpu.memory_space<vmem_shared>> -> memref<80x128xf32, #tpu.memory_space<vmem_shared>>
        tpu.wait_dma2 semaphore(%run_scoped3A : memref<!tpu.dma_semaphore, #tpu.memory_space<semaphore_mem>>) src(%arg8 : memref<80x128xf32, #tpu.memory_space<vmem>>) dst(%dma_wait3A_197 : memref<80x128xf32, #tpu.memory_space<vmem_shared>>)
        tpu.yield
      }) : () -> ()
      %mul3A_162 = arith.constant 1000 : i32
      %mul3A_163 = arith.muli %arg1, %mul3A_162 : i32
      %add3A_164 = arith.constant 480 : i32
      %add3A_165 = arith.addi %mul3A_163, %add3A_164 : i32
      "tpu.region"() ({
        %run_scoped3A = tpu.sem_alloc : memref<!tpu.dma_semaphore, #tpu.memory_space<semaphore_mem>>
        %dma_start3A_190 = arith.constant 0 : i32
        %dma_start3A_191 = tpu.memref_slice %arg6[%add3A_165, %dma_start3A_190] : memref<10000x128xf32, #tpu.memory_space<vmem_shared>> -> memref<80x128xf32, #tpu.memory_space<vmem_shared>>
        %dma_start3A_192 = arith.constant 0 : i32
        %dma_start3A_193 = tpu.memref_slice %arg6[%add3A_165, %dma_start3A_192] : memref<10000x128xf32, #tpu.memory_space<vmem_shared>> -> memref<80x128xf32, #tpu.memory_space<vmem_shared>>
        tpu.enqueue_dma source(%arg8 : memref<80x128xf32, #tpu.memory_space<vmem>>) target(%dma_start3A_193 : memref<80x128xf32, #tpu.memory_space<vmem_shared>>) target_semaphore(%run_scoped3A : memref<!tpu.dma_semaphore, #tpu.memory_space<semaphore_mem>>)
        %dma_wait3A_194 = arith.constant 0 : i32
        %dma_wait3A_195 = tpu.memref_slice %arg6[%add3A_165, %dma_wait3A_194] : memref<10000x128xf32, #tpu.memory_space<vmem_shared>> -> memref<80x128xf32, #tpu.memory_space<vmem_shared>>
        %dma_wait3A_196 = arith.constant 0 : i32
        %dma_wait3A_197 = tpu.memref_slice %arg6[%add3A_165, %dma_wait3A_196] : memref<10000x128xf32, #tpu.memory_space<vmem_shared>> -> memref<80x128xf32, #tpu.memory_space<vmem_shared>>
        tpu.wait_dma2 semaphore(%run_scoped3A : memref<!tpu.dma_semaphore, #tpu.memory_space<semaphore_mem>>) src(%arg8 : memref<80x128xf32, #tpu.memory_space<vmem>>) dst(%dma_wait3A_197 : memref<80x128xf32, #tpu.memory_space<vmem_shared>>)
        tpu.yield
      }) : () -> ()
      %mul3A_166 = arith.constant 1000 : i32
      %mul3A_167 = arith.muli %arg1, %mul3A_166 : i32
      %add3A_168 = arith.constant 560 : i32
      %add3A_169 = arith.addi %mul3A_167, %add3A_168 : i32
      "tpu.region"() ({
        %run_scoped3A = tpu.sem_alloc : memref<!tpu.dma_semaphore, #tpu.memory_space<semaphore_mem>>
        %dma_start3A_190 = arith.constant 0 : i32
        %dma_start3A_191 = tpu.memref_slice %arg6[%add3A_169, %dma_start3A_190] : memref<10000x128xf32, #tpu.memory_space<vmem_shared>> -> memref<80x128xf32, #tpu.memory_space<vmem_shared>>
        %dma_start3A_192 = arith.constant 0 : i32
        %dma_start3A_193 = tpu.memref_slice %arg6[%add3A_169, %dma_start3A_192] : memref<10000x128xf32, #tpu.memory_space<vmem_shared>> -> memref<80x128xf32, #tpu.memory_space<vmem_shared>>
        tpu.enqueue_dma source(%arg8 : memref<80x128xf32, #tpu.memory_space<vmem>>) target(%dma_start3A_193 : memref<80x128xf32, #tpu.memory_space<vmem_shared>>) target_semaphore(%run_scoped3A : memref<!tpu.dma_semaphore, #tpu.memory_space<semaphore_mem>>)
        %dma_wait3A_194 = arith.constant 0 : i32
        %dma_wait3A_195 = tpu.memref_slice %arg6[%add3A_169, %dma_wait3A_194] : memref<10000x128xf32, #tpu.memory_space<vmem_shared>> -> memref<80x128xf32, #tpu.memory_space<vmem_shared>>
        %dma_wait3A_196 = arith.constant 0 : i32
        %dma_wait3A_197 = tpu.memref_slice %arg6[%add3A_169, %dma_wait3A_196] : memref<10000x128xf32, #tpu.memory_space<vmem_shared>> -> memref<80x128xf32, #tpu.memory_space<vmem_shared>>
        tpu.wait_dma2 semaphore(%run_scoped3A : memref<!tpu.dma_semaphore, #tpu.memory_space<semaphore_mem>>) src(%arg8 : memref<80x128xf32, #tpu.memory_space<vmem>>) dst(%dma_wait3A_197 : memref<80x128xf32, #tpu.memory_space<vmem_shared>>)
        tpu.yield
      }) : () -> ()
      %mul3A_170 = arith.constant 1000 : i32
      %mul3A_171 = arith.muli %arg1, %mul3A_170 : i32
      %add3A_172 = arith.constant 640 : i32
      %add3A_173 = arith.addi %mul3A_171, %add3A_172 : i32
      "tpu.region"() ({
        %run_scoped3A = tpu.sem_alloc : memref<!tpu.dma_semaphore, #tpu.memory_space<semaphore_mem>>
        %dma_start3A_190 = arith.constant 0 : i32
        %dma_start3A_191 = tpu.memref_slice %arg6[%add3A_173, %dma_start3A_190] : memref<10000x128xf32, #tpu.memory_space<vmem_shared>> -> memref<80x128xf32, #tpu.memory_space<vmem_shared>>
        %dma_start3A_192 = arith.constant 0 : i32
        %dma_start3A_193 = tpu.memref_slice %arg6[%add3A_173, %dma_start3A_192] : memref<10000x128xf32, #tpu.memory_space<vmem_shared>> -> memref<80x128xf32, #tpu.memory_space<vmem_shared>>
        tpu.enqueue_dma source(%arg8 : memref<80x128xf32, #tpu.memory_space<vmem>>) target(%dma_start3A_193 : memref<80x128xf32, #tpu.memory_space<vmem_shared>>) target_semaphore(%run_scoped3A : memref<!tpu.dma_semaphore, #tpu.memory_space<semaphore_mem>>)
        %dma_wait3A_194 = arith.constant 0 : i32
        %dma_wait3A_195 = tpu.memref_slice %arg6[%add3A_173, %dma_wait3A_194] : memref<10000x128xf32, #tpu.memory_space<vmem_shared>> -> memref<80x128xf32, #tpu.memory_space<vmem_shared>>
        %dma_wait3A_196 = arith.constant 0 : i32
        %dma_wait3A_197 = tpu.memref_slice %arg6[%add3A_173, %dma_wait3A_196] : memref<10000x128xf32, #tpu.memory_space<vmem_shared>> -> memref<80x128xf32, #tpu.memory_space<vmem_shared>>
        tpu.wait_dma2 semaphore(%run_scoped3A : memref<!tpu.dma_semaphore, #tpu.memory_space<semaphore_mem>>) src(%arg8 : memref<80x128xf32, #tpu.memory_space<vmem>>) dst(%dma_wait3A_197 : memref<80x128xf32, #tpu.memory_space<vmem_shared>>)
        tpu.yield
      }) : () -> ()
      %mul3A_174 = arith.constant 1000 : i32
      %mul3A_175 = arith.muli %arg1, %mul3A_174 : i32
      %add3A_176 = arith.constant 720 : i32
      %add3A_177 = arith.addi %mul3A_175, %add3A_176 : i32
      "tpu.region"() ({
        %run_scoped3A = tpu.sem_alloc : memref<!tpu.dma_semaphore, #tpu.memory_space<semaphore_mem>>
        %dma_start3A_190 = arith.constant 0 : i32
        %dma_start3A_191 = tpu.memref_slice %arg6[%add3A_177, %dma_start3A_190] : memref<10000x128xf32, #tpu.memory_space<vmem_shared>> -> memref<80x128xf32, #tpu.memory_space<vmem_shared>>
        %dma_start3A_192 = arith.constant 0 : i32
        %dma_start3A_193 = tpu.memref_slice %arg6[%add3A_177, %dma_start3A_192] : memref<10000x128xf32, #tpu.memory_space<vmem_shared>> -> memref<80x128xf32, #tpu.memory_space<vmem_shared>>
        tpu.enqueue_dma source(%arg8 : memref<80x128xf32, #tpu.memory_space<vmem>>) target(%dma_start3A_193 : memref<80x128xf32, #tpu.memory_space<vmem_shared>>) target_semaphore(%run_scoped3A : memref<!tpu.dma_semaphore, #tpu.memory_space<semaphore_mem>>)
        %dma_wait3A_194 = arith.constant 0 : i32
        %dma_wait3A_195 = tpu.memref_slice %arg6[%add3A_177, %dma_wait3A_194] : memref<10000x128xf32, #tpu.memory_space<vmem_shared>> -> memref<80x128xf32, #tpu.memory_space<vmem_shared>>
        %dma_wait3A_196 = arith.constant 0 : i32
        %dma_wait3A_197 = tpu.memref_slice %arg6[%add3A_177, %dma_wait3A_196] : memref<10000x128xf32, #tpu.memory_space<vmem_shared>> -> memref<80x128xf32, #tpu.memory_space<vmem_shared>>
        tpu.wait_dma2 semaphore(%run_scoped3A : memref<!tpu.dma_semaphore, #tpu.memory_space<semaphore_mem>>) src(%arg8 : memref<80x128xf32, #tpu.memory_space<vmem>>) dst(%dma_wait3A_197 : memref<80x128xf32, #tpu.memory_space<vmem_shared>>)
        tpu.yield
      }) : () -> ()
      %mul3A_178 = arith.constant 1000 : i32
      %mul3A_179 = arith.muli %arg1, %mul3A_178 : i32
      %add3A_180 = arith.constant 800 : i32
      %add3A_181 = arith.addi %mul3A_179, %add3A_180 : i32
      "tpu.region"() ({
        %run_scoped3A = tpu.sem_alloc : memref<!tpu.dma_semaphore, #tpu.memory_space<semaphore_mem>>
        %dma_start3A_190 = arith.constant 0 : i32
        %dma_start3A_191 = tpu.memref_slice %arg6[%add3A_181, %dma_start3A_190] : memref<10000x128xf32, #tpu.memory_space<vmem_shared>> -> memref<80x128xf32, #tpu.memory_space<vmem_shared>>
        %dma_start3A_192 = arith.constant 0 : i32
        %dma_start3A_193 = tpu.memref_slice %arg6[%add3A_181, %dma_start3A_192] : memref<10000x128xf32, #tpu.memory_space<vmem_shared>> -> memref<80x128xf32, #tpu.memory_space<vmem_shared>>
        tpu.enqueue_dma source(%arg8 : memref<80x128xf32, #tpu.memory_space<vmem>>) target(%dma_start3A_193 : memref<80x128xf32, #tpu.memory_space<vmem_shared>>) target_semaphore(%run_scoped3A : memref<!tpu.dma_semaphore, #tpu.memory_space<semaphore_mem>>)
        %dma_wait3A_194 = arith.constant 0 : i32
        %dma_wait3A_195 = tpu.memref_slice %arg6[%add3A_181, %dma_wait3A_194] : memref<10000x128xf32, #tpu.memory_space<vmem_shared>> -> memref<80x128xf32, #tpu.memory_space<vmem_shared>>
        %dma_wait3A_196 = arith.constant 0 : i32
        %dma_wait3A_197 = tpu.memref_slice %arg6[%add3A_181, %dma_wait3A_196] : memref<10000x128xf32, #tpu.memory_space<vmem_shared>> -> memref<80x128xf32, #tpu.memory_space<vmem_shared>>
        tpu.wait_dma2 semaphore(%run_scoped3A : memref<!tpu.dma_semaphore, #tpu.memory_space<semaphore_mem>>) src(%arg8 : memref<80x128xf32, #tpu.memory_space<vmem>>) dst(%dma_wait3A_197 : memref<80x128xf32, #tpu.memory_space<vmem_shared>>)
        tpu.yield
      }) : () -> ()
      %mul3A_182 = arith.constant 1000 : i32
      %mul3A_183 = arith.muli %arg1, %mul3A_182 : i32
      %add3A_184 = arith.constant 880 : i32
      %add3A_185 = arith.addi %mul3A_183, %add3A_184 : i32
      "tpu.region"() ({
        %run_scoped3A = tpu.sem_alloc : memref<!tpu.dma_semaphore, #tpu.memory_space<semaphore_mem>>
        %dma_start3A_190 = arith.constant 0 : i32
        %dma_start3A_191 = tpu.memref_slice %arg6[%add3A_185, %dma_start3A_190] : memref<10000x128xf32, #tpu.memory_space<vmem_shared>> -> memref<80x128xf32, #tpu.memory_space<vmem_shared>>
        %dma_start3A_192 = arith.constant 0 : i32
        %dma_start3A_193 = tpu.memref_slice %arg6[%add3A_185, %dma_start3A_192] : memref<10000x128xf32, #tpu.memory_space<vmem_shared>> -> memref<80x128xf32, #tpu.memory_space<vmem_shared>>
        tpu.enqueue_dma source(%arg8 : memref<80x128xf32, #tpu.memory_space<vmem>>) target(%dma_start3A_193 : memref<80x128xf32, #tpu.memory_space<vmem_shared>>) target_semaphore(%run_scoped3A : memref<!tpu.dma_semaphore, #tpu.memory_space<semaphore_mem>>)
        %dma_wait3A_194 = arith.constant 0 : i32
        %dma_wait3A_195 = tpu.memref_slice %arg6[%add3A_185, %dma_wait3A_194] : memref<10000x128xf32, #tpu.memory_space<vmem_shared>> -> memref<80x128xf32, #tpu.memory_space<vmem_shared>>
        %dma_wait3A_196 = arith.constant 0 : i32
        %dma_wait3A_197 = tpu.memref_slice %arg6[%add3A_185, %dma_wait3A_196] : memref<10000x128xf32, #tpu.memory_space<vmem_shared>> -> memref<80x128xf32, #tpu.memory_space<vmem_shared>>
        tpu.wait_dma2 semaphore(%run_scoped3A : memref<!tpu.dma_semaphore, #tpu.memory_space<semaphore_mem>>) src(%arg8 : memref<80x128xf32, #tpu.memory_space<vmem>>) dst(%dma_wait3A_197 : memref<80x128xf32, #tpu.memory_space<vmem_shared>>)
        tpu.yield
      }) : () -> ()
      %mul3A_186 = arith.constant 1000 : i32
      %mul3A_187 = arith.muli %arg1, %mul3A_186 : i32
      %add3A_188 = arith.constant 960 : i32
      %add3A_189 = arith.addi %mul3A_187, %add3A_188 : i32
      "tpu.region"() ({
        %run_scoped3A = tpu.sem_alloc : memref<!tpu.dma_semaphore, #tpu.memory_space<semaphore_mem>>
        %dma_start3A_190 = arith.constant 0 : i32
        %dma_start3A_191 = arith.constant 0 : i32
        %dma_start3A_192 = tpu.memref_slice %arg8[%dma_start3A_190, %dma_start3A_191] : memref<80x128xf32, #tpu.memory_space<vmem>> -> memref<40x128xf32, #tpu.memory_space<vmem>>
        %dma_start3A_193 = arith.constant 0 : i32
        %dma_start3A_194 = tpu.memref_slice %arg6[%add3A_189, %dma_start3A_193] : memref<10000x128xf32, #tpu.memory_space<vmem_shared>> -> memref<40x128xf32, #tpu.memory_space<vmem_shared>>
        %dma_start3A_195 = arith.constant 0 : i32
        %dma_start3A_196 = tpu.memref_slice %arg6[%add3A_189, %dma_start3A_195] : memref<10000x128xf32, #tpu.memory_space<vmem_shared>> -> memref<40x128xf32, #tpu.memory_space<vmem_shared>>
        %dma_start3A_197 = arith.constant 0 : i32
        %dma_start3A_198 = arith.constant 0 : i32
        %dma_start3A_199 = tpu.memref_slice %arg8[%dma_start3A_197, %dma_start3A_198] : memref<80x128xf32, #tpu.memory_space<vmem>> -> memref<40x128xf32, #tpu.memory_space<vmem>>
        tpu.enqueue_dma source(%dma_start3A_199 : memref<40x128xf32, #tpu.memory_space<vmem>>) target(%dma_start3A_196 : memref<40x128xf32, #tpu.memory_space<vmem_shared>>) target_semaphore(%run_scoped3A : memref<!tpu.dma_semaphore, #tpu.memory_space<semaphore_mem>>)
        %dma_wait3A_200 = arith.constant 0 : i32
        %dma_wait3A_201 = arith.constant 0 : i32
        %dma_wait3A_202 = tpu.memref_slice %arg8[%dma_wait3A_200, %dma_wait3A_201] : memref<80x128xf32, #tpu.memory_space<vmem>> -> memref<40x128xf32, #tpu.memory_space<vmem>>
        %dma_wait3A_203 = arith.constant 0 : i32
        %dma_wait3A_204 = tpu.memref_slice %arg6[%add3A_189, %dma_wait3A_203] : memref<10000x128xf32, #tpu.memory_space<vmem_shared>> -> memref<40x128xf32, #tpu.memory_space<vmem_shared>>
        %dma_wait3A_205 = arith.constant 0 : i32
        %dma_wait3A_206 = tpu.memref_slice %arg6[%add3A_189, %dma_wait3A_205] : memref<10000x128xf32, #tpu.memory_space<vmem_shared>> -> memref<40x128xf32, #tpu.memory_space<vmem_shared>>
        %dma_wait3A_207 = arith.constant 0 : i32
        %dma_wait3A_208 = arith.constant 0 : i32
        %dma_wait3A_209 = tpu.memref_slice %arg8[%dma_wait3A_207, %dma_wait3A_208] : memref<80x128xf32, #tpu.memory_space<vmem>> -> memref<40x128xf32, #tpu.memory_space<vmem>>
        tpu.wait_dma2 semaphore(%run_scoped3A : memref<!tpu.dma_semaphore, #tpu.memory_space<semaphore_mem>>) src(%dma_wait3A_209 : memref<40x128xf32, #tpu.memory_space<vmem>>) dst(%dma_wait3A_206 : memref<40x128xf32, #tpu.memory_space<vmem_shared>>)
        tpu.yield
      }) : () -> ()
    } else {
    }
    %dma_wait3A = tpu.memref_slice %arg3[%mul3A_4] : memref<320000xi32, #tpu.memory_space<hbm>> -> memref<10000xi32, #tpu.memory_space<hbm>>
    %dma_wait3A_14 = tpu.memref_slice %arg3[%mul3A_4] : memref<320000xi32, #tpu.memory_space<hbm>> -> memref<10000xi32, #tpu.memory_space<hbm>>
    tpu.wait_dma2 semaphore(%arg14 : memref<!tpu.dma_semaphore, #tpu.memory_space<semaphore_mem>>) src(%dma_wait3A_14 : memref<10000xi32, #tpu.memory_space<hbm>>) dst(%arg7 : memref<10000xi32, #tpu.memory_space<vmem>>)
    %barrier3A = arith.constant 0 : index
    tpu.barrier barrier_id(%barrier3A)
    %dma_start3A_15 = arith.constant 0 : i32
    %dma_start3A_16 = tpu.memref_slice %arg7[%dma_start3A_15] : memref<10000xi32, #tpu.memory_space<vmem>> -> memref<80xi32, #tpu.memory_space<vmem>>
    %dma_start3A_17 = arith.constant 0 : i32
    %dma_start3A_18 = arith.constant 0 : i32
    %dma_start3A_19 = tpu.memref_slice %arg2[%dma_start3A_17, %dma_start3A_18] : memref<10000x128xf32, #tpu.memory_space<hbm>> -> memref<10000x128xf32, #tpu.memory_space<hbm>>
    tpu.enqueue_indirect_dma source(%dma_start3A_19 : memref<10000x128xf32, #tpu.memory_space<hbm>>) target(%arg8 : memref<80x128xf32, #tpu.memory_space<vmem>>) offsets(%dma_start3A_16 : memref<80xi32, #tpu.memory_space<vmem>>) semaphore(%arg15 : memref<!tpu.dma_semaphore, #tpu.memory_space<semaphore_mem>>)
    %add3A_20 = arith.constant 0 : i32
    %add3A_21 = arith.addi %mul3A_4, %add3A_20 : i32
    %dma_start3A_22 = tpu.memref_slice %arg4[%add3A_21] : memref<320000xi32, #tpu.memory_space<hbm>> -> memref<80xi32, #tpu.memory_space<hbm>>
    %dma_start3A_23 = tpu.memref_slice %arg4[%add3A_21] : memref<320000xi32, #tpu.memory_space<hbm>> -> memref<80xi32, #tpu.memory_space<hbm>>
    tpu.enqueue_dma source(%dma_start3A_23 : memref<80xi32, #tpu.memory_space<hbm>>) target(%arg11 : memref<80xi32, #tpu.memory_space<vmem>>) target_semaphore(%arg18 : memref<!tpu.dma_semaphore, #tpu.memory_space<semaphore_mem>>)
    %dma_start3A_24 = arith.constant 80 : i32
    %dma_start3A_25 = tpu.memref_slice %arg7[%dma_start3A_24] : memref<10000xi32, #tpu.memory_space<vmem>> -> memref<80xi32, #tpu.memory_space<vmem>>
    %dma_start3A_26 = arith.constant 0 : i32
    %dma_start3A_27 = arith.constant 0 : i32
    %dma_start3A_28 = tpu.memref_slice %arg2[%dma_start3A_26, %dma_start3A_27] : memref<10000x128xf32, #tpu.memory_space<hbm>> -> memref<10000x128xf32, #tpu.memory_space<hbm>>
    tpu.enqueue_indirect_dma source(%dma_start3A_28 : memref<10000x128xf32, #tpu.memory_space<hbm>>) target(%arg9 : memref<80x128xf32, #tpu.memory_space<vmem>>) offsets(%dma_start3A_25 : memref<80xi32, #tpu.memory_space<vmem>>) semaphore(%arg16 : memref<!tpu.dma_semaphore, #tpu.memory_space<semaphore_mem>>)
    %add3A_29 = arith.constant 80 : i32
    %add3A_30 = arith.addi %mul3A_4, %add3A_29 : i32
    %dma_start3A_31 = tpu.memref_slice %arg4[%add3A_30] : memref<320000xi32, #tpu.memory_space<hbm>> -> memref<80xi32, #tpu.memory_space<hbm>>
    %dma_start3A_32 = tpu.memref_slice %arg4[%add3A_30] : memref<320000xi32, #tpu.memory_space<hbm>> -> memref<80xi32, #tpu.memory_space<hbm>>
    tpu.enqueue_dma source(%dma_start3A_32 : memref<80xi32, #tpu.memory_space<hbm>>) target(%arg12 : memref<80xi32, #tpu.memory_space<vmem>>) target_semaphore(%arg19 : memref<!tpu.dma_semaphore, #tpu.memory_space<semaphore_mem>>)
    %dma_wait3A_33 = arith.constant 0 : i32
    %dma_wait3A_34 = tpu.memref_slice %arg7[%dma_wait3A_33] : memref<10000xi32, #tpu.memory_space<vmem>> -> memref<80xi32, #tpu.memory_space<vmem>>
    %dma_wait3A_35 = arith.constant 0 : i32
    %dma_wait3A_36 = arith.constant 0 : i32
    %dma_wait3A_37 = tpu.memref_slice %arg2[%dma_wait3A_35, %dma_wait3A_36] : memref<10000x128xf32, #tpu.memory_space<hbm>> -> memref<10000x128xf32, #tpu.memory_space<hbm>>
    tpu.wait_indirect_dma semaphore(%arg15 : memref<!tpu.dma_semaphore, #tpu.memory_space<semaphore_mem>>) src(%dma_wait3A_37 : memref<10000x128xf32, #tpu.memory_space<hbm>>) dst(%arg8 : memref<80x128xf32, #tpu.memory_space<vmem>>)
    %dma_wait3A_38 = tpu.memref_slice %arg4[%mul3A_4] : memref<320000xi32, #tpu.memory_space<hbm>> -> memref<80xi32, #tpu.memory_space<hbm>>
    %dma_wait3A_39 = tpu.memref_slice %arg4[%mul3A_4] : memref<320000xi32, #tpu.memory_space<hbm>> -> memref<80xi32, #tpu.memory_space<hbm>>
    tpu.wait_dma2 semaphore(%arg18 : memref<!tpu.dma_semaphore, #tpu.memory_space<semaphore_mem>>) src(%dma_wait3A_39 : memref<80xi32, #tpu.memory_space<hbm>>) dst(%arg11 : memref<80xi32, #tpu.memory_space<vmem>>)
    %dma_start3A_40 = arith.constant 0 : i32
    %dma_start3A_41 = arith.constant 0 : i32
    %dma_start3A_42 = tpu.memref_slice %arg6[%dma_start3A_40, %dma_start3A_41] : memref<10000x128xf32, #tpu.memory_space<vmem_shared>> -> memref<10000x128xf32, #tpu.memory_space<vmem_shared>>
    tpu.enqueue_indirect_dma source(%arg8 : memref<80x128xf32, #tpu.memory_space<vmem>>) target(%dma_start3A_42 : memref<10000x128xf32, #tpu.memory_space<vmem_shared>>) offsets(%arg11 : memref<80xi32, #tpu.memory_space<vmem>>) semaphore(%arg21 : memref<!tpu.dma_semaphore, #tpu.memory_space<semaphore_mem>>) {add = true}
    %dma_start3A_43 = arith.constant 160 : i32
    %dma_start3A_44 = tpu.memref_slice %arg7[%dma_start3A_43] : memref<10000xi32, #tpu.memory_space<vmem>> -> memref<80xi32, #tpu.memory_space<vmem>>
    %dma_start3A_45 = arith.constant 0 : i32
    %dma_start3A_46 = arith.constant 0 : i32
    %dma_start3A_47 = tpu.memref_slice %arg2[%dma_start3A_45, %dma_start3A_46] : memref<10000x128xf32, #tpu.memory_space<hbm>> -> memref<10000x128xf32, #tpu.memory_space<hbm>>
    tpu.enqueue_indirect_dma source(%dma_start3A_47 : memref<10000x128xf32, #tpu.memory_space<hbm>>) target(%arg10 : memref<80x128xf32, #tpu.memory_space<vmem>>) offsets(%dma_start3A_44 : memref<80xi32, #tpu.memory_space<vmem>>) semaphore(%arg17 : memref<!tpu.dma_semaphore, #tpu.memory_space<semaphore_mem>>)
    %add3A_48 = arith.constant 160 : i32
    %add3A_49 = arith.addi %mul3A_4, %add3A_48 : i32
    %dma_start3A_50 = tpu.memref_slice %arg4[%add3A_49] : memref<320000xi32, #tpu.memory_space<hbm>> -> memref<80xi32, #tpu.memory_space<hbm>>
    %dma_start3A_51 = tpu.memref_slice %arg4[%add3A_49] : memref<320000xi32, #tpu.memory_space<hbm>> -> memref<80xi32, #tpu.memory_space<hbm>>
    tpu.enqueue_dma source(%dma_start3A_51 : memref<80xi32, #tpu.memory_space<hbm>>) target(%arg13 : memref<80xi32, #tpu.memory_space<vmem>>) target_semaphore(%arg20 : memref<!tpu.dma_semaphore, #tpu.memory_space<semaphore_mem>>)
    %scan3A_52 = arith.constant 0 : i32
    %scan3A_53 = arith.constant 0 : i32
    %scan3A_54 = arith.constant 40 : i32
    %scan3A_55 = arith.addi %scan3A_53, %scan3A_54 : i32
    %scan3A_56 = arith.constant 1 : i32
    %scan3A_57 = scf.for %scan3A_138 = %scan3A_53 to %scan3A_55 step %scan3A_56 iter_args(%scan3A_139 = %scan3A_52) -> (i32)  : i32 {
      %mul3A_140 = arith.constant 3 : i32
      %mul3A_141 = arith.muli %mul3A_140, %scan3A_138 : i32
      %add3A_142 = arith.constant 1 : i32
      %add3A_143 = arith.addi %add3A_142, %mul3A_141 : i32
      %add3A_144 = arith.constant 0 : i32
      %add3A_145 = arith.addi %add3A_143, %add3A_144 : i32
      %dma_wait3A_146 = arith.constant 0 : i32
      %dma_wait3A_147 = tpu.memref_slice %arg7[%dma_wait3A_146] : memref<10000xi32, #tpu.memory_space<vmem>> -> memref<80xi32, #tpu.memory_space<vmem>>
      %dma_wait3A_148 = arith.constant 0 : i32
      %dma_wait3A_149 = arith.constant 0 : i32
      %dma_wait3A_150 = tpu.memref_slice %arg2[%dma_wait3A_148, %dma_wait3A_149] : memref<10000x128xf32, #tpu.memory_space<hbm>> -> memref<10000x128xf32, #tpu.memory_space<hbm>>
      tpu.wait_indirect_dma semaphore(%arg16 : memref<!tpu.dma_semaphore, #tpu.memory_space<semaphore_mem>>) src(%dma_wait3A_150 : memref<10000x128xf32, #tpu.memory_space<hbm>>) dst(%arg9 : memref<80x128xf32, #tpu.memory_space<vmem>>)
      %dma_wait3A_151 = tpu.memref_slice %arg4[%mul3A_4] : memref<320000xi32, #tpu.memory_space<hbm>> -> memref<80xi32, #tpu.memory_space<hbm>>
      %dma_wait3A_152 = tpu.memref_slice %arg4[%mul3A_4] : memref<320000xi32, #tpu.memory_space<hbm>> -> memref<80xi32, #tpu.memory_space<hbm>>
      tpu.wait_dma2 semaphore(%arg19 : memref<!tpu.dma_semaphore, #tpu.memory_space<semaphore_mem>>) src(%dma_wait3A_152 : memref<80xi32, #tpu.memory_space<hbm>>) dst(%arg12 : memref<80xi32, #tpu.memory_space<vmem>>)
      %dma_start3A_153 = arith.constant 0 : i32
      %dma_start3A_154 = arith.constant 0 : i32
      %dma_start3A_155 = tpu.memref_slice %arg6[%dma_start3A_153, %dma_start3A_154] : memref<10000x128xf32, #tpu.memory_space<vmem_shared>> -> memref<10000x128xf32, #tpu.memory_space<vmem_shared>>
      tpu.enqueue_indirect_dma source(%arg9 : memref<80x128xf32, #tpu.memory_space<vmem>>) target(%dma_start3A_155 : memref<10000x128xf32, #tpu.memory_space<vmem_shared>>) offsets(%arg12 : memref<80xi32, #tpu.memory_space<vmem>>) semaphore(%arg22 : memref<!tpu.dma_semaphore, #tpu.memory_space<semaphore_mem>>) {add = true}
      %dma_wait3A_156 = arith.constant 0 : i32
      %dma_wait3A_157 = arith.constant 0 : i32
      %dma_wait3A_158 = tpu.memref_slice %arg6[%dma_wait3A_156, %dma_wait3A_157] : memref<10000x128xf32, #tpu.memory_space<vmem_shared>> -> memref<10000x128xf32, #tpu.memory_space<vmem_shared>>
      tpu.wait_indirect_dma semaphore(%arg21 : memref<!tpu.dma_semaphore, #tpu.memory_space<semaphore_mem>>) src(%arg8 : memref<80x128xf32, #tpu.memory_space<vmem>>) dst(%dma_wait3A_158 : memref<10000x128xf32, #tpu.memory_space<vmem_shared>>)
      %add3A_159 = arith.constant 2 : i32
      %add3A_160 = arith.addi %add3A_145, %add3A_159 : i32
      %mul3A_161 = arith.constant 80 : i32
      %mul3A_162 = arith.muli %add3A_160, %mul3A_161 : i32
      %dma_start3A_163 = tpu.memref_slice %arg7[%mul3A_162] : memref<10000xi32, #tpu.memory_space<vmem>> -> memref<80xi32, #tpu.memory_space<vmem>>
      %dma_start3A_164 = arith.constant 0 : i32
      %dma_start3A_165 = arith.constant 0 : i32
      %dma_start3A_166 = tpu.memref_slice %arg2[%dma_start3A_164, %dma_start3A_165] : memref<10000x128xf32, #tpu.memory_space<hbm>> -> memref<10000x128xf32, #tpu.memory_space<hbm>>
      tpu.enqueue_indirect_dma source(%dma_start3A_166 : memref<10000x128xf32, #tpu.memory_space<hbm>>) target(%arg8 : memref<80x128xf32, #tpu.memory_space<vmem>>) offsets(%dma_start3A_163 : memref<80xi32, #tpu.memory_space<vmem>>) semaphore(%arg15 : memref<!tpu.dma_semaphore, #tpu.memory_space<semaphore_mem>>)
      %mul3A_167 = arith.constant 80 : i32
      %mul3A_168 = arith.muli %add3A_160, %mul3A_167 : i32
      %add3A_169 = arith.addi %mul3A_4, %mul3A_168 : i32
      %dma_start3A_170 = tpu.memref_slice %arg4[%add3A_169] : memref<320000xi32, #tpu.memory_space<hbm>> -> memref<80xi32, #tpu.memory_space<hbm>>
      %dma_start3A_171 = tpu.memref_slice %arg4[%add3A_169] : memref<320000xi32, #tpu.memory_space<hbm>> -> memref<80xi32, #tpu.memory_space<hbm>>
      tpu.enqueue_dma source(%dma_start3A_171 : memref<80xi32, #tpu.memory_space<hbm>>) target(%arg11 : memref<80xi32, #tpu.memory_space<vmem>>) target_semaphore(%arg18 : memref<!tpu.dma_semaphore, #tpu.memory_space<semaphore_mem>>)
      %mul3A_172 = arith.constant 3 : i32
      %mul3A_173 = arith.muli %mul3A_172, %scan3A_138 : i32
      %add3A_174 = arith.constant 1 : i32
      %add3A_175 = arith.addi %add3A_174, %mul3A_173 : i32
      %add3A_176 = arith.constant 1 : i32
      %add3A_177 = arith.addi %add3A_175, %add3A_176 : i32
      %dma_wait3A_178 = arith.constant 0 : i32
      %dma_wait3A_179 = tpu.memref_slice %arg7[%dma_wait3A_178] : memref<10000xi32, #tpu.memory_space<vmem>> -> memref<80xi32, #tpu.memory_space<vmem>>
      %dma_wait3A_180 = arith.constant 0 : i32
      %dma_wait3A_181 = arith.constant 0 : i32
      %dma_wait3A_182 = tpu.memref_slice %arg2[%dma_wait3A_180, %dma_wait3A_181] : memref<10000x128xf32, #tpu.memory_space<hbm>> -> memref<10000x128xf32, #tpu.memory_space<hbm>>
      tpu.wait_indirect_dma semaphore(%arg17 : memref<!tpu.dma_semaphore, #tpu.memory_space<semaphore_mem>>) src(%dma_wait3A_182 : memref<10000x128xf32, #tpu.memory_space<hbm>>) dst(%arg10 : memref<80x128xf32, #tpu.memory_space<vmem>>)
      %dma_wait3A_183 = tpu.memref_slice %arg4[%mul3A_4] : memref<320000xi32, #tpu.memory_space<hbm>> -> memref<80xi32, #tpu.memory_space<hbm>>
      %dma_wait3A_184 = tpu.memref_slice %arg4[%mul3A_4] : memref<320000xi32, #tpu.memory_space<hbm>> -> memref<80xi32, #tpu.memory_space<hbm>>
      tpu.wait_dma2 semaphore(%arg20 : memref<!tpu.dma_semaphore, #tpu.memory_space<semaphore_mem>>) src(%dma_wait3A_184 : memref<80xi32, #tpu.memory_space<hbm>>) dst(%arg13 : memref<80xi32, #tpu.memory_space<vmem>>)
      %dma_start3A_185 = arith.constant 0 : i32
      %dma_start3A_186 = arith.constant 0 : i32
      %dma_start3A_187 = tpu.memref_slice %arg6[%dma_start3A_185, %dma_start3A_186] : memref<10000x128xf32, #tpu.memory_space<vmem_shared>> -> memref<10000x128xf32, #tpu.memory_space<vmem_shared>>
      tpu.enqueue_indirect_dma source(%arg10 : memref<80x128xf32, #tpu.memory_space<vmem>>) target(%dma_start3A_187 : memref<10000x128xf32, #tpu.memory_space<vmem_shared>>) offsets(%arg13 : memref<80xi32, #tpu.memory_space<vmem>>) semaphore(%arg23 : memref<!tpu.dma_semaphore, #tpu.memory_space<semaphore_mem>>) {add = true}
      %dma_wait3A_188 = arith.constant 0 : i32
      %dma_wait3A_189 = arith.constant 0 : i32
      %dma_wait3A_190 = tpu.memref_slice %arg6[%dma_wait3A_188, %dma_wait3A_189] : memref<10000x128xf32, #tpu.memory_space<vmem_shared>> -> memref<10000x128xf32, #tpu.memory_space<vmem_shared>>
      tpu.wait_indirect_dma semaphore(%arg22 : memref<!tpu.dma_semaphore, #tpu.memory_space<semaphore_mem>>) src(%arg9 : memref<80x128xf32, #tpu.memory_space<vmem>>) dst(%dma_wait3A_190 : memref<10000x128xf32, #tpu.memory_space<vmem_shared>>)
      %add3A_191 = arith.constant 2 : i32
      %add3A_192 = arith.addi %add3A_177, %add3A_191 : i32
      %mul3A_193 = arith.constant 80 : i32
      %mul3A_194 = arith.muli %add3A_192, %mul3A_193 : i32
      %dma_start3A_195 = tpu.memref_slice %arg7[%mul3A_194] : memref<10000xi32, #tpu.memory_space<vmem>> -> memref<80xi32, #tpu.memory_space<vmem>>
      %dma_start3A_196 = arith.constant 0 : i32
      %dma_start3A_197 = arith.constant 0 : i32
      %dma_start3A_198 = tpu.memref_slice %arg2[%dma_start3A_196, %dma_start3A_197] : memref<10000x128xf32, #tpu.memory_space<hbm>> -> memref<10000x128xf32, #tpu.memory_space<hbm>>
      tpu.enqueue_indirect_dma source(%dma_start3A_198 : memref<10000x128xf32, #tpu.memory_space<hbm>>) target(%arg9 : memref<80x128xf32, #tpu.memory_space<vmem>>) offsets(%dma_start3A_195 : memref<80xi32, #tpu.memory_space<vmem>>) semaphore(%arg16 : memref<!tpu.dma_semaphore, #tpu.memory_space<semaphore_mem>>)
      %mul3A_199 = arith.constant 80 : i32
      %mul3A_200 = arith.muli %add3A_192, %mul3A_199 : i32
      %add3A_201 = arith.addi %mul3A_4, %mul3A_200 : i32
      %dma_start3A_202 = tpu.memref_slice %arg4[%add3A_201] : memref<320000xi32, #tpu.memory_space<hbm>> -> memref<80xi32, #tpu.memory_space<hbm>>
      %dma_start3A_203 = tpu.memref_slice %arg4[%add3A_201] : memref<320000xi32, #tpu.memory_space<hbm>> -> memref<80xi32, #tpu.memory_space<hbm>>
      tpu.enqueue_dma source(%dma_start3A_203 : memref<80xi32, #tpu.memory_space<hbm>>) target(%arg12 : memref<80xi32, #tpu.memory_space<vmem>>) target_semaphore(%arg19 : memref<!tpu.dma_semaphore, #tpu.memory_space<semaphore_mem>>)
      %mul3A_204 = arith.constant 3 : i32
      %mul3A_205 = arith.muli %mul3A_204, %scan3A_138 : i32
      %add3A_206 = arith.constant 1 : i32
      %add3A_207 = arith.addi %add3A_206, %mul3A_205 : i32
      %add3A_208 = arith.constant 2 : i32
      %add3A_209 = arith.addi %add3A_207, %add3A_208 : i32
      %dma_wait3A_210 = arith.constant 0 : i32
      %dma_wait3A_211 = tpu.memref_slice %arg7[%dma_wait3A_210] : memref<10000xi32, #tpu.memory_space<vmem>> -> memref<80xi32, #tpu.memory_space<vmem>>
      %dma_wait3A_212 = arith.constant 0 : i32
      %dma_wait3A_213 = arith.constant 0 : i32
      %dma_wait3A_214 = tpu.memref_slice %arg2[%dma_wait3A_212, %dma_wait3A_213] : memref<10000x128xf32, #tpu.memory_space<hbm>> -> memref<10000x128xf32, #tpu.memory_space<hbm>>
      tpu.wait_indirect_dma semaphore(%arg15 : memref<!tpu.dma_semaphore, #tpu.memory_space<semaphore_mem>>) src(%dma_wait3A_214 : memref<10000x128xf32, #tpu.memory_space<hbm>>) dst(%arg8 : memref<80x128xf32, #tpu.memory_space<vmem>>)
      %dma_wait3A_215 = tpu.memref_slice %arg4[%mul3A_4] : memref<320000xi32, #tpu.memory_space<hbm>> -> memref<80xi32, #tpu.memory_space<hbm>>
      %dma_wait3A_216 = tpu.memref_slice %arg4[%mul3A_4] : memref<320000xi32, #tpu.memory_space<hbm>> -> memref<80xi32, #tpu.memory_space<hbm>>
      tpu.wait_dma2 semaphore(%arg18 : memref<!tpu.dma_semaphore, #tpu.memory_space<semaphore_mem>>) src(%dma_wait3A_216 : memref<80xi32, #tpu.memory_space<hbm>>) dst(%arg11 : memref<80xi32, #tpu.memory_space<vmem>>)
      %dma_start3A_217 = arith.constant 0 : i32
      %dma_start3A_218 = arith.constant 0 : i32
      %dma_start3A_219 = tpu.memref_slice %arg6[%dma_start3A_217, %dma_start3A_218] : memref<10000x128xf32, #tpu.memory_space<vmem_shared>> -> memref<10000x128xf32, #tpu.memory_space<vmem_shared>>
      tpu.enqueue_indirect_dma source(%arg8 : memref<80x128xf32, #tpu.memory_space<vmem>>) target(%dma_start3A_219 : memref<10000x128xf32, #tpu.memory_space<vmem_shared>>) offsets(%arg11 : memref<80xi32, #tpu.memory_space<vmem>>) semaphore(%arg21 : memref<!tpu.dma_semaphore, #tpu.memory_space<semaphore_mem>>) {add = true}
      %dma_wait3A_220 = arith.constant 0 : i32
      %dma_wait3A_221 = arith.constant 0 : i32
      %dma_wait3A_222 = tpu.memref_slice %arg6[%dma_wait3A_220, %dma_wait3A_221] : memref<10000x128xf32, #tpu.memory_space<vmem_shared>> -> memref<10000x128xf32, #tpu.memory_space<vmem_shared>>
      tpu.wait_indirect_dma semaphore(%arg23 : memref<!tpu.dma_semaphore, #tpu.memory_space<semaphore_mem>>) src(%arg10 : memref<80x128xf32, #tpu.memory_space<vmem>>) dst(%dma_wait3A_222 : memref<10000x128xf32, #tpu.memory_space<vmem_shared>>)
      %add3A_223 = arith.constant 2 : i32
      %add3A_224 = arith.addi %add3A_209, %add3A_223 : i32
      %mul3A_225 = arith.constant 80 : i32
      %mul3A_226 = arith.muli %add3A_224, %mul3A_225 : i32
      %dma_start3A_227 = tpu.memref_slice %arg7[%mul3A_226] : memref<10000xi32, #tpu.memory_space<vmem>> -> memref<80xi32, #tpu.memory_space<vmem>>
      %dma_start3A_228 = arith.constant 0 : i32
      %dma_start3A_229 = arith.constant 0 : i32
      %dma_start3A_230 = tpu.memref_slice %arg2[%dma_start3A_228, %dma_start3A_229] : memref<10000x128xf32, #tpu.memory_space<hbm>> -> memref<10000x128xf32, #tpu.memory_space<hbm>>
      tpu.enqueue_indirect_dma source(%dma_start3A_230 : memref<10000x128xf32, #tpu.memory_space<hbm>>) target(%arg10 : memref<80x128xf32, #tpu.memory_space<vmem>>) offsets(%dma_start3A_227 : memref<80xi32, #tpu.memory_space<vmem>>) semaphore(%arg17 : memref<!tpu.dma_semaphore, #tpu.memory_space<semaphore_mem>>)
      %mul3A_231 = arith.constant 80 : i32
      %mul3A_232 = arith.muli %add3A_224, %mul3A_231 : i32
      %add3A_233 = arith.addi %mul3A_4, %mul3A_232 : i32
      %dma_start3A_234 = tpu.memref_slice %arg4[%add3A_233] : memref<320000xi32, #tpu.memory_space<hbm>> -> memref<80xi32, #tpu.memory_space<hbm>>
      %dma_start3A_235 = tpu.memref_slice %arg4[%add3A_233] : memref<320000xi32, #tpu.memory_space<hbm>> -> memref<80xi32, #tpu.memory_space<hbm>>
      tpu.enqueue_dma source(%dma_start3A_235 : memref<80xi32, #tpu.memory_space<hbm>>) target(%arg13 : memref<80xi32, #tpu.memory_space<vmem>>) target_semaphore(%arg20 : memref<!tpu.dma_semaphore, #tpu.memory_space<semaphore_mem>>)
      %scan3A_236 = arith.constant 0 : i32
      scf.yield %scan3A_236 : i32
    }
    %scan3A_58 = arith.constant 40 : i32
    %dma_wait3A_59 = arith.constant 0 : i32
    %dma_wait3A_60 = tpu.memref_slice %arg7[%dma_wait3A_59] : memref<10000xi32, #tpu.memory_space<vmem>> -> memref<80xi32, #tpu.memory_space<vmem>>
    %dma_wait3A_61 = arith.constant 0 : i32
    %dma_wait3A_62 = arith.constant 0 : i32
    %dma_wait3A_63 = tpu.memref_slice %arg2[%dma_wait3A_61, %dma_wait3A_62] : memref<10000x128xf32, #tpu.memory_space<hbm>> -> memref<10000x128xf32, #tpu.memory_space<hbm>>
    tpu.wait_indirect_dma semaphore(%arg16 : memref<!tpu.dma_semaphore, #tpu.memory_space<semaphore_mem>>) src(%dma_wait3A_63 : memref<10000x128xf32, #tpu.memory_space<hbm>>) dst(%arg9 : memref<80x128xf32, #tpu.memory_space<vmem>>)
    %dma_wait3A_64 = tpu.memref_slice %arg4[%mul3A_4] : memref<320000xi32, #tpu.memory_space<hbm>> -> memref<80xi32, #tpu.memory_space<hbm>>
    %dma_wait3A_65 = tpu.memref_slice %arg4[%mul3A_4] : memref<320000xi32, #tpu.memory_space<hbm>> -> memref<80xi32, #tpu.memory_space<hbm>>
    tpu.wait_dma2 semaphore(%arg19 : memref<!tpu.dma_semaphore, #tpu.memory_space<semaphore_mem>>) src(%dma_wait3A_65 : memref<80xi32, #tpu.memory_space<hbm>>) dst(%arg12 : memref<80xi32, #tpu.memory_space<vmem>>)
    %dma_start3A_66 = arith.constant 0 : i32
    %dma_start3A_67 = arith.constant 0 : i32
    %dma_start3A_68 = tpu.memref_slice %arg6[%dma_start3A_66, %dma_start3A_67] : memref<10000x128xf32, #tpu.memory_space<vmem_shared>> -> memref<10000x128xf32, #tpu.memory_space<vmem_shared>>
    tpu.enqueue_indirect_dma source(%arg9 : memref<80x128xf32, #tpu.memory_space<vmem>>) target(%dma_start3A_68 : memref<10000x128xf32, #tpu.memory_space<vmem_shared>>) offsets(%arg12 : memref<80xi32, #tpu.memory_space<vmem>>) semaphore(%arg22 : memref<!tpu.dma_semaphore, #tpu.memory_space<semaphore_mem>>) {add = true}
    %dma_wait3A_69 = arith.constant 0 : i32
    %dma_wait3A_70 = arith.constant 0 : i32
    %dma_wait3A_71 = tpu.memref_slice %arg6[%dma_wait3A_69, %dma_wait3A_70] : memref<10000x128xf32, #tpu.memory_space<vmem_shared>> -> memref<10000x128xf32, #tpu.memory_space<vmem_shared>>
    tpu.wait_indirect_dma semaphore(%arg21 : memref<!tpu.dma_semaphore, #tpu.memory_space<semaphore_mem>>) src(%arg8 : memref<80x128xf32, #tpu.memory_space<vmem>>) dst(%dma_wait3A_71 : memref<10000x128xf32, #tpu.memory_space<vmem_shared>>)
    %dma_start3A_72 = arith.constant 9840 : i32
    %dma_start3A_73 = tpu.memref_slice %arg7[%dma_start3A_72] : memref<10000xi32, #tpu.memory_space<vmem>> -> memref<80xi32, #tpu.memory_space<vmem>>
    %dma_start3A_74 = arith.constant 0 : i32
    %dma_start3A_75 = arith.constant 0 : i32
    %dma_start3A_76 = tpu.memref_slice %arg2[%dma_start3A_74, %dma_start3A_75] : memref<10000x128xf32, #tpu.memory_space<hbm>> -> memref<10000x128xf32, #tpu.memory_space<hbm>>
    tpu.enqueue_indirect_dma source(%dma_start3A_76 : memref<10000x128xf32, #tpu.memory_space<hbm>>) target(%arg8 : memref<80x128xf32, #tpu.memory_space<vmem>>) offsets(%dma_start3A_73 : memref<80xi32, #tpu.memory_space<vmem>>) semaphore(%arg15 : memref<!tpu.dma_semaphore, #tpu.memory_space<semaphore_mem>>)
    %add3A_77 = arith.constant 9840 : i32
    %add3A_78 = arith.addi %mul3A_4, %add3A_77 : i32
    %dma_start3A_79 = tpu.memref_slice %arg4[%add3A_78] : memref<320000xi32, #tpu.memory_space<hbm>> -> memref<80xi32, #tpu.memory_space<hbm>>
    %dma_start3A_80 = tpu.memref_slice %arg4[%add3A_78] : memref<320000xi32, #tpu.memory_space<hbm>> -> memref<80xi32, #tpu.memory_space<hbm>>
    tpu.enqueue_dma source(%dma_start3A_80 : memref<80xi32, #tpu.memory_space<hbm>>) target(%arg11 : memref<80xi32, #tpu.memory_space<vmem>>) target_semaphore(%arg18 : memref<!tpu.dma_semaphore, #tpu.memory_space<semaphore_mem>>)
    %dma_wait3A_81 = arith.constant 0 : i32
    %dma_wait3A_82 = tpu.memref_slice %arg7[%dma_wait3A_81] : memref<10000xi32, #tpu.memory_space<vmem>> -> memref<80xi32, #tpu.memory_space<vmem>>
    %dma_wait3A_83 = arith.constant 0 : i32
    %dma_wait3A_84 = arith.constant 0 : i32
    %dma_wait3A_85 = tpu.memref_slice %arg2[%dma_wait3A_83, %dma_wait3A_84] : memref<10000x128xf32, #tpu.memory_space<hbm>> -> memref<10000x128xf32, #tpu.memory_space<hbm>>
    tpu.wait_indirect_dma semaphore(%arg17 : memref<!tpu.dma_semaphore, #tpu.memory_space<semaphore_mem>>) src(%dma_wait3A_85 : memref<10000x128xf32, #tpu.memory_space<hbm>>) dst(%arg10 : memref<80x128xf32, #tpu.memory_space<vmem>>)
    %dma_wait3A_86 = tpu.memref_slice %arg4[%mul3A_4] : memref<320000xi32, #tpu.memory_space<hbm>> -> memref<80xi32, #tpu.memory_space<hbm>>
    %dma_wait3A_87 = tpu.memref_slice %arg4[%mul3A_4] : memref<320000xi32, #tpu.memory_space<hbm>> -> memref<80xi32, #tpu.memory_space<hbm>>
    tpu.wait_dma2 semaphore(%arg20 : memref<!tpu.dma_semaphore, #tpu.memory_space<semaphore_mem>>) src(%dma_wait3A_87 : memref<80xi32, #tpu.memory_space<hbm>>) dst(%arg13 : memref<80xi32, #tpu.memory_space<vmem>>)
    %dma_start3A_88 = arith.constant 0 : i32
    %dma_start3A_89 = arith.constant 0 : i32
    %dma_start3A_90 = tpu.memref_slice %arg6[%dma_start3A_88, %dma_start3A_89] : memref<10000x128xf32, #tpu.memory_space<vmem_shared>> -> memref<10000x128xf32, #tpu.memory_space<vmem_shared>>
    tpu.enqueue_indirect_dma source(%arg10 : memref<80x128xf32, #tpu.memory_space<vmem>>) target(%dma_start3A_90 : memref<10000x128xf32, #tpu.memory_space<vmem_shared>>) offsets(%arg13 : memref<80xi32, #tpu.memory_space<vmem>>) semaphore(%arg23 : memref<!tpu.dma_semaphore, #tpu.memory_space<semaphore_mem>>) {add = true}
    %dma_wait3A_91 = arith.constant 0 : i32
    %dma_wait3A_92 = arith.constant 0 : i32
    %dma_wait3A_93 = tpu.memref_slice %arg6[%dma_wait3A_91, %dma_wait3A_92] : memref<10000x128xf32, #tpu.memory_space<vmem_shared>> -> memref<10000x128xf32, #tpu.memory_space<vmem_shared>>
    tpu.wait_indirect_dma semaphore(%arg22 : memref<!tpu.dma_semaphore, #tpu.memory_space<semaphore_mem>>) src(%arg9 : memref<80x128xf32, #tpu.memory_space<vmem>>) dst(%dma_wait3A_93 : memref<10000x128xf32, #tpu.memory_space<vmem_shared>>)
    %dma_start3A_94 = arith.constant 9920 : i32
    %dma_start3A_95 = tpu.memref_slice %arg7[%dma_start3A_94] : memref<10000xi32, #tpu.memory_space<vmem>> -> memref<80xi32, #tpu.memory_space<vmem>>
    %dma_start3A_96 = arith.constant 0 : i32
    %dma_start3A_97 = arith.constant 0 : i32
    %dma_start3A_98 = tpu.memref_slice %arg2[%dma_start3A_96, %dma_start3A_97] : memref<10000x128xf32, #tpu.memory_space<hbm>> -> memref<10000x128xf32, #tpu.memory_space<hbm>>
    tpu.enqueue_indirect_dma source(%dma_start3A_98 : memref<10000x128xf32, #tpu.memory_space<hbm>>) target(%arg9 : memref<80x128xf32, #tpu.memory_space<vmem>>) offsets(%dma_start3A_95 : memref<80xi32, #tpu.memory_space<vmem>>) semaphore(%arg16 : memref<!tpu.dma_semaphore, #tpu.memory_space<semaphore_mem>>)
    %add3A_99 = arith.constant 9920 : i32
    %add3A_100 = arith.addi %mul3A_4, %add3A_99 : i32
    %dma_start3A_101 = tpu.memref_slice %arg4[%add3A_100] : memref<320000xi32, #tpu.memory_space<hbm>> -> memref<80xi32, #tpu.memory_space<hbm>>
    %dma_start3A_102 = tpu.memref_slice %arg4[%add3A_100] : memref<320000xi32, #tpu.memory_space<hbm>> -> memref<80xi32, #tpu.memory_space<hbm>>
    tpu.enqueue_dma source(%dma_start3A_102 : memref<80xi32, #tpu.memory_space<hbm>>) target(%arg12 : memref<80xi32, #tpu.memory_space<vmem>>) target_semaphore(%arg19 : memref<!tpu.dma_semaphore, #tpu.memory_space<semaphore_mem>>)
    %dma_wait3A_103 = arith.constant 0 : i32
    %dma_wait3A_104 = tpu.memref_slice %arg7[%dma_wait3A_103] : memref<10000xi32, #tpu.memory_space<vmem>> -> memref<80xi32, #tpu.memory_space<vmem>>
    %dma_wait3A_105 = arith.constant 0 : i32
    %dma_wait3A_106 = arith.constant 0 : i32
    %dma_wait3A_107 = tpu.memref_slice %arg2[%dma_wait3A_105, %dma_wait3A_106] : memref<10000x128xf32, #tpu.memory_space<hbm>> -> memref<10000x128xf32, #tpu.memory_space<hbm>>
    tpu.wait_indirect_dma semaphore(%arg15 : memref<!tpu.dma_semaphore, #tpu.memory_space<semaphore_mem>>) src(%dma_wait3A_107 : memref<10000x128xf32, #tpu.memory_space<hbm>>) dst(%arg8 : memref<80x128xf32, #tpu.memory_space<vmem>>)
    %dma_wait3A_108 = tpu.memref_slice %arg4[%mul3A_4] : memref<320000xi32, #tpu.memory_space<hbm>> -> memref<80xi32, #tpu.memory_space<hbm>>
    %dma_wait3A_109 = tpu.memref_slice %arg4[%mul3A_4] : memref<320000xi32, #tpu.memory_space<hbm>> -> memref<80xi32, #tpu.memory_space<hbm>>
    tpu.wait_dma2 semaphore(%arg18 : memref<!tpu.dma_semaphore, #tpu.memory_space<semaphore_mem>>) src(%dma_wait3A_109 : memref<80xi32, #tpu.memory_space<hbm>>) dst(%arg11 : memref<80xi32, #tpu.memory_space<vmem>>)
    %dma_start3A_110 = arith.constant 0 : i32
    %dma_start3A_111 = arith.constant 0 : i32
    %dma_start3A_112 = tpu.memref_slice %arg6[%dma_start3A_110, %dma_start3A_111] : memref<10000x128xf32, #tpu.memory_space<vmem_shared>> -> memref<10000x128xf32, #tpu.memory_space<vmem_shared>>
    tpu.enqueue_indirect_dma source(%arg8 : memref<80x128xf32, #tpu.memory_space<vmem>>) target(%dma_start3A_112 : memref<10000x128xf32, #tpu.memory_space<vmem_shared>>) offsets(%arg11 : memref<80xi32, #tpu.memory_space<vmem>>) semaphore(%arg21 : memref<!tpu.dma_semaphore, #tpu.memory_space<semaphore_mem>>) {add = true}
    %dma_wait3A_113 = arith.constant 0 : i32
    %dma_wait3A_114 = tpu.memref_slice %arg7[%dma_wait3A_113] : memref<10000xi32, #tpu.memory_space<vmem>> -> memref<80xi32, #tpu.memory_space<vmem>>
    %dma_wait3A_115 = arith.constant 0 : i32
    %dma_wait3A_116 = arith.constant 0 : i32
    %dma_wait3A_117 = tpu.memref_slice %arg2[%dma_wait3A_115, %dma_wait3A_116] : memref<10000x128xf32, #tpu.memory_space<hbm>> -> memref<10000x128xf32, #tpu.memory_space<hbm>>
    tpu.wait_indirect_dma semaphore(%arg16 : memref<!tpu.dma_semaphore, #tpu.memory_space<semaphore_mem>>) src(%dma_wait3A_117 : memref<10000x128xf32, #tpu.memory_space<hbm>>) dst(%arg9 : memref<80x128xf32, #tpu.memory_space<vmem>>)
    %dma_wait3A_118 = tpu.memref_slice %arg4[%mul3A_4] : memref<320000xi32, #tpu.memory_space<hbm>> -> memref<80xi32, #tpu.memory_space<hbm>>
    %dma_wait3A_119 = tpu.memref_slice %arg4[%mul3A_4] : memref<320000xi32, #tpu.memory_space<hbm>> -> memref<80xi32, #tpu.memory_space<hbm>>
    tpu.wait_dma2 semaphore(%arg19 : memref<!tpu.dma_semaphore, #tpu.memory_space<semaphore_mem>>) src(%dma_wait3A_119 : memref<80xi32, #tpu.memory_space<hbm>>) dst(%arg12 : memref<80xi32, #tpu.memory_space<vmem>>)
    %dma_start3A_120 = arith.constant 0 : i32
    %dma_start3A_121 = arith.constant 0 : i32
    %dma_start3A_122 = tpu.memref_slice %arg6[%dma_start3A_120, %dma_start3A_121] : memref<10000x128xf32, #tpu.memory_space<vmem_shared>> -> memref<10000x128xf32, #tpu.memory_space<vmem_shared>>
    tpu.enqueue_indirect_dma source(%arg9 : memref<80x128xf32, #tpu.memory_space<vmem>>) target(%dma_start3A_122 : memref<10000x128xf32, #tpu.memory_space<vmem_shared>>) offsets(%arg12 : memref<80xi32, #tpu.memory_space<vmem>>) semaphore(%arg22 : memref<!tpu.dma_semaphore, #tpu.memory_space<semaphore_mem>>) {add = true}
    %dma_wait3A_123 = arith.constant 0 : i32
    %dma_wait3A_124 = arith.constant 0 : i32
    %dma_wait3A_125 = tpu.memref_slice %arg6[%dma_wait3A_123, %dma_wait3A_124] : memref<10000x128xf32, #tpu.memory_space<vmem_shared>> -> memref<10000x128xf32, #tpu.memory_space<vmem_shared>>
    tpu.wait_indirect_dma semaphore(%arg23 : memref<!tpu.dma_semaphore, #tpu.memory_space<semaphore_mem>>) src(%arg10 : memref<80x128xf32, #tpu.memory_space<vmem>>) dst(%dma_wait3A_125 : memref<10000x128xf32, #tpu.memory_space<vmem_shared>>)
    %dma_wait3A_126 = arith.constant 0 : i32
    %dma_wait3A_127 = arith.constant 0 : i32
    %dma_wait3A_128 = tpu.memref_slice %arg6[%dma_wait3A_126, %dma_wait3A_127] : memref<10000x128xf32, #tpu.memory_space<vmem_shared>> -> memref<10000x128xf32, #tpu.memory_space<vmem_shared>>
    tpu.wait_indirect_dma semaphore(%arg21 : memref<!tpu.dma_semaphore, #tpu.memory_space<semaphore_mem>>) src(%arg8 : memref<80x128xf32, #tpu.memory_space<vmem>>) dst(%dma_wait3A_128 : memref<10000x128xf32, #tpu.memory_space<vmem_shared>>)
    %dma_wait3A_129 = arith.constant 0 : i32
    %dma_wait3A_130 = arith.constant 0 : i32
    %dma_wait3A_131 = tpu.memref_slice %arg6[%dma_wait3A_129, %dma_wait3A_130] : memref<10000x128xf32, #tpu.memory_space<vmem_shared>> -> memref<10000x128xf32, #tpu.memory_space<vmem_shared>>
    tpu.wait_indirect_dma semaphore(%arg22 : memref<!tpu.dma_semaphore, #tpu.memory_space<semaphore_mem>>) src(%arg9 : memref<80x128xf32, #tpu.memory_space<vmem>>) dst(%dma_wait3A_131 : memref<10000x128xf32, #tpu.memory_space<vmem_shared>>)
    %barrier3A_132 = arith.constant 0 : index
    tpu.barrier barrier_id(%barrier3A_132)
    %lt3A_133 = arith.constant 10 : i32
    %lt3A_134 = arith.cmpi slt, %arg1, %lt3A_133 : i32
    %convert_element_type3A_135 = arith.extui %lt3A_134 : i1 to i32
    %cond3A_136 = arith.constant 0 : i32
    %cond3A_137 = arith.cmpi ne, %convert_element_type3A_135, %cond3A_136 : i32
    scf.if %cond3A_137 {
      %mul3A_138 = arith.constant 1000 : i32
      %mul3A_139 = arith.muli %arg1, %mul3A_138 : i32
      %mul3A_140 = arith.constant 1000 : i32
      %mul3A_141 = arith.muli %arg1, %mul3A_140 : i32
      "tpu.region"() ({
        %run_scoped3A = tpu.sem_alloc : memref<!tpu.dma_semaphore, #tpu.memory_space<semaphore_mem>>
        %dma_start3A_142 = arith.constant 0 : i32
        %dma_start3A_143 = tpu.memref_slice %arg5[%arg0, %mul3A_141, %dma_start3A_142] : memref<2x10000x128xf32, #tpu.memory_space<hbm>> -> memref<1x1000x128xf32, #tpu.memory_space<hbm>>
        %dma_start3A_144 = tpu.memref_squeeze %dma_start3A_143 : memref<1x1000x128xf32, #tpu.memory_space<hbm>> -> memref<1000x128xf32, #tpu.memory_space<hbm>>
        %dma_start3A_145 = arith.constant 0 : i32
        %dma_start3A_146 = tpu.memref_slice %arg6[%mul3A_139, %dma_start3A_145] : memref<10000x128xf32, #tpu.memory_space<vmem_shared>> -> memref<1000x128xf32, #tpu.memory_space<vmem_shared>>
        tpu.enqueue_dma source(%dma_start3A_146 : memref<1000x128xf32, #tpu.memory_space<vmem_shared>>) target(%dma_start3A_144 : memref<1000x128xf32, #tpu.memory_space<hbm>>) target_semaphore(%run_scoped3A : memref<!tpu.dma_semaphore, #tpu.memory_space<semaphore_mem>>)
        %dma_wait3A_147 = arith.constant 0 : i32
        %dma_wait3A_148 = tpu.memref_slice %arg5[%arg0, %mul3A_141, %dma_wait3A_147] : memref<2x10000x128xf32, #tpu.memory_space<hbm>> -> memref<1x1000x128xf32, #tpu.memory_space<hbm>>
        %dma_wait3A_149 = tpu.memref_squeeze %dma_wait3A_148 : memref<1x1000x128xf32, #tpu.memory_space<hbm>> -> memref<1000x128xf32, #tpu.memory_space<hbm>>
        %dma_wait3A_150 = arith.constant 0 : i32
        %dma_wait3A_151 = tpu.memref_slice %arg6[%mul3A_139, %dma_wait3A_150] : memref<10000x128xf32, #tpu.memory_space<vmem_shared>> -> memref<1000x128xf32, #tpu.memory_space<vmem_shared>>
        tpu.wait_dma2 semaphore(%run_scoped3A : memref<!tpu.dma_semaphore, #tpu.memory_space<semaphore_mem>>) src(%dma_wait3A_151 : memref<1000x128xf32, #tpu.memory_space<vmem_shared>>) dst(%dma_wait3A_149 : memref<1000x128xf32, #tpu.memory_space<hbm>>)
        tpu.yield
      }) : () -> ()
    } else {
    }
    return
  }
}

module attributes {stable_mosaic.version = 14 : i64} {
  func.func @_tc1_body(%arg0: i32, %arg1: memref<1000x128xf32, #tpu.memory_space<vmem>>, %arg2: memref<128x128xf32, #tpu.memory_space<vmem>>, %arg3: memref<1000x1xf32, #tpu.memory_space<vmem>>, %arg4: memref<1000x128xf32, #tpu.memory_space<vmem>>, %arg5: memref<1000x1xf32, #tpu.memory_space<vmem>>) attributes {dimension_semantics = [#tpu.dimension_semantics<arbitrary>], iteration_bounds = array<i64: 10>, scalar_prefetch = 0 : i64, scratch_operands = 0 : i64, tpu.core_type = #tpu.core_type<tc>, window_params = [{transform_indices = @transform_0, window_bounds = array<i64: 1000, 128>}, {pipeline_mode = #tpu.pipeline_mode<synchronous>, transform_indices = @transform_1, window_bounds = array<i64: 128, 128>}, {transform_indices = @transform_2, window_bounds = array<i64: 1000, 1>}, {transform_indices = @transform_3, window_bounds = array<i64: 1000, 128>}, {transform_indices = @transform_4, window_bounds = array<i64: 1000, 1>}]} {
    %get3A = arith.constant 0 : index
    %get3A_0 = arith.constant 0 : index
    %get3A_1 = vector.load %arg3[%get3A, %get3A_0] : memref<1000x1xf32, #tpu.memory_space<vmem>>, vector<1000x1xf32>
    %rsqrt3A = math.rsqrt %get3A_1 : vector<1000x1xf32>
    %get3A_2 = arith.constant 0 : index
    %get3A_3 = arith.constant 0 : index
    %get3A_4 = vector.load %arg1[%get3A_2, %get3A_3] : memref<1000x128xf32, #tpu.memory_space<vmem>>, vector<1000x128xf32>
    %get3A_5 = arith.constant 0 : index
    %get3A_6 = arith.constant 0 : index
    %get3A_7 = vector.load %arg2[%get3A_5, %get3A_6] : memref<128x128xf32, #tpu.memory_space<vmem>>, vector<128x128xf32>
    %dot_general3A = arith.constant dense<0.000000e+00> : vector<1000x128xf32>
    %dot_general3A_8 = tpu.matmul %get3A_4, %get3A_7, %dot_general3A {dimension_numbers = #tpu.dot_dimension_numbers<[1], [0], [0], [1], [0, 0, 1, 1], [], []>, transpose_lhs_hint = false} : vector<1000x128xf32>, vector<128x128xf32>, vector<1000x128xf32> -> vector<1000x128xf32>
    %mul3A = vector.broadcast %rsqrt3A : vector<1000x1xf32> to vector<1000x128xf32>
    %mul3A_9 = arith.mulf %mul3A, %dot_general3A_8 : vector<1000x128xf32>
    %swap3A = arith.constant 0 : index
    %swap3A_10 = arith.constant 0 : index
    %swap3A_11 = vector.load %arg4[%swap3A, %swap3A_10] : memref<1000x128xf32, #tpu.memory_space<vmem>>, vector<1000x128xf32>
    tpu.vector_store %arg4[%swap3A, %swap3A_10], %mul3A_9 {strides = array<i32>} : memref<1000x128xf32, #tpu.memory_space<vmem>>, vector<1000x128xf32>,
    %swap3A_12 = arith.constant 0 : index
    %swap3A_13 = arith.constant 0 : index
    %swap3A_14 = vector.load %arg5[%swap3A_12, %swap3A_13] : memref<1000x1xf32, #tpu.memory_space<vmem>>, vector<1000x1xf32>
    tpu.vector_store %arg5[%swap3A_12, %swap3A_13], %rsqrt3A {strides = array<i32>} : memref<1000x1xf32, #tpu.memory_space<vmem>>, vector<1000x1xf32>,
    return
  }
  func.func @transform_0(%arg0: i32) -> (i32, i32) {
    %c0_i32 = arith.constant 0 : i32
    %c0_i32_0 = arith.constant 0 : i32
    return %arg0, %c0_i32 : i32, i32
  }
  func.func @transform_1(%arg0: i32) -> (i32, i32) {
    %c0_i32 = arith.constant 0 : i32
    %c0_i32_0 = arith.constant 0 : i32
    %c0_i32_1 = arith.constant 0 : i32
    return %c0_i32, %c0_i32_0 : i32, i32
  }
  func.func @transform_2(%arg0: i32) -> (i32, i32) {
    %c0_i32 = arith.constant 0 : i32
    %c0_i32_0 = arith.constant 0 : i32
    return %arg0, %c0_i32 : i32, i32
  }
  func.func @transform_3(%arg0: i32) -> (i32, i32) {
    %c0_i32 = arith.constant 0 : i32
    %c0_i32_0 = arith.constant 0 : i32
    return %arg0, %c0_i32 : i32, i32
  }
  func.func @transform_4(%arg0: i32) -> (i32, i32) {
    %c0_i32 = arith.constant 0 : i32
    %c0_i32_0 = arith.constant 0 : i32
    return %arg0, %c0_i32 : i32, i32
  }
}

module attributes {stable_mosaic.version = 14 : i64} {
  func.func @_tc2_body(%arg0: i32, %arg1: memref<1000x128xf32, #tpu.memory_space<vmem>>, %arg2: memref<2x1000x128xf32, #tpu.memory_space<vmem>>, %arg3: memref<1000x1xf32, #tpu.memory_space<vmem>>, %arg4: memref<1x128xf32, #tpu.memory_space<vmem>>, %arg5: memref<128x128xf32, #tpu.memory_space<vmem>>, %arg6: memref<1000x128xf32, #tpu.memory_space<vmem>>) attributes {dimension_semantics = [#tpu.dimension_semantics<arbitrary>], iteration_bounds = array<i64: 10>, scalar_prefetch = 0 : i64, scratch_operands = 0 : i64, tpu.core_type = #tpu.core_type<tc>, window_params = [{transform_indices = @transform_0, window_bounds = array<i64: 1000, 128>}, {transform_indices = @transform_1, window_bounds = array<i64: 2, 1000, 128>}, {transform_indices = @transform_2, window_bounds = array<i64: 1000, 1>}, {pipeline_mode = #tpu.pipeline_mode<synchronous>, transform_indices = @transform_3, window_bounds = array<i64: 1, 128>}, {pipeline_mode = #tpu.pipeline_mode<synchronous>, transform_indices = @transform_4, window_bounds = array<i64: 128, 128>}, {transform_indices = @transform_5, window_bounds = array<i64: 1000, 128>}]} {
    %get3A = arith.constant 0 : index
    %get3A_0 = arith.constant 0 : index
    %get3A_1 = vector.load %arg3[%get3A, %get3A_0] : memref<1000x1xf32, #tpu.memory_space<vmem>>, vector<1000x1xf32>
    %get3A_2 = arith.constant 0 : index
    %get3A_3 = arith.constant 0 : index
    %get3A_4 = vector.load %arg1[%get3A_2, %get3A_3] : memref<1000x128xf32, #tpu.memory_space<vmem>>, vector<1000x128xf32>
    %get3A_5 = arith.constant 0 : index
    %get3A_6 = arith.constant 0 : index
    %get3A_7 = arith.constant 0 : index
    %get3A_8 = vector.load %arg2[%get3A_5, %get3A_6, %get3A_7] : memref<2x1000x128xf32, #tpu.memory_space<vmem>>, vector<1x1000x128xf32>
    %get3A_9 = vector.shape_cast %get3A_8 : vector<1x1000x128xf32> to vector<1000x128xf32>
    %add3A = arith.addf %get3A_4, %get3A_9 : vector<1000x128xf32>
    %get3A_10 = arith.constant 1 : index
    %get3A_11 = arith.constant 0 : index
    %get3A_12 = arith.constant 0 : index
    %get3A_13 = vector.load %arg2[%get3A_10, %get3A_11, %get3A_12] : memref<2x1000x128xf32, #tpu.memory_space<vmem>>, vector<1x1000x128xf32>
    %get3A_14 = vector.shape_cast %get3A_13 : vector<1x1000x128xf32> to vector<1000x128xf32>
    %add3A_15 = arith.addf %add3A, %get3A_14 : vector<1000x128xf32>
    %mul3A = vector.broadcast %get3A_1 : vector<1000x1xf32> to vector<1000x128xf32>
    %mul3A_16 = arith.mulf %mul3A, %add3A_15 : vector<1000x128xf32>
    %get3A_17 = arith.constant 0 : index
    %get3A_18 = arith.constant 0 : index
    %get3A_19 = vector.load %arg4[%get3A_17, %get3A_18] : memref<1x128xf32, #tpu.memory_space<vmem>>, vector<1x128xf32>
    %add3A_20 = vector.broadcast %get3A_19 : vector<1x128xf32> to vector<1000x128xf32>
    %add3A_21 = arith.addf %mul3A_16, %add3A_20 : vector<1000x128xf32>
    %max3A = arith.constant 0.000000e+00 : f32
    %max3A_22 = vector.broadcast %max3A : f32 to vector<1000x128xf32>
    %max3A_23 = arith.maximumf %add3A_21, %max3A_22 : vector<1000x128xf32>
    %get3A_24 = arith.constant 0 : index
    %get3A_25 = arith.constant 0 : index
    %get3A_26 = vector.load %arg5[%get3A_24, %get3A_25] : memref<128x128xf32, #tpu.memory_space<vmem>>, vector<128x128xf32>
    %dot_general3A = arith.constant dense<0.000000e+00> : vector<1000x128xf32>
    %dot_general3A_27 = tpu.matmul %max3A_23, %get3A_26, %dot_general3A {dimension_numbers = #tpu.dot_dimension_numbers<[1], [0], [0], [1], [0, 0, 1, 1], [], []>, transpose_lhs_hint = false} : vector<1000x128xf32>, vector<128x128xf32>, vector<1000x128xf32> -> vector<1000x128xf32>
    %mul3A_28 = vector.broadcast %get3A_1 : vector<1000x1xf32> to vector<1000x128xf32>
    %mul3A_29 = arith.mulf %mul3A_28, %dot_general3A_27 : vector<1000x128xf32>
    %swap3A = arith.constant 0 : index
    %swap3A_30 = arith.constant 0 : index
    %swap3A_31 = vector.load %arg6[%swap3A, %swap3A_30] : memref<1000x128xf32, #tpu.memory_space<vmem>>, vector<1000x128xf32>
    tpu.vector_store %arg6[%swap3A, %swap3A_30], %mul3A_29 {strides = array<i32>} : memref<1000x128xf32, #tpu.memory_space<vmem>>, vector<1000x128xf32>,
    return
  }
  func.func @transform_0(%arg0: i32) -> (i32, i32) {
    %c0_i32 = arith.constant 0 : i32
    %c0_i32_0 = arith.constant 0 : i32
    return %arg0, %c0_i32 : i32, i32
  }
  func.func @transform_1(%arg0: i32) -> (i32, i32, i32) {
    %c0_i32 = arith.constant 0 : i32
    %c0_i32_0 = arith.constant 0 : i32
    %c0_i32_1 = arith.constant 0 : i32
    return %c0_i32, %arg0, %c0_i32_0 : i32, i32, i32
  }
  func.func @transform_2(%arg0: i32) -> (i32, i32) {
    %c0_i32 = arith.constant 0 : i32
    %c0_i32_0 = arith.constant 0 : i32
    return %arg0, %c0_i32 : i32, i32
  }
  func.func @transform_3(%arg0: i32) -> (i32, i32) {
    %c0_i32 = arith.constant 0 : i32
    %c0_i32_0 = arith.constant 0 : i32
    %c0_i32_1 = arith.constant 0 : i32
    return %c0_i32, %c0_i32_0 : i32, i32
  }
  func.func @transform_4(%arg0: i32) -> (i32, i32) {
    %c0_i32 = arith.constant 0 : i32
    %c0_i32_0 = arith.constant 0 : i32
    %c0_i32_1 = arith.constant 0 : i32
    return %c0_i32, %c0_i32_0 : i32, i32
  }
  func.func @transform_5(%arg0: i32) -> (i32, i32) {
    %c0_i32 = arith.constant 0 : i32
    %c0_i32_0 = arith.constant 0 : i32
    return %arg0, %c0_i32 : i32, i32
  }
}

module attributes {stable_mosaic.version = 14 : i64} {
  func.func @_tc3_body(%arg0: i32, %arg1: memref<1000x128xf32, #tpu.memory_space<vmem>>, %arg2: memref<2x1000x128xf32, #tpu.memory_space<vmem>>, %arg3: memref<1000x1xf32, #tpu.memory_space<vmem>>, %arg4: memref<1x128xf32, #tpu.memory_space<vmem>>, %arg5: memref<1000x128xf32, #tpu.memory_space<vmem>>) attributes {dimension_semantics = [#tpu.dimension_semantics<arbitrary>], iteration_bounds = array<i64: 10>, scalar_prefetch = 0 : i64, scratch_operands = 0 : i64, tpu.core_type = #tpu.core_type<tc>, window_params = [{transform_indices = @transform_0, window_bounds = array<i64: 1000, 128>}, {transform_indices = @transform_1, window_bounds = array<i64: 2, 1000, 128>}, {transform_indices = @transform_2, window_bounds = array<i64: 1000, 1>}, {pipeline_mode = #tpu.pipeline_mode<synchronous>, transform_indices = @transform_3, window_bounds = array<i64: 1, 128>}, {transform_indices = @transform_4, window_bounds = array<i64: 1000, 128>}]} {
    %get3A = arith.constant 0 : index
    %get3A_0 = arith.constant 0 : index
    %get3A_1 = vector.load %arg3[%get3A, %get3A_0] : memref<1000x1xf32, #tpu.memory_space<vmem>>, vector<1000x1xf32>
    %get3A_2 = arith.constant 0 : index
    %get3A_3 = arith.constant 0 : index
    %get3A_4 = vector.load %arg1[%get3A_2, %get3A_3] : memref<1000x128xf32, #tpu.memory_space<vmem>>, vector<1000x128xf32>
    %get3A_5 = arith.constant 0 : index
    %get3A_6 = arith.constant 0 : index
    %get3A_7 = arith.constant 0 : index
    %get3A_8 = vector.load %arg2[%get3A_5, %get3A_6, %get3A_7] : memref<2x1000x128xf32, #tpu.memory_space<vmem>>, vector<1x1000x128xf32>
    %get3A_9 = vector.shape_cast %get3A_8 : vector<1x1000x128xf32> to vector<1000x128xf32>
    %add3A = arith.addf %get3A_4, %get3A_9 : vector<1000x128xf32>
    %get3A_10 = arith.constant 1 : index
    %get3A_11 = arith.constant 0 : index
    %get3A_12 = arith.constant 0 : index
    %get3A_13 = vector.load %arg2[%get3A_10, %get3A_11, %get3A_12] : memref<2x1000x128xf32, #tpu.memory_space<vmem>>, vector<1x1000x128xf32>
    %get3A_14 = vector.shape_cast %get3A_13 : vector<1x1000x128xf32> to vector<1000x128xf32>
    %add3A_15 = arith.addf %add3A, %get3A_14 : vector<1000x128xf32>
    %mul3A = vector.broadcast %get3A_1 : vector<1000x1xf32> to vector<1000x128xf32>
    %mul3A_16 = arith.mulf %mul3A, %add3A_15 : vector<1000x128xf32>
    %get3A_17 = arith.constant 0 : index
    %get3A_18 = arith.constant 0 : index
    %get3A_19 = vector.load %arg4[%get3A_17, %get3A_18] : memref<1x128xf32, #tpu.memory_space<vmem>>, vector<1x128xf32>
    %add3A_20 = vector.broadcast %get3A_19 : vector<1x128xf32> to vector<1000x128xf32>
    %add3A_21 = arith.addf %mul3A_16, %add3A_20 : vector<1000x128xf32>
    %swap3A = arith.constant 0 : index
    %swap3A_22 = arith.constant 0 : index
    %swap3A_23 = vector.load %arg5[%swap3A, %swap3A_22] : memref<1000x128xf32, #tpu.memory_space<vmem>>, vector<1000x128xf32>
    tpu.vector_store %arg5[%swap3A, %swap3A_22], %add3A_21 {strides = array<i32>} : memref<1000x128xf32, #tpu.memory_space<vmem>>, vector<1000x128xf32>,
    return
  }
  func.func @transform_0(%arg0: i32) -> (i32, i32) {
    %c0_i32 = arith.constant 0 : i32
    %c0_i32_0 = arith.constant 0 : i32
    return %arg0, %c0_i32 : i32, i32
  }
  func.func @transform_1(%arg0: i32) -> (i32, i32, i32) {
    %c0_i32 = arith.constant 0 : i32
    %c0_i32_0 = arith.constant 0 : i32
    %c0_i32_1 = arith.constant 0 : i32
    return %c0_i32, %arg0, %c0_i32_0 : i32, i32, i32
  }
  func.func @transform_2(%arg0: i32) -> (i32, i32) {
    %c0_i32 = arith.constant 0 : i32
    %c0_i32_0 = arith.constant 0 : i32
    return %arg0, %c0_i32 : i32, i32
  }
  func.func @transform_3(%arg0: i32) -> (i32, i32) {
    %c0_i32 = arith.constant 0 : i32
    %c0_i32_0 = arith.constant 0 : i32
    %c0_i32_1 = arith.constant 0 : i32
    return %c0_i32, %c0_i32_0 : i32, i32
  }
  func.func @transform_4(%arg0: i32) -> (i32, i32) {
    %c0_i32 = arith.constant 0 : i32
    %c0_i32_0 = arith.constant 0 : i32
    return %arg0, %c0_i32 : i32, i32
  }
}

</mosaic_0001>

<sc_bundles>
// kernel: kernel.11.cloned.1.call-start
scs
__scs_entry_jumppad:
0x0: {  	(pc) =	sbr.rel $0x88, $3  }
0x1: {  	(tag) =	ssettag $0x0;
	lr =	simm.s32 $0x1  }
0x2: {  	[smem:$0x3F9B] =	sst lr;
	_ =	strace $0xD0000000  }
0x3: {  	_ = 	snop  }
0x4: {  	_ = 	snop  }
0x5: {  	_ = 	snop  }
0x6: {  	_ = 	snop  }
0x7: {  	_ = 	snop  }
__scs_overlays_trampoline_lowered:
0x8: {  	[smem:$0x3FAA] =	sst s0  }
0x9: {  	[smem:$0x3FAB] =	sst s1  }
0xa: {  	[smem:$0x3FAC] =	sst s2  }
0xb: {  	[smem:$0x3FAD] =	sst s3  }
0xc: {  	[smem:$0x3FAE] =	sst s4  }
0xd: {  	[smem:$0x3FAF] =	sst s5  }
0xe: {  	[smem:$0x3FB0] =	sst s6  }
0xf: {  	[smem:$0x3FB1] =	sst s7  }
0x10: {  	[smem:$0x3FB2] =	sst s8  }
0x11: {  	[smem:$0x3FB3] =	sst s9;
	s0 =	simm.s32 @!p0 $0x0  }
0x12: {  	s1 =	sld [smem:$0x3F99];
	s0 =	simm.s32 @p0 $0x1  }
0x13: {  	[smem:$0x3FB4] =	sst s0;
	s0 =	simm.s32 @!p1 $0x0  }
0x14: {  	s2 =	sld [smem:$0x3F98];
	s0 =	simm.s32 @p1 $0x1  }
0x15: {  	[smem:$0x3FB5] =	sst s0;
	s0 =	simm.s32 @!p2 $0x0  }
0x16: {  	s3 =	sld [smem:$0x3FDB];
	s0 =	simm.s32 @p2 $0x1  }
0x17: {  	s4 =	simm.s32 $0x1BF5;
	[smem:$0x3FB7] =	sst s0  }
0x18: {  	s0 =	sld [smem:$0x3F9A];
	_ =	swait.ge [sflag:s4], $0x0  }
0x19: {  	s7 =	sld [smem:$0x3F9B]  }
0x1a: {  	s8 =	sadd.s32 $0xFFFFE003, lr  }
0x1b: {  	s9 =	sadd.s32 $0xFFFFFEF7, lr;
	s5 =	simm.s32 $0xFFFFFFFF;
	p2 =	slt.u32 s8, $0xFFFFF086  }
0x1c: {  	p1 =	slt.u32 s9, $0xF7A;
	s5 =	simm.s32 @!p2 $0x0  }
0x1d: {  	s5 =	simm.s32 @p1 $0x1;
	p0 =	seq.s32 s7, s2  }
0x1e: {  	s7 =	smul.u32 @!p0 $0xF7A, s2;
	p2 =	seq.s32 @!p0 s5, $0x0  }
0x1f: {  	s9 =	smul.u32 $0xF7A, s1;
	s8 =	simm.s32 @!p0 $0x1BF5;
	p2 =	por !p2, p0  }
0x20: {  	[sflag:s8] =	ssyncset.s32 @!p0 $0xFFFFF086;
	s6 =	sadd.s32 @!p0 s3, s7;
	s7 =	simm.s32 @!p0 $0x108  }
0x21: {  	s3 =	sadd.s32 s3, s9;
	s6 =	sadd.s32 @!p0 $0x88, s6;
	s7 =	simm.s32 @p2 $0x1082  }
0x22: {  	[simem:s7], [sflag:s8] =	dma.local @!p0 [hbm:s6], $0xF7A  }
0x23: {  	s9 =	sor.u32 $0xD0000000, s2;
	s6 =	simm.s32 $0x108;
	_ =	swait.ge @!p0 [sflag:s8], $0x0  }
0x24: {  	s3 =	sadd.s32 $0x88, s3;
	s6 =	simm.s32 @!p1 $0x1082;
	[sflag:s4] =	ssyncset.s32 $0xFFFFF086  }
0x25: {  	[simem:s6], [sflag:s4] =	dma.local [hbm:s3], $0xF7A  }
0x26: {  	[smem:$0x3F9B] =	sst s1;
	(tag) =	ssettag s2;
	_ =	strace s9  }
0x27: {  	s1 =	sld [smem:$0x3FAB]  }
0x28: {  	s2 =	sld [smem:$0x3FAC]  }
0x29: {  	s4 =	sld [smem:$0x3FAE]  }
0x2a: {  	p0 =	seq.s32 s5, $0x0;
	s5 =	sld [smem:$0x3FAF]  }
0x2b: {  	s6 =	sld [smem:$0x3FB0]  }
0x2c: {  	s7 =	sld [smem:$0x3FB1]  }
0x2d: {  	s3 =	simm.s32 $0x108;
	s8 =	sld [smem:$0x3FB2]  }
0x2e: {  	s3 =	simm.s32 @!p0 $0x1082;
	s9 =	sld [smem:$0x3FB3]  }
0x2f: {  	lr =	sadd.s32 s0, s3;
	s0 =	sld [smem:$0x3FAA]  }
0x30: {  	s3 =	sld [smem:$0x3FAD]  }
0x31: {  	[smem:$0x3FB6] =	sst s10  }
0x32: {  	s10 =	sld [smem:$0x3FB4];
	_ =	sdelay $0x3  }
0x33: {  	p0 =	seq.s32 s10, $0x1;
	s10 =	sld [smem:$0x3FB6];
	_ =	sdelay $0x3  }
0x34: {  	[smem:$0x3FB6] =	sst s10  }
0x35: {  	s10 =	sld [smem:$0x3FB5];
	_ =	sdelay $0x3  }
0x36: {  	p1 =	seq.s32 s10, $0x1;
	s10 =	sld [smem:$0x3FB6];
	_ =	sdelay $0x3  }
0x37: {  	[smem:$0x3FB6] =	sst s10  }
0x38: {  	s10 =	sld [smem:$0x3FB7]  }
0x39: {  	_ = 	snop;
	(pc) =	sbr.ind lr, $3  }
0x3a: {  	_ = 	snop  }
0x3b: {  	_ = 	snop  }
0x3c: {  	p2 =	seq.s32 s10, $0x1;
	s10 =	sld [smem:$0x3FB6]  }
0x3d: {  	_ =	shalt  }
0x3e: {  	_ =	shalt  }
0x3f: {  	_ =	shalt  }
0x40: {  	_ =	shalt  }
0x41: {  	_ =	shalt  }
0x42: {  	_ =	shalt  }
0x43: {  	_ =	shalt  }
0x44: {  	_ =	shalt  }
0x45: {  	_ =	shalt  }
0x46: {  	_ =	shalt  }
0x47: {  	_ =	shalt  }
0x48: {  	_ =	shalt  }
0x49: {  	_ =	shalt  }
0x4a: {  	_ =	shalt  }
0x4b: {  	_ =	shalt  }
0x4c: {  	_ =	shalt  }
0x4d: {  	_ =	shalt  }
0x4e: {  	_ =	shalt  }
0x4f: {  	_ =	shalt  }
0x50: {  	_ =	shalt  }
0x51: {  	_ =	shalt  }
0x52: {  	_ =	shalt  }
0x53: {  	_ =	shalt  }
0x54: {  	_ =	shalt  }
0x55: {  	_ =	shalt  }
0x56: {  	_ =	shalt  }
0x57: {  	_ =	shalt  }
0x58: {  	_ =	shalt  }
0x59: {  	_ =	shalt  }
0x5a: {  	_ =	shalt  }
0x5b: {  	_ =	shalt  }
0x5c: {  	_ =	shalt  }
0x5d: {  	_ =	shalt  }
0x5e: {  	_ =	shalt  }
0x5f: {  	_ =	shalt  }
0x60: {  	_ =	shalt  }
0x61: {  	_ =	shalt  }
0x62: {  	_ =	shalt  }
0x63: {  	_ =	shalt  }
0x64: {  	_ =	shalt  }
0x65: {  	_ =	shalt  }
0x66: {  	_ =	shalt  }
0x67: {  	_ =	shalt  }
0x68: {  	_ =	shalt  }
0x69: {  	_ =	shalt  }
0x6a: {  	_ =	shalt  }
0x6b: {  	_ =	shalt  }
0x6c: {  	_ =	shalt  }
0x6d: {  	_ =	shalt  }
0x6e: {  	_ =	shalt  }
0x6f: {  	_ =	shalt  }
0x70: {  	_ =	shalt  }
0x71: {  	_ =	shalt  }
0x72: {  	_ =	shalt  }
0x73: {  	_ =	shalt  }
0x74: {  	_ =	shalt  }
0x75: {  	_ =	shalt  }
0x76: {  	_ =	shalt  }
0x77: {  	_ =	shalt  }
0x78: {  	_ =	shalt  }
0x79: {  	_ =	shalt  }
0x7a: {  	_ =	shalt  }
0x7b: {  	_ =	shalt  }
0x7c: {  	_ =	shalt  }
0x7d: {  	_ =	shalt  }
0x7e: {  	_ =	shalt  }
0x7f: {  	_ =	shalt  }
0x80: {  	_ =	shalt  }
0x81: {  	_ =	shalt  }
0x82: {  	_ =	shalt  }
0x83: {  	_ =	shalt  }
0x84: {  	_ =	shalt  }
0x85: {  	_ =	shalt  }
0x86: {  	_ =	shalt  }
0x87: {  	_ =	shalt  }
.Lfunc_end0:
.L_simem_size_0:
called_computation.1_lowered:
.L_overlay_start_0:
0x88: {  	s2 =	sld [smem:$0x3FD9]  }
0x89: {  	s3 =	sld [smem:$0x3FFE];
	_ =	sdelay $0x1  }
0x8a: {  	s1 =	srdreg.scid  }
0x8b: {  	s0 =	sand.u32 $0x1, s1  }
0x8c: {  	s17 =	sshll.u32 s0, $0xA;
	s2 =	sadd.s32 s3, s2  }
0x8d: {  	s2 =	sadd.s32 s2, s17  }
0x8e: {  	[smem:$0x3FC2] =	sst s2  }
0x8f: {  	_ = 	snop  }
0x90: {  	s2 =	sld [smem:$0x3FD0];
	(tm) =	ssettm $0x1  }
0x91: {  	s18 =	sld [smem:$0x3FFB];
	_ =	sdelay $0x3  }
0x92: {  	_ =	strace s18  }
0x93: {  	s3 =	sld [smem:$0x3FFC];
	_ =	sdelay $0x3  }
0x94: {  	_ =	strace s3  }
0x95: {  	s3 =	sld [smem:$0x3FFD];
	_ =	sdelay $0x3  }
0x96: {  	_ =	strace s3  }
0x97: {  	_ =	strace $0x8FFFFFFF  }
0x98: {  	s19 =	sld [smem:$0x3FDB];
	_ =	sdelay $0x1  }
0x99: {  	s4 =	simm.s32 $_scs_section_size  }
0x9a: {  	s5 =	simm.s32 $_size__tile_overlayer_lowered;
	s6 =	simm.s32 $_tile_overlayer_lowered  }
0x9b: {  	s22 =	simm.s32 $0x1BFF;
	s21 =	sshll.u32 s6, $0x1;
	s3 =	sadd.s32 s4, s19  }
0x9c: {  	s7 =	simm.s32 $0x0;
	s20 =	sshll.u32 s5, $0x1;
	s5 =	sadd.s32 s21, s3  }
0x9d: {  	[timem:s7], [sflag:s22] =	dma.local [hbm:s5], s20  }
0x9e: {  	_ =	swait.ge [sflag:s22], s20  }
0x9f: {  	s4 =	ssub.s32 $0x0, s20;
	[sflag:s22] =	ssyncset.done $0x0  }
0xa0: {  	[sflag:s22] =	ssyncadd.s32 s4;
	_ =	sdelay $0x1  }
0xa1: {  	s23 =	simm.s32 $0x1B8B  }
0xa2: {  	_ =	swait.ge [sflag:s23], $0x1  }
0xa3: {  	[sflag:s23] =	ssyncset.done $0x0  }
0xa4: {  	s25 =	simm.s32 $0x1B8E;
	s24 =	sld [smem:$0x3FFE];
	[sflag:s23] =	ssyncadd.s32 $0xFFFFFFFF  }
0xa5: {  	s26 =	simm.s32 $execute0_lowered;
	[smem:$0x3FD2] =	sst s25  }
0xa6: {  	s5 =	sshll.u32 s26, $0x1;
	_ =	strace $0x80000049;
	[dreg:$0x1] =	wrdreg $0xFFFFFFFF  }
0xa7: {  	s28 =	simm.s32 $_size_execute0_lowered;
	s3 =	sadd.s32 s3, s5;
	[dreg:$0x0] =	wrdreg $0x0  }
0xa8: {  	s5 =	sshll.u32 s28, $0x1;
	[dreg:$0x2] =	wrdreg s3  }
0xa9: {  	[dreg:$0x3] =	wrdreg s5  }
0xaa: {  	[dreg:$0x4] =	wrdreg $0xC0  }
0xab: {  	_ =	task [dreg:s7], $0x5FFFF  }
0xac: {  	[dreg:$0x1] =	wrdreg $0xFFFFFFFF  }
0xad: {  	[dreg:$0x0] =	wrdreg $0x60  }
0xae: {  	[dreg:$0x2] =	wrdreg s2  }
0xaf: {  	[dreg:$0x3] =	wrdreg s24  }
0xb0: {  	[dreg:$0x4] =	wrdreg $0x0  }
0xb1: {  	[dreg:$0x5] =	wrdreg $0x9  }
0xb2: {  	_ =	task.clear_ibuf [dreg:s7], $0x6FFFF;
	_ =	strace $0x90000049  }
0xb3: {  	s29 =	simm.s32 $0x9;
	_ =	strace $0x8000004B  }
0xb4: {  	_ =	swait.ge [sflag:s29], $0x1  }
0xb5: {  	[sflag:s29] =	ssyncadd.s32 $0xFFFFFFFF  }
0xb6: {  	_ =	strace $0x9000004B  }
0xb7: {  	_ =	sfence  }
0xb8: {  	s30 =	sld [smem:$0x0];
	_ =	sdelay $0x2  }
0xb9: {  	s31 =	sshll.u32 s1, $0xD;
	s1 =	sshrl.u32 s1, $0x2  }
0xba: {  	s3 =	sand.u32 $0x4000, s31;
	s1 =	sadd.s32 s1, s30  }
0xbb: {  	s0 =	sor.u32 s3, s0;
	s1 =	sshll.u32 s1, $0x11  }
0xbc: {  	s0 =	sor.u32 s1, s0  }
0xbd: {  	s0 =	sadd.s32 $0x8F2B, s0  }
0xbe: {  	[sflag:s0] =	ssyncadd.remote.s32 $0x1  }
0xbf: {  	_ =	sfence.sel $0xFFFF  }
0xc0: {  	[dreg:$0x0] =	wrdreg $0xFFFFFFFF;
	(pc) =	sbr.abs _section_cstart, $3  }
0xc1: {  	[dreg:$0x1] =	wrdreg $0xFFFFFFFF  }
0xc2: {  	_ =	task.clear_ibuf [dreg:s7], $0x2FFFF;
	_ =	strace $0x9FFFFFFF  }
0xc3: {  	(tm) =	ssettm $0x7FFFFFFF  }
tec
execute0_lowered:
.L_overlay_start_1:
0x0: {  	(tag) =	ssettag $0x1  }
0x1: {  	s0 =	srdreg.scid;
	s1 =	rddreg [dreg:$0x0]  }
0x2: {  	s12 =	stileid.u32;
	s6 =	rddreg [dreg:$0x1]  }
0x3: {  	s3 =	rddreg [dreg:$0x2];
	s4 =	simm.s32 $0x0;
	s8 =	smul.u32 $0x1F400, s12  }
0x4: {  	s0 =	sand.u32 $0x1, s0;
	[smem:$0x7FF] =	sst s4;
	s10 =	smul.u32 $0x7D000, s12  }
0x5: {  	s5 =	sadd.s32 $0xBE00, s6;
	s16 =	smul.u32 $0x2710, s12;
	s2 =	sshll.u32 s0, $0x4  }
0x6: {  	s7 =	smul.u32 $0x138800, s0;
	_ =	strace $0x8000004A;
	s29 =	ssub.s32 $0x2, s0  }
0x7: {  	s0 =	smul.u32 $0x27100, s0;
	s2 =	sor.u32 s12, s2;
	s11 =	sshrl.u32 s29, $0x1  }
0x8: {  	s10 =	sshrl.u32 s10, $0x2;
	s2 =	smul.u32 $0x2710, s2;
	s7 =	sadd.s32 s8, s7  }
0x9: {  	s8 =	ssub.s32 s29, s11;
	s0 =	sadd.s32 s16, s0;
	s7 =	sshrl.u32 s7, $0x3  }
0xa: {  	s23 =	sadd.s32 $0x190, s0;
	s24 =	sadd.s32 $0x140, s0;
	s8 =	smax.u32 s8, $0x1  }
0xb: {  	s0 =	sadd.s32 $0xF0, s0;
	s7 =	sadd.s32 s7, s6;
	[dreg:$0x13] =	wrdreg s8  }
0xc: {  	s2 =	sshrl.u32 s2, $0x3;
	[dreg:$0x15] =	wrdreg s0;
	s7 =	sadd.s32 $0x15C00, s7  }
0xd: {  	s9 =	sadd.s32 s2, s6;
	s22 =	sadd.s32 s5, s2;
	[dreg:$0x12] =	wrdreg s7  }
0xe: {  	s6 =	sadd.s32 s10, s3;
	s9 =	sadd.s32 $0x2000, s9;
	[dreg:$0x11] =	wrdreg s22  }
0xf: {  	s30 =	sadd.s32 $0x2800, s6;
	[dreg:$0x4] =	wrdreg s9  }
0x10: {  	s10 =	sadd.s32 $0x5000, s6;
	[dreg:$0x5] =	wrdreg s30  }
0x11: {  	s11 =	sadd.s32 $0x7800, s6;
	[dreg:$0x6] =	wrdreg s10  }
0x12: {  	s31 =	simm.s32 $0x0;
	s13 =	sadd.s32 $0xA000, s6;
	[dreg:$0x7] =	wrdreg s11  }
0x13: {  	p0 =	sgt.u32 s12, $0x9;
	s14 =	sadd.s32 $0xC800, s6;
	[dreg:$0x8] =	wrdreg s13  }
0x14: {  	s12 =	simm.s32 $0x5;
	s15 =	sadd.s32 $0xF000, s6;
	[dreg:$0x9] =	wrdreg s14  }
0x15: {  	s16 =	simm.s32 $0x6;
	s17 =	sadd.s32 $0x14000, s6;
	[dreg:$0xa] =	wrdreg s15  }
0x16: {  	s25 =	sshrl.u32 s24, $0x3;
	s18 =	sadd.s32 $0x16800, s6;
	[dreg:$0xc] =	wrdreg s17  }
0x17: {  	s24 =	simm.s32 $0x13880;
	s19 =	sadd.s32 $0x19000, s6;
	[dreg:$0xd] =	wrdreg s18  }
0x18: {  	s0 =	simm.s32 $0x50;
	s20 =	sadd.s32 $0x1B800, s6;
	[dreg:$0xe] =	wrdreg s19  }
0x19: {  	s8 =	simm.s32 $0x1D800;
	s21 =	sadd.s32 $0x1E000, s6;
	[dreg:$0xf] =	wrdreg s20  }
0x1a: {  	s2 =	sshrl.u32 s23, $0x3;
	s26 =	sadd.s32 $0xA, s22;
	[dreg:$0x10] =	wrdreg s21  }
0x1b: {  	s28 =	sadd.s32 $0x14, s22;
	s29 =	sadd.s32 $0x4CE, s22;
	[dreg:$0x16] =	wrdreg s26  }
0x1c: {  	s7 =	simm.s32 $0x16000;
	s10 =	sadd.s32 $0x11800, s6;
	[dreg:$0x17] =	wrdreg s28  }
0x1d: {  	s20 =	sadd.s32 s2, s5;
	s2 =	sadd.s32 s25, s5;
	[dreg:$0x18] =	wrdreg s29  }
0x1e: {  	s30 =	sadd.s32 $0x4D8, s22;
	s9 =	simm.s32 $0x18800;
	s11 =	simm.s32 $0x2  }
0x1f: {  	s13 =	simm.s32 $0x1B000;
	s14 =	simm.s32 $0x1D900;
	s15 =	simm.s32 $0x3  }
0x20: {  	s17 =	simm.s32 $0x8;
	s18 =	simm.s32 $0x4;
	[dreg:$0xb] =	wrdreg s10  }
0x21: {  	s19 =	simm.s32 $0x7;
	s21 =	simm.s32 $0x9;
	[dreg:$0x14] =	wrdreg s2  }
0x22: {  	v0 =	vimm.f32 $0.0e+00;
	s22 =	simm.s32 $0xA;
	[dreg:$0x19] =	wrdreg s30;
	s10 =	simm.s32 $0x1D880  }
.LBB2_1:
0x23: {  	s2 =	rddreg [dreg:$0x4];
	s23 =	simm.s32 $0x0;
	s26 =	simm.s32 $0x200  }
0x24: {  	[tilespmem:s24], [sflag:$0x1] =	stream.linear.gather [hbm4b:s2+s4], $0x2710, $0x38;
	[tilespmem:$0x1D980] =	vst v63  }
.LBB2_2:
0x25: {  	p1 =	sne.s32 s26, $0x9E00;
	[tilespmem:s23+$0x16070] =	vst v0  }
0x26: {  	[tilespmem:s23+$0x16000] =	vst v0  }
0x27: {  	[tilespmem:s23+$0x16010] =	vst v0  }
.Ltmp0:
0x28: {  	[tilespmem:s23+$0x16020] =	vst v0;
	(pc) =	sbr.rel @p1 .LBB2_2-.Ltmp0, $4  }
0x29: {  	[tilespmem:s23+$0x16030] =	vst v0  }
0x2a: {  	[tilespmem:s23+$0x16040] =	vst v0  }
0x2b: {  	[tilespmem:s23+$0x16050] =	vst v0  }
0x2c: {  	[tilespmem:s23+$0x16060] =	vst v0;
	s23 =	sshra.s32 s26, $0x2;
	s26 =	sadd.s32 $0x200, s26  }
0x2d: {  	[tilespmem:s23+$0x16070] =	vst v0  }
0x2e: {  	[tilespmem:s23+$0x16000] =	vst v0  }
0x2f: {  	[tilespmem:s23+$0x16010] =	vst v0  }
0x30: {  	[tilespmem:s23+$0x16020] =	vst v0  }
0x31: {  	[tilespmem:s23+$0x16030] =	vst v0  }
0x32: {  	[tilespmem:s23+$0x16040] =	vst v0  }
0x33: {  	[tilespmem:s23+$0x16050] =	vst v0  }
0x34: {  	[tilespmem:s23+$0x16060] =	vst v0;
	s23 =	simm.s32 @!p0 $0x16000;
	s26 =	simm.s32 @!p0 $0xB  }
0x35: {  	[spmem:s6] =	stream.linear.scatter @!p0 [tilespmem:s23], [sflag:$0xB], $0x2800, $0x38;
	[tilespmem:$0x1D980] =	vst v63  }
0x36: {  	_ =	swait.ge @!p0 [sflag:s26], $0x2800  }
0x37: {  	[sflag:s26] =	ssyncset.done @!p0 $0x0  }
0x38: {  	s2 =	rddreg [dreg:$0x5];
	[sflag:s26] =	ssyncadd.s32 @!p0 $0xFFFFD800  }
0x39: {  	[spmem:s2] =	stream.linear.scatter @!p0 [tilespmem:s23], [sflag:$0xB], $0x2800, $0x38;
	[tilespmem:$0x1D980] =	vst v63  }
0x3a: {  	_ =	swait.ge @!p0 [sflag:s26], $0x2800  }
0x3b: {  	[sflag:s26] =	ssyncset.done @!p0 $0x0  }
0x3c: {  	s2 =	rddreg [dreg:$0x6];
	[sflag:s26] =	ssyncadd.s32 @!p0 $0xFFFFD800  }
0x3d: {  	[spmem:s2] =	stream.linear.scatter @!p0 [tilespmem:s23], [sflag:$0xB], $0x2800, $0x38;
	[tilespmem:$0x1D980] =	vst v63  }
0x3e: {  	_ =	swait.ge @!p0 [sflag:s26], $0x2800  }
0x3f: {  	[sflag:s26] =	ssyncset.done @!p0 $0x0  }
0x40: {  	s2 =	rddreg [dreg:$0x7];
	[sflag:s26] =	ssyncadd.s32 @!p0 $0xFFFFD800  }
0x41: {  	[spmem:s2] =	stream.linear.scatter @!p0 [tilespmem:s23], [sflag:$0xB], $0x2800, $0x38;
	[tilespmem:$0x1D980] =	vst v63  }
0x42: {  	_ =	swait.ge @!p0 [sflag:s26], $0x2800  }
0x43: {  	[sflag:s26] =	ssyncset.done @!p0 $0x0  }
0x44: {  	s2 =	rddreg [dreg:$0x8];
	[sflag:s26] =	ssyncadd.s32 @!p0 $0xFFFFD800  }
0x45: {  	[spmem:s2] =	stream.linear.scatter @!p0 [tilespmem:s23], [sflag:$0xB], $0x2800, $0x38;
	[tilespmem:$0x1D980] =	vst v63  }
0x46: {  	_ =	swait.ge @!p0 [sflag:s26], $0x2800  }
0x47: {  	[sflag:s26] =	ssyncset.done @!p0 $0x0  }
0x48: {  	s2 =	rddreg [dreg:$0x9];
	[sflag:s26] =	ssyncadd.s32 @!p0 $0xFFFFD800  }
0x49: {  	[spmem:s2] =	stream.linear.scatter @!p0 [tilespmem:s23], [sflag:$0xB], $0x2800, $0x38;
	[tilespmem:$0x1D980] =	vst v63  }
0x4a: {  	_ =	swait.ge @!p0 [sflag:s26], $0x2800  }
0x4b: {  	[sflag:s26] =	ssyncset.done @!p0 $0x0  }
0x4c: {  	s2 =	rddreg [dreg:$0xa];
	[sflag:s26] =	ssyncadd.s32 @!p0 $0xFFFFD800  }
0x4d: {  	[spmem:s2] =	stream.linear.scatter @!p0 [tilespmem:s23], [sflag:$0xB], $0x2800, $0x38;
	[tilespmem:$0x1D980] =	vst v63  }
0x4e: {  	_ =	swait.ge @!p0 [sflag:s26], $0x2800  }
0x4f: {  	[sflag:s26] =	ssyncset.done @!p0 $0x0  }
0x50: {  	s2 =	rddreg [dreg:$0xb];
	[sflag:s26] =	ssyncadd.s32 @!p0 $0xFFFFD800  }
0x51: {  	[spmem:s2] =	stream.linear.scatter @!p0 [tilespmem:s23], [sflag:$0xB], $0x2800, $0x38;
	[tilespmem:$0x1D980] =	vst v63  }
0x52: {  	_ =	swait.ge @!p0 [sflag:s26], $0x2800  }
0x53: {  	[sflag:s26] =	ssyncset.done @!p0 $0x0  }
0x54: {  	s2 =	rddreg [dreg:$0xc];
	[sflag:s26] =	ssyncadd.s32 @!p0 $0xFFFFD800  }
0x55: {  	[spmem:s2] =	stream.linear.scatter @!p0 [tilespmem:s23], [sflag:$0xB], $0x2800, $0x38;
	[tilespmem:$0x1D980] =	vst v63  }
0x56: {  	_ =	swait.ge @!p0 [sflag:s26], $0x2800  }
0x57: {  	[sflag:s26] =	ssyncset.done @!p0 $0x0  }
0x58: {  	s2 =	rddreg [dreg:$0xd];
	[sflag:s26] =	ssyncadd.s32 @!p0 $0xFFFFD800  }
0x59: {  	[spmem:s2] =	stream.linear.scatter @!p0 [tilespmem:s23], [sflag:$0xB], $0x2800, $0x38;
	[tilespmem:$0x1D980] =	vst v63  }
0x5a: {  	_ =	swait.ge @!p0 [sflag:s26], $0x2800  }
0x5b: {  	[sflag:s26] =	ssyncset.done @!p0 $0x0  }
0x5c: {  	s2 =	rddreg [dreg:$0xe];
	[sflag:s26] =	ssyncadd.s32 @!p0 $0xFFFFD800  }
0x5d: {  	[spmem:s2] =	stream.linear.scatter @!p0 [tilespmem:s23], [sflag:$0xB], $0x2800, $0x38;
	[tilespmem:$0x1D980] =	vst v63  }
0x5e: {  	_ =	swait.ge @!p0 [sflag:s26], $0x2800  }
0x5f: {  	[sflag:s26] =	ssyncset.done @!p0 $0x0  }
0x60: {  	s2 =	rddreg [dreg:$0xf];
	[sflag:s26] =	ssyncadd.s32 @!p0 $0xFFFFD800  }
0x61: {  	[spmem:s2] =	stream.linear.scatter @!p0 [tilespmem:s23], [sflag:$0xB], $0x2800, $0x38;
	[tilespmem:$0x1D980] =	vst v63  }
0x62: {  	_ =	swait.ge @!p0 [sflag:s26], $0x2800  }
0x63: {  	[sflag:s26] =	ssyncset.done @!p0 $0x0  }
0x64: {  	s2 =	rddreg [dreg:$0x10];
	[sflag:s26] =	ssyncadd.s32 @!p0 $0xFFFFD800  }
0x65: {  	[spmem:s2] =	stream.linear.scatter @!p0 [tilespmem:s23], [sflag:$0xB], $0x1400, $0x38;
	[tilespmem:$0x1D980] =	vst v63  }
0x66: {  	_ =	swait.ge @!p0 [sflag:s26], $0x1400  }
0x67: {  	[sflag:s26] =	ssyncset.done @!p0 $0x0  }
0x68: {  	s23 =	simm.s32 $0x1;
	[sflag:s26] =	ssyncadd.s32 @!p0 $0xFFFFEC00  }
0x69: {  	_ =	swait.ge [sflag:s23], $0x2710  }
0x6a: {  	[sflag:s23] =	ssyncset.done $0x0  }
0x6b: {  	[sflag:s23] =	ssyncadd.s32 $0xFFFFD8F0  }
0x6c: {  	[bflag:$0x0] =	sbarrier.arrive $0xFFFF  }
0x6d: {  	[tilespmem:s7], [sflag:$0x2] =	stream.indirect.gather [hbm4b:s1+s0], $0x80, s24, s0, $0xb8;
	[tilespmem:$0x1D980] =	vst v63  }
0x6e: {  	s23 =	simm.s32 $0x0;
	s25 =	rddreg [dreg:$0x11]  }
0x6f: {  	[tilespmem:s8], [sflag:$0x5] =	stream.linear.gather [hbm4b:s25+s23], $0x50, $0x38;
	[tilespmem:$0x1D980] =	vst v63  }
0x70: {  	s26 =	simm.s32 $0x138D0  }
0x71: {  	[tilespmem:s9], [sflag:$0x3] =	stream.indirect.gather [hbm4b:s1+s0], $0x80, s26, s0, $0xb8;
	[tilespmem:$0x1D980] =	vst v63  }
0x72: {  	s24 =	rddreg [dreg:$0x16]  }
0x73: {  	[tilespmem:s10], [sflag:$0x6] =	stream.linear.gather [hbm4b:s24+s23], $0x50, $0x38;
	[tilespmem:$0x1D980] =	vst v63  }
0x74: {  	_ =	swait.ge [sflag:s11], $0x2800  }
0x75: {  	[sflag:s11] =	ssyncset.done $0x0  }
0x76: {  	[sflag:s11] =	ssyncadd.s32 $0xFFFFD800  }
0x77: {  	_ =	swait.ge [sflag:s12], $0x50  }
0x78: {  	[sflag:s12] =	ssyncset.done $0x0  }
0x79: {  	[sflag:s12] =	ssyncadd.s32 $0xFFFFFFB0  }
0x7a: {  	[spmem:s3] =	stream.indirect.scatter.add.f32 [tilespmem:s7], [sflag:$0x8], $0x80, s8, s0, $0xb8;
	[tilespmem:$0x1D980] =	vst v63  }
0x7b: {  	s25 =	simm.s32 $0x13920  }
0x7c: {  	[tilespmem:s13], [sflag:$0x4] =	stream.indirect.gather [hbm4b:s1+s0], $0x80, s25, s0, $0xb8;
	[tilespmem:$0x1D980] =	vst v63  }
0x7d: {  	s26 =	rddreg [dreg:$0x17]  }
0x7e: {  	[tilespmem:s14], [sflag:$0x7] =	stream.linear.gather [hbm4b:s26+s23], $0x50, $0x38;
	[tilespmem:$0x1D980] =	vst v63  }
0x7f: {  	_ =	swait.ge [sflag:s15], $0x2800  }
0x80: {  	[sflag:s15] =	ssyncset.done $0x0  }
0x81: {  	[sflag:s15] =	ssyncadd.s32 $0xFFFFD800  }
0x82: {  	_ =	swait.ge [sflag:s16], $0x50  }
0x83: {  	[sflag:s16] =	ssyncset.done $0x0  }
0x84: {  	[sflag:s16] =	ssyncadd.s32 $0xFFFFFFB0  }
0x85: {  	[spmem:s3] =	stream.indirect.scatter.add.f32 [tilespmem:s9], [sflag:$0x9], $0x80, s10, s0, $0xb8;
	[tilespmem:$0x1D980] =	vst v63  }
0x86: {  	_ =	swait.ge [sflag:s17], $0x2800  }
0x87: {  	[sflag:s17] =	ssyncset.done $0x0;
	s24 =	rddreg [dreg:$0x15]  }
0x88: {  	s2 =	simm.s32 $0x13970;
	[sflag:s17] =	ssyncadd.s32 $0xFFFFD800;
	s25 =	sshrl.u32 s24, $0x3  }
0x89: {  	[tilespmem:s7], [sflag:$0x2] =	stream.indirect.gather [hbm4b:s1+s0], $0x80, s2, s0, $0xb8;
	[tilespmem:$0x1D980] =	vst v63  }
0x8a: {  	s26 =	sadd.s32 s5, s25  }
0x8b: {  	[tilespmem:s8], [sflag:$0x5] =	stream.linear.gather [hbm4b:s26+s4], $0x50, $0x38;
	[tilespmem:$0x1D980] =	vst v63  }
0x8c: {  	_ =	swait.ge [sflag:s18], $0x2800  }
0x8d: {  	[sflag:s18] =	ssyncset.done $0x0  }
0x8e: {  	[sflag:s18] =	ssyncadd.s32 $0xFFFFD800  }
0x8f: {  	_ =	swait.ge [sflag:s19], $0x50  }
0x90: {  	[sflag:s19] =	ssyncset.done $0x0  }
0x91: {  	[sflag:s19] =	ssyncadd.s32 $0xFFFFFFB0  }
0x92: {  	[spmem:s3] =	stream.indirect.scatter.add.f32 [tilespmem:s13], [sflag:$0xA], $0x80, s14, s0, $0xb8;
	[tilespmem:$0x1D980] =	vst v63  }
0x93: {  	_ =	swait.ge [sflag:s21], $0x2800  }
0x94: {  	[sflag:s21] =	ssyncset.done $0x0  }
0x95: {  	s2 =	simm.s32 $0x139C0;
	[sflag:s21] =	ssyncadd.s32 $0xFFFFD800  }
0x96: {  	[tilespmem:s9], [sflag:$0x3] =	stream.indirect.gather [hbm4b:s1+s0], $0x80, s2, s0, $0xb8;
	[tilespmem:$0x1D980] =	vst v63  }
0x97: {  	s25 =	rddreg [dreg:$0x14]  }
0x98: {  	[tilespmem:s10], [sflag:$0x6] =	stream.linear.gather [hbm4b:s25+s4], $0x50, $0x38;
	[tilespmem:$0x1D980] =	vst v63  }
0x99: {  	_ =	swait.ge [sflag:s11], $0x2800  }
0x9a: {  	[sflag:s11] =	ssyncset.done $0x0  }
0x9b: {  	[sflag:s11] =	ssyncadd.s32 $0xFFFFD800  }
0x9c: {  	_ =	swait.ge [sflag:s12], $0x50  }
0x9d: {  	[sflag:s12] =	ssyncset.done $0x0  }
0x9e: {  	[sflag:s12] =	ssyncadd.s32 $0xFFFFFFB0  }
0x9f: {  	[spmem:s3] =	stream.indirect.scatter.add.f32 [tilespmem:s7], [sflag:$0x8], $0x80, s8, s0, $0xb8;
	[tilespmem:$0x1D980] =	vst v63  }
0xa0: {  	_ =	swait.ge [sflag:s22], $0x2800  }
0xa1: {  	s28 =	sadd.s32 $0x1E, s20;
	[sflag:s22] =	ssyncset.done $0x0  }
0xa2: {  	s23 =	smov.u32 s20;
	s26 =	simm.s32 $0x13A10;
	[sflag:s22] =	ssyncadd.s32 $0xFFFFD800  }
0xa3: {  	[tilespmem:s13], [sflag:$0x4] =	stream.indirect.gather [hbm4b:s1+s0], $0x80, s26, s0, $0xb8;
	[tilespmem:$0x1D980] =	vst v63  }
0xa4: {  	s30 =	sadd.s32 $0xF0, s24;
	s29 =	sadd.s32 $0x1E, s25;
	s26 =	simm.s32 $0x3C0  }
.LBB2_4:
0xa5: {  	[tilespmem:s14], [sflag:$0x7] =	stream.linear.gather [hbm4b:s23+s4], $0x50, $0x38;
	[tilespmem:$0x1D980] =	vst v63  }
0xa6: {  	s2 =	smov.u32 s26;
	s23 =	smov.u32 s28  }
0xa7: {  	p1 =	sne.s32 s26, $0x9240;
	s26 =	sadd.s32 $0x3C0, s26;
	_ =	swait.ge [sflag:s15], $0x2800  }
0xa8: {  	[sflag:s15] =	ssyncset.done $0x0  }
0xa9: {  	[sflag:s15] =	ssyncadd.s32 $0xFFFFD800  }
0xaa: {  	_ =	swait.ge [sflag:s16], $0x50  }
0xab: {  	[sflag:s16] =	ssyncset.done $0x0  }
0xac: {  	[sflag:s16] =	ssyncadd.s32 $0xFFFFFFB0  }
0xad: {  	[spmem:s3] =	stream.indirect.scatter.add.f32 [tilespmem:s9], [sflag:$0x9], $0x80, s10, s0, $0xb8;
	[tilespmem:$0x1D980] =	vst v63  }
0xae: {  	_ =	swait.ge [sflag:s17], $0x2800  }
0xaf: {  	s2 =	sshra.s32 s2, $0x2;
	[sflag:s17] =	ssyncset.done $0x0  }
0xb0: {  	s25 =	sshrl.u32 s30, $0x3;
	s24 =	sadd.s32 $0x13970, s2;
	[sflag:s17] =	ssyncadd.s32 $0xFFFFD800  }
0xb1: {  	[tilespmem:s7], [sflag:$0x2] =	stream.indirect.gather [hbm4b:s1+s0], $0x80, s24, s0, $0xb8;
	[tilespmem:$0x1D980] =	vst v63  }
0xb2: {  	s24 =	sadd.s32 s5, s25  }
0xb3: {  	[tilespmem:s8], [sflag:$0x5] =	stream.linear.gather [hbm4b:s24+s4], $0x50, $0x38;
	[tilespmem:$0x1D980] =	vst v63  }
0xb4: {  	_ =	swait.ge [sflag:s18], $0x2800  }
0xb5: {  	[sflag:s18] =	ssyncset.done $0x0  }
0xb6: {  	[sflag:s18] =	ssyncadd.s32 $0xFFFFD800  }
0xb7: {  	_ =	swait.ge [sflag:s19], $0x50  }
0xb8: {  	[sflag:s19] =	ssyncset.done $0x0  }
0xb9: {  	[sflag:s19] =	ssyncadd.s32 $0xFFFFFFB0  }
0xba: {  	[spmem:s3] =	stream.indirect.scatter.add.f32 [tilespmem:s13], [sflag:$0xA], $0x80, s14, s0, $0xb8;
	[tilespmem:$0x1D980] =	vst v63  }
0xbb: {  	_ =	swait.ge [sflag:s21], $0x2800  }
0xbc: {  	[sflag:s21] =	ssyncset.done $0x0  }
0xbd: {  	s24 =	sadd.s32 $0x139C0, s2;
	[sflag:s21] =	ssyncadd.s32 $0xFFFFD800  }
0xbe: {  	[tilespmem:s9], [sflag:$0x3] =	stream.indirect.gather [hbm4b:s1+s0], $0x80, s24, s0, $0xb8;
	[tilespmem:$0x1D980] =	vst v63  }
0xbf: {  	_ = 	snop  }
0xc0: {  	[tilespmem:s10], [sflag:$0x6] =	stream.linear.gather [hbm4b:s29+s4], $0x50, $0x38;
	[tilespmem:$0x1D980] =	vst v63  }
0xc1: {  	_ =	swait.ge [sflag:s11], $0x2800  }
0xc2: {  	[sflag:s11] =	ssyncset.done $0x0  }
0xc3: {  	[sflag:s11] =	ssyncadd.s32 $0xFFFFD800  }
0xc4: {  	_ =	swait.ge [sflag:s12], $0x50  }
0xc5: {  	[sflag:s12] =	ssyncset.done $0x0  }
0xc6: {  	[sflag:s12] =	ssyncadd.s32 $0xFFFFFFB0  }
0xc7: {  	[spmem:s3] =	stream.indirect.scatter.add.f32 [tilespmem:s7], [sflag:$0x8], $0x80, s8, s0, $0xb8;
	[tilespmem:$0x1D980] =	vst v63  }
.Ltmp1:
0xc8: {  	_ =	swait.ge [sflag:s22], $0x2800;
	(pc) =	sbr.rel @p1 .LBB2_4-.Ltmp1, $4  }
0xc9: {  	[sflag:s22] =	ssyncset.done $0x0  }
0xca: {  	s2 =	sadd.s32 $0x13A10, s2;
	[sflag:s22] =	ssyncadd.s32 $0xFFFFD800  }
0xcb: {  	[tilespmem:s13], [sflag:$0x4] =	stream.indirect.gather [hbm4b:s1+s0], $0x80, s2, s0, $0xb8;
	[tilespmem:$0x1D980] =	vst v63  }
0xcc: {  	s28 =	sadd.s32 $0x1E, s28;
	s30 =	sadd.s32 $0xF0, s30;
	s29 =	sadd.s32 $0x1E, s29  }
0xcd: {  	[tilespmem:s14], [sflag:$0x7] =	stream.linear.gather [hbm4b:s23+s4], $0x50, $0x38;
	[tilespmem:$0x1D980] =	vst v63  }
0xce: {  	_ =	swait.ge [sflag:s15], $0x2800  }
0xcf: {  	[sflag:s15] =	ssyncset.done $0x0  }
0xd0: {  	[sflag:s15] =	ssyncadd.s32 $0xFFFFD800  }
0xd1: {  	_ =	swait.ge [sflag:s16], $0x50  }
0xd2: {  	[sflag:s16] =	ssyncset.done $0x0  }
0xd3: {  	[sflag:s16] =	ssyncadd.s32 $0xFFFFFFB0  }
0xd4: {  	[spmem:s3] =	stream.indirect.scatter.add.f32 [tilespmem:s9], [sflag:$0x9], $0x80, s10, s0, $0xb8;
	[tilespmem:$0x1D980] =	vst v63  }
0xd5: {  	_ =	swait.ge [sflag:s17], $0x2800  }
0xd6: {  	[sflag:s17] =	ssyncset.done $0x0  }
0xd7: {  	s2 =	simm.s32 $0x15EF0;
	[sflag:s17] =	ssyncadd.s32 $0xFFFFD800  }
0xd8: {  	[tilespmem:s7], [sflag:$0x2] =	stream.indirect.gather [hbm4b:s1+s0], $0x80, s2, s0, $0xb8;
	[tilespmem:$0x1D980] =	vst v63  }
0xd9: {  	s26 =	rddreg [dreg:$0x18]  }
0xda: {  	[tilespmem:s8], [sflag:$0x5] =	stream.linear.gather [hbm4b:s26+s4], $0x50, $0x38;
	[tilespmem:$0x1D980] =	vst v63  }
0xdb: {  	_ =	swait.ge [sflag:s18], $0x2800  }
0xdc: {  	[sflag:s18] =	ssyncset.done $0x0  }
0xdd: {  	[sflag:s18] =	ssyncadd.s32 $0xFFFFD800  }
0xde: {  	_ =	swait.ge [sflag:s19], $0x50  }
0xdf: {  	[sflag:s19] =	ssyncset.done $0x0  }
0xe0: {  	[sflag:s19] =	ssyncadd.s32 $0xFFFFFFB0  }
0xe1: {  	[spmem:s3] =	stream.indirect.scatter.add.f32 [tilespmem:s13], [sflag:$0xA], $0x80, s14, s0, $0xb8;
	[tilespmem:$0x1D980] =	vst v63  }
0xe2: {  	_ =	swait.ge [sflag:s21], $0x2800  }
0xe3: {  	[sflag:s21] =	ssyncset.done $0x0  }
0xe4: {  	s28 =	simm.s32 $0x15F40;
	[sflag:s21] =	ssyncadd.s32 $0xFFFFD800  }
0xe5: {  	[tilespmem:s9], [sflag:$0x3] =	stream.indirect.gather [hbm4b:s1+s0], $0x80, s28, s0, $0xb8;
	[tilespmem:$0x1D980] =	vst v63  }
0xe6: {  	s29 =	rddreg [dreg:$0x19]  }
0xe7: {  	[tilespmem:s10], [sflag:$0x6] =	stream.linear.gather [hbm4b:s29+s4], $0x50, $0x38;
	[tilespmem:$0x1D980] =	vst v63  }
0xe8: {  	_ =	swait.ge [sflag:s11], $0x2800  }
0xe9: {  	[sflag:s11] =	ssyncset.done $0x0  }
0xea: {  	[sflag:s11] =	ssyncadd.s32 $0xFFFFD800  }
0xeb: {  	_ =	swait.ge [sflag:s12], $0x50  }
0xec: {  	[sflag:s12] =	ssyncset.done $0x0  }
0xed: {  	[sflag:s12] =	ssyncadd.s32 $0xFFFFFFB0  }
0xee: {  	[spmem:s3] =	stream.indirect.scatter.add.f32 [tilespmem:s7], [sflag:$0x8], $0x80, s8, s0, $0xb8;
	[tilespmem:$0x1D980] =	vst v63  }
0xef: {  	_ =	swait.ge [sflag:s15], $0x2800  }
0xf0: {  	[sflag:s15] =	ssyncset.done $0x0  }
0xf1: {  	[sflag:s15] =	ssyncadd.s32 $0xFFFFD800  }
0xf2: {  	_ =	swait.ge [sflag:s16], $0x50  }
0xf3: {  	[sflag:s16] =	ssyncset.done $0x0  }
0xf4: {  	[sflag:s16] =	ssyncadd.s32 $0xFFFFFFB0  }
0xf5: {  	[spmem:s3] =	stream.indirect.scatter.add.f32 [tilespmem:s9], [sflag:$0x9], $0x80, s10, s0, $0xb8;
	[tilespmem:$0x1D980] =	vst v63  }
0xf6: {  	_ =	swait.ge [sflag:s22], $0x2800  }
0xf7: {  	[sflag:s22] =	ssyncset.done $0x0  }
0xf8: {  	[sflag:s22] =	ssyncadd.s32 $0xFFFFD800  }
0xf9: {  	_ =	swait.ge [sflag:s17], $0x2800  }
0xfa: {  	[sflag:s17] =	ssyncset.done $0x0  }
0xfb: {  	[sflag:s17] =	ssyncadd.s32 $0xFFFFD800  }
0xfc: {  	_ =	swait.ge [sflag:s21], $0x2800  }
0xfd: {  	[sflag:s21] =	ssyncset.done $0x0  }
0xfe: {  	s2 =	stileid.u32;
	[sflag:s21] =	ssyncadd.s32 $0xFFFFD800  }
0xff: {  	s2 =	sshll.u32 @!p0 s2, $0x6;
	[bflag:$0x0] =	sbarrier.arrive $0xFFFF  }
0x100: {  	s23 =	sshrl.u32 @!p0 s6, $0x3;
	s2 =	sor.u32 @!p0 $0x1C0B, s2;
	s24 =	rddreg [dreg:$0x12]  }
0x101: {  	[hbm:s24], [sflag:s2] =	dma.local @!p0 [spmem:s23], $0x3E80  }
0x102: {  	s2 =	simm.s32 @!p0 $0xB  }
0x103: {  	_ =	swait.ge @!p0 [sflag:s2], $0x3E80  }
0x104: {  	s31 =	sadd.s32 $0x1, s31;
	s30 =	rddreg [dreg:$0x13]  }
0x105: {  	p1 =	sne.s32 s31, s30  }
.Ltmp2:
0x106: {  	_ = 	snop;
	(pc) =	sbr.rel @p1 .LBB2_1-.Ltmp2, $3  }
0x107: {  	_ =	sdelay $0x1  }
0x108: {  	[sflag:s2] =	ssyncset.done @!p0 $0x0  }
0x109: {  	s24 =	simm.s32 $0x13880;
	[sflag:s2] =	ssyncadd.s32 @!p0 $0xFFFFC180  }
0x10a: {  	_ =	sfence.sel $0x180000  }
0x10b: {  	[bflag:$0x0] =	sbarrier.arrive $0xFFFF  }
0x10c: {  	_ =	strace $0x9000004A  }
0x10d: {  	s0 =	stileid.u32;
	[bflag:$0x2] =	sbarrier.arrive $0xFFFF  }
0x10e: {  	p0 =	sne.s32 s0, $0x0;
	s0 =	rddreg [dreg:$0x3]  }
0x10f: {  	s0 =	sadd.s32 @!p0 $0x100000, s0  }
0x110: {  	[sflag:s0] =	ssyncadd.tile.s32 @!p0 $0x1;
	_ =	shalt  }
.Lfunc_end2:
_tile_overlayer_lowered:
.L_overlay_start_2:
0x111: {  	(tag) =	ssettag $0x2  }
0x112: {  	s0 =	rddreg [dreg:$0x0];
	s2 =	stileid.u32  }
0x113: {  	s1 =	rddreg [dreg:$0x1];
	p0 =	sne.s32 s2, $0x0  }
0x114: {  	s3 =	rddreg [dreg:$0x2];
	[bflag:$0x3] =	sbarrier.arrive $0xFFFF;
	s2 =	simm.s32 @!p0 $0x1C0B  }
0x115: {  	[timem:s3], [sflag:s2] =	dma.local @!p0 [hbm:s0], s1  }
0x116: {  	s0 =	simm.s32 @!p0 $0xB  }
0x117: {  	_ =	swait.ge @!p0 [sflag:s0], s1  }
0x118: {  	s1 =	ssub.s32 @!p0 $0x0, s1;
	[sflag:s0] =	ssyncset.done @!p0 $0x0  }
0x119: {  	[sflag:s0] =	ssyncadd.s32 @!p0 s1  }
0x11a: {  	[bflag:$0x3] =	sbarrier.arrive $0xFFFF  }
0x11b: {  	_ =	shalt  }

// kernel: kernel.14.cloned.1.call-start
scs
__scs_entry_jumppad:
0x0: {  	(pc) =	sbr.rel $0x88, $3  }
0x1: {  	(tag) =	ssettag $0x0;
	lr =	simm.s32 $0x1  }
0x2: {  	[smem:$0x3F9B] =	sst lr;
	_ =	strace $0xD0000000  }
0x3: {  	_ = 	snop  }
0x4: {  	_ = 	snop  }
0x5: {  	_ = 	snop  }
0x6: {  	_ = 	snop  }
0x7: {  	_ = 	snop  }
__scs_overlays_trampoline_lowered:
0x8: {  	[smem:$0x3FAA] =	sst s0  }
0x9: {  	[smem:$0x3FAB] =	sst s1  }
0xa: {  	[smem:$0x3FAC] =	sst s2  }
0xb: {  	[smem:$0x3FAD] =	sst s3  }
0xc: {  	[smem:$0x3FAE] =	sst s4  }
0xd: {  	[smem:$0x3FAF] =	sst s5  }
0xe: {  	[smem:$0x3FB0] =	sst s6  }
0xf: {  	[smem:$0x3FB1] =	sst s7  }
0x10: {  	[smem:$0x3FB2] =	sst s8  }
0x11: {  	[smem:$0x3FB3] =	sst s9;
	s0 =	simm.s32 @!p0 $0x0  }
0x12: {  	s1 =	sld [smem:$0x3F99];
	s0 =	simm.s32 @p0 $0x1  }
0x13: {  	[smem:$0x3FB4] =	sst s0;
	s0 =	simm.s32 @!p1 $0x0  }
0x14: {  	s2 =	sld [smem:$0x3F98];
	s0 =	simm.s32 @p1 $0x1  }
0x15: {  	[smem:$0x3FB5] =	sst s0;
	s0 =	simm.s32 @!p2 $0x0  }
0x16: {  	s3 =	sld [smem:$0x3FDB];
	s0 =	simm.s32 @p2 $0x1  }
0x17: {  	s4 =	simm.s32 $0x1BF5;
	[smem:$0x3FB7] =	sst s0  }
0x18: {  	s0 =	sld [smem:$0x3F9A];
	_ =	swait.ge [sflag:s4], $0x0  }
0x19: {  	s7 =	sld [smem:$0x3F9B]  }
0x1a: {  	s8 =	sadd.s32 $0xFFFFE003, lr  }
0x1b: {  	s9 =	sadd.s32 $0xFFFFFEF7, lr;
	s5 =	simm.s32 $0xFFFFFFFF;
	p2 =	slt.u32 s8, $0xFFFFF086  }
0x1c: {  	p1 =	slt.u32 s9, $0xF7A;
	s5 =	simm.s32 @!p2 $0x0  }
0x1d: {  	s5 =	simm.s32 @p1 $0x1;
	p0 =	seq.s32 s7, s2  }
0x1e: {  	s7 =	smul.u32 @!p0 $0xF7A, s2;
	p2 =	seq.s32 @!p0 s5, $0x0  }
0x1f: {  	s9 =	smul.u32 $0xF7A, s1;
	s8 =	simm.s32 @!p0 $0x1BF5;
	p2 =	por !p2, p0  }
0x20: {  	[sflag:s8] =	ssyncset.s32 @!p0 $0xFFFFF086;
	s6 =	sadd.s32 @!p0 s3, s7;
	s7 =	simm.s32 @!p0 $0x108  }
0x21: {  	s3 =	sadd.s32 s3, s9;
	s6 =	sadd.s32 @!p0 $0x88, s6;
	s7 =	simm.s32 @p2 $0x1082  }
0x22: {  	[simem:s7], [sflag:s8] =	dma.local @!p0 [hbm:s6], $0xF7A  }
0x23: {  	s9 =	sor.u32 $0xD0000000, s2;
	s6 =	simm.s32 $0x108;
	_ =	swait.ge @!p0 [sflag:s8], $0x0  }
0x24: {  	s3 =	sadd.s32 $0x88, s3;
	s6 =	simm.s32 @!p1 $0x1082;
	[sflag:s4] =	ssyncset.s32 $0xFFFFF086  }
0x25: {  	[simem:s6], [sflag:s4] =	dma.local [hbm:s3], $0xF7A  }
0x26: {  	[smem:$0x3F9B] =	sst s1;
	(tag) =	ssettag s2;
	_ =	strace s9  }
0x27: {  	s1 =	sld [smem:$0x3FAB]  }
0x28: {  	s2 =	sld [smem:$0x3FAC]  }
0x29: {  	s4 =	sld [smem:$0x3FAE]  }
0x2a: {  	p0 =	seq.s32 s5, $0x0;
	s5 =	sld [smem:$0x3FAF]  }
0x2b: {  	s6 =	sld [smem:$0x3FB0]  }
0x2c: {  	s7 =	sld [smem:$0x3FB1]  }
0x2d: {  	s3 =	simm.s32 $0x108;
	s8 =	sld [smem:$0x3FB2]  }
0x2e: {  	s3 =	simm.s32 @!p0 $0x1082;
	s9 =	sld [smem:$0x3FB3]  }
0x2f: {  	lr =	sadd.s32 s0, s3;
	s0 =	sld [smem:$0x3FAA]  }
0x30: {  	s3 =	sld [smem:$0x3FAD]  }
0x31: {  	[smem:$0x3FB6] =	sst s10  }
0x32: {  	s10 =	sld [smem:$0x3FB4];
	_ =	sdelay $0x3  }
0x33: {  	p0 =	seq.s32 s10, $0x1;
	s10 =	sld [smem:$0x3FB6];
	_ =	sdelay $0x3  }
0x34: {  	[smem:$0x3FB6] =	sst s10  }
0x35: {  	s10 =	sld [smem:$0x3FB5];
	_ =	sdelay $0x3  }
0x36: {  	p1 =	seq.s32 s10, $0x1;
	s10 =	sld [smem:$0x3FB6];
	_ =	sdelay $0x3  }
0x37: {  	[smem:$0x3FB6] =	sst s10  }
0x38: {  	s10 =	sld [smem:$0x3FB7]  }
0x39: {  	_ = 	snop;
	(pc) =	sbr.ind lr, $3  }
0x3a: {  	_ = 	snop  }
0x3b: {  	_ = 	snop  }
0x3c: {  	p2 =	seq.s32 s10, $0x1;
	s10 =	sld [smem:$0x3FB6]  }
0x3d: {  	_ =	shalt  }
0x3e: {  	_ =	shalt  }
0x3f: {  	_ =	shalt  }
0x40: {  	_ =	shalt  }
0x41: {  	_ =	shalt  }
0x42: {  	_ =	shalt  }
0x43: {  	_ =	shalt  }
0x44: {  	_ =	shalt  }
0x45: {  	_ =	shalt  }
0x46: {  	_ =	shalt  }
0x47: {  	_ =	shalt  }
0x48: {  	_ =	shalt  }
0x49: {  	_ =	shalt  }
0x4a: {  	_ =	shalt  }
0x4b: {  	_ =	shalt  }
0x4c: {  	_ =	shalt  }
0x4d: {  	_ =	shalt  }
0x4e: {  	_ =	shalt  }
0x4f: {  	_ =	shalt  }
0x50: {  	_ =	shalt  }
0x51: {  	_ =	shalt  }
0x52: {  	_ =	shalt  }
0x53: {  	_ =	shalt  }
0x54: {  	_ =	shalt  }
0x55: {  	_ =	shalt  }
0x56: {  	_ =	shalt  }
0x57: {  	_ =	shalt  }
0x58: {  	_ =	shalt  }
0x59: {  	_ =	shalt  }
0x5a: {  	_ =	shalt  }
0x5b: {  	_ =	shalt  }
0x5c: {  	_ =	shalt  }
0x5d: {  	_ =	shalt  }
0x5e: {  	_ =	shalt  }
0x5f: {  	_ =	shalt  }
0x60: {  	_ =	shalt  }
0x61: {  	_ =	shalt  }
0x62: {  	_ =	shalt  }
0x63: {  	_ =	shalt  }
0x64: {  	_ =	shalt  }
0x65: {  	_ =	shalt  }
0x66: {  	_ =	shalt  }
0x67: {  	_ =	shalt  }
0x68: {  	_ =	shalt  }
0x69: {  	_ =	shalt  }
0x6a: {  	_ =	shalt  }
0x6b: {  	_ =	shalt  }
0x6c: {  	_ =	shalt  }
0x6d: {  	_ =	shalt  }
0x6e: {  	_ =	shalt  }
0x6f: {  	_ =	shalt  }
0x70: {  	_ =	shalt  }
0x71: {  	_ =	shalt  }
0x72: {  	_ =	shalt  }
0x73: {  	_ =	shalt  }
0x74: {  	_ =	shalt  }
0x75: {  	_ =	shalt  }
0x76: {  	_ =	shalt  }
0x77: {  	_ =	shalt  }
0x78: {  	_ =	shalt  }
0x79: {  	_ =	shalt  }
0x7a: {  	_ =	shalt  }
0x7b: {  	_ =	shalt  }
0x7c: {  	_ =	shalt  }
0x7d: {  	_ =	shalt  }
0x7e: {  	_ =	shalt  }
0x7f: {  	_ =	shalt  }
0x80: {  	_ =	shalt  }
0x81: {  	_ =	shalt  }
0x82: {  	_ =	shalt  }
0x83: {  	_ =	shalt  }
0x84: {  	_ =	shalt  }
0x85: {  	_ =	shalt  }
0x86: {  	_ =	shalt  }
0x87: {  	_ =	shalt  }
.Lfunc_end0:
.L_simem_size_0:
called_computation.2_lowered:
.L_overlay_start_0:
0x88: {  	s2 =	sld [smem:$0x3FD9]  }
0x89: {  	s3 =	sld [smem:$0x3FFE];
	_ =	sdelay $0x1  }
0x8a: {  	s1 =	srdreg.scid  }
0x8b: {  	s0 =	sand.u32 $0x1, s1  }
0x8c: {  	s17 =	sshll.u32 s0, $0xA;
	s2 =	sadd.s32 s3, s2  }
0x8d: {  	s2 =	sadd.s32 s2, s17  }
0x8e: {  	[smem:$0x3FC2] =	sst s2  }
0x8f: {  	_ = 	snop  }
0x90: {  	s2 =	sld [smem:$0x3FD0];
	(tm) =	ssettm $0x1  }
0x91: {  	s18 =	sld [smem:$0x3FFB];
	_ =	sdelay $0x3  }
0x92: {  	_ =	strace s18  }
0x93: {  	s3 =	sld [smem:$0x3FFC];
	_ =	sdelay $0x3  }
0x94: {  	_ =	strace s3  }
0x95: {  	s3 =	sld [smem:$0x3FFD];
	_ =	sdelay $0x3  }
0x96: {  	_ =	strace s3  }
0x97: {  	_ =	strace $0x8FFFFFFF  }
0x98: {  	s19 =	sld [smem:$0x3FDB];
	_ =	sdelay $0x1  }
0x99: {  	s4 =	simm.s32 $_scs_section_size  }
0x9a: {  	s5 =	simm.s32 $_size__tile_overlayer_lowered;
	s6 =	simm.s32 $_tile_overlayer_lowered  }
0x9b: {  	s22 =	simm.s32 $0x1BFF;
	s21 =	sshll.u32 s6, $0x1;
	s3 =	sadd.s32 s4, s19  }
0x9c: {  	s7 =	simm.s32 $0x0;
	s20 =	sshll.u32 s5, $0x1;
	s5 =	sadd.s32 s21, s3  }
0x9d: {  	[timem:s7], [sflag:s22] =	dma.local [hbm:s5], s20  }
0x9e: {  	_ =	swait.ge [sflag:s22], s20  }
0x9f: {  	s4 =	ssub.s32 $0x0, s20;
	[sflag:s22] =	ssyncset.done $0x0  }
0xa0: {  	[sflag:s22] =	ssyncadd.s32 s4;
	_ =	sdelay $0x1  }
0xa1: {  	s23 =	simm.s32 $0x1B8B  }
0xa2: {  	_ =	swait.ge [sflag:s23], $0x1  }
0xa3: {  	[sflag:s23] =	ssyncset.done $0x0  }
0xa4: {  	s25 =	simm.s32 $0x1B8E;
	s24 =	sld [smem:$0x3FFE];
	[sflag:s23] =	ssyncadd.s32 $0xFFFFFFFF  }
0xa5: {  	s26 =	simm.s32 $execute0_lowered;
	[smem:$0x3FD2] =	sst s25  }
0xa6: {  	s5 =	sshll.u32 s26, $0x1;
	_ =	strace $0x8000004C;
	[dreg:$0x1] =	wrdreg $0xFFFFFFFF  }
0xa7: {  	s28 =	simm.s32 $_size_execute0_lowered;
	s3 =	sadd.s32 s3, s5;
	[dreg:$0x0] =	wrdreg $0x0  }
0xa8: {  	s5 =	sshll.u32 s28, $0x1;
	[dreg:$0x2] =	wrdreg s3  }
0xa9: {  	[dreg:$0x3] =	wrdreg s5  }
0xaa: {  	[dreg:$0x4] =	wrdreg $0xC0  }
0xab: {  	_ =	task [dreg:s7], $0x5FFFF  }
0xac: {  	[dreg:$0x1] =	wrdreg $0xFFFFFFFF  }
0xad: {  	[dreg:$0x0] =	wrdreg $0x60  }
0xae: {  	[dreg:$0x2] =	wrdreg s2  }
0xaf: {  	[dreg:$0x3] =	wrdreg s24  }
0xb0: {  	[dreg:$0x4] =	wrdreg $0x0  }
0xb1: {  	[dreg:$0x5] =	wrdreg $0x9  }
0xb2: {  	_ =	task.clear_ibuf [dreg:s7], $0x6FFFF;
	_ =	strace $0x9000004C  }
0xb3: {  	s29 =	simm.s32 $0x9;
	_ =	strace $0x8000004E  }
0xb4: {  	_ =	swait.ge [sflag:s29], $0x1  }
0xb5: {  	[sflag:s29] =	ssyncadd.s32 $0xFFFFFFFF  }
0xb6: {  	_ =	strace $0x9000004E  }
0xb7: {  	_ =	sfence  }
0xb8: {  	s30 =	sld [smem:$0x0];
	_ =	sdelay $0x2  }
0xb9: {  	s31 =	sshll.u32 s1, $0xD;
	s1 =	sshrl.u32 s1, $0x2  }
0xba: {  	s3 =	sand.u32 $0x4000, s31;
	s1 =	sadd.s32 s1, s30  }
0xbb: {  	s0 =	sor.u32 s3, s0;
	s1 =	sshll.u32 s1, $0x11  }
0xbc: {  	s0 =	sor.u32 s1, s0  }
0xbd: {  	s0 =	sadd.s32 $0x8F2B, s0  }
0xbe: {  	[sflag:s0] =	ssyncadd.remote.s32 $0x1  }
0xbf: {  	_ =	sfence.sel $0xFFFF  }
0xc0: {  	[dreg:$0x0] =	wrdreg $0xFFFFFFFF;
	(pc) =	sbr.abs _section_cstart, $3  }
0xc1: {  	[dreg:$0x1] =	wrdreg $0xFFFFFFFF  }
0xc2: {  	_ =	task.clear_ibuf [dreg:s7], $0x2FFFF;
	_ =	strace $0x9FFFFFFF  }
0xc3: {  	(tm) =	ssettm $0x7FFFFFFF  }
tec
execute0_lowered:
.L_overlay_start_1:
0x0: {  	(tag) =	ssettag $0x1  }
0x1: {  	s0 =	srdreg.scid;
	s1 =	rddreg [dreg:$0x0]  }
0x2: {  	s12 =	stileid.u32;
	s6 =	rddreg [dreg:$0x1]  }
0x3: {  	s3 =	rddreg [dreg:$0x2];
	s4 =	simm.s32 $0x0;
	s8 =	smul.u32 $0x1F400, s12  }
0x4: {  	s0 =	sand.u32 $0x1, s0;
	[smem:$0x7FF] =	sst s4;
	s10 =	smul.u32 $0x7D000, s12  }
0x5: {  	s5 =	sadd.s32 $0xBE00, s6;
	s16 =	smul.u32 $0x2710, s12;
	s2 =	sshll.u32 s0, $0x4  }
0x6: {  	s7 =	smul.u32 $0x138800, s0;
	_ =	strace $0x8000004D;
	s29 =	ssub.s32 $0x2, s0  }
0x7: {  	s0 =	smul.u32 $0x27100, s0;
	s2 =	sor.u32 s12, s2;
	s11 =	sshrl.u32 s29, $0x1  }
0x8: {  	s10 =	sshrl.u32 s10, $0x2;
	s2 =	smul.u32 $0x2710, s2;
	s7 =	sadd.s32 s8, s7  }
0x9: {  	s8 =	ssub.s32 s29, s11;
	s0 =	sadd.s32 s16, s0;
	s7 =	sshrl.u32 s7, $0x3  }
0xa: {  	s23 =	sadd.s32 $0x190, s0;
	s24 =	sadd.s32 $0x140, s0;
	s8 =	smax.u32 s8, $0x1  }
0xb: {  	s0 =	sadd.s32 $0xF0, s0;
	s7 =	sadd.s32 s7, s6;
	[dreg:$0x13] =	wrdreg s8  }
0xc: {  	s2 =	sshrl.u32 s2, $0x3;
	[dreg:$0x15] =	wrdreg s0;
	s7 =	sadd.s32 $0x15C00, s7  }
0xd: {  	s9 =	sadd.s32 s2, s6;
	s22 =	sadd.s32 s5, s2;
	[dreg:$0x12] =	wrdreg s7  }
0xe: {  	s6 =	sadd.s32 s10, s3;
	s9 =	sadd.s32 $0x2000, s9;
	[dreg:$0x11] =	wrdreg s22  }
0xf: {  	s30 =	sadd.s32 $0x2800, s6;
	[dreg:$0x4] =	wrdreg s9  }
0x10: {  	s10 =	sadd.s32 $0x5000, s6;
	[dreg:$0x5] =	wrdreg s30  }
0x11: {  	s11 =	sadd.s32 $0x7800, s6;
	[dreg:$0x6] =	wrdreg s10  }
0x12: {  	s31 =	simm.s32 $0x0;
	s13 =	sadd.s32 $0xA000, s6;
	[dreg:$0x7] =	wrdreg s11  }
0x13: {  	p0 =	sgt.u32 s12, $0x9;
	s14 =	sadd.s32 $0xC800, s6;
	[dreg:$0x8] =	wrdreg s13  }
0x14: {  	s12 =	simm.s32 $0x5;
	s15 =	sadd.s32 $0xF000, s6;
	[dreg:$0x9] =	wrdreg s14  }
0x15: {  	s16 =	simm.s32 $0x6;
	s17 =	sadd.s32 $0x14000, s6;
	[dreg:$0xa] =	wrdreg s15  }
0x16: {  	s25 =	sshrl.u32 s24, $0x3;
	s18 =	sadd.s32 $0x16800, s6;
	[dreg:$0xc] =	wrdreg s17  }
0x17: {  	s24 =	simm.s32 $0x13880;
	s19 =	sadd.s32 $0x19000, s6;
	[dreg:$0xd] =	wrdreg s18  }
0x18: {  	s0 =	simm.s32 $0x50;
	s20 =	sadd.s32 $0x1B800, s6;
	[dreg:$0xe] =	wrdreg s19  }
0x19: {  	s8 =	simm.s32 $0x1D800;
	s21 =	sadd.s32 $0x1E000, s6;
	[dreg:$0xf] =	wrdreg s20  }
0x1a: {  	s2 =	sshrl.u32 s23, $0x3;
	s26 =	sadd.s32 $0xA, s22;
	[dreg:$0x10] =	wrdreg s21  }
0x1b: {  	s28 =	sadd.s32 $0x14, s22;
	s29 =	sadd.s32 $0x4CE, s22;
	[dreg:$0x16] =	wrdreg s26  }
0x1c: {  	s7 =	simm.s32 $0x16000;
	s10 =	sadd.s32 $0x11800, s6;
	[dreg:$0x17] =	wrdreg s28  }
0x1d: {  	s20 =	sadd.s32 s2, s5;
	s2 =	sadd.s32 s25, s5;
	[dreg:$0x18] =	wrdreg s29  }
0x1e: {  	s30 =	sadd.s32 $0x4D8, s22;
	s9 =	simm.s32 $0x18800;
	s11 =	simm.s32 $0x2  }
0x1f: {  	s13 =	simm.s32 $0x1B000;
	s14 =	simm.s32 $0x1D900;
	s15 =	simm.s32 $0x3  }
0x20: {  	s17 =	simm.s32 $0x8;
	s18 =	simm.s32 $0x4;
	[dreg:$0xb] =	wrdreg s10  }
0x21: {  	s19 =	simm.s32 $0x7;
	s21 =	simm.s32 $0x9;
	[dreg:$0x14] =	wrdreg s2  }
0x22: {  	v0 =	vimm.f32 $0.0e+00;
	s22 =	simm.s32 $0xA;
	[dreg:$0x19] =	wrdreg s30;
	s10 =	simm.s32 $0x1D880  }
.LBB2_1:
0x23: {  	s2 =	rddreg [dreg:$0x4];
	s23 =	simm.s32 $0x0;
	s26 =	simm.s32 $0x200  }
0x24: {  	[tilespmem:s24], [sflag:$0x1] =	stream.linear.gather [hbm4b:s2+s4], $0x2710, $0x38;
	[tilespmem:$0x1D980] =	vst v63  }
.LBB2_2:
0x25: {  	p1 =	sne.s32 s26, $0x9E00;
	[tilespmem:s23+$0x16070] =	vst v0  }
0x26: {  	[tilespmem:s23+$0x16000] =	vst v0  }
0x27: {  	[tilespmem:s23+$0x16010] =	vst v0  }
.Ltmp0:
0x28: {  	[tilespmem:s23+$0x16020] =	vst v0;
	(pc) =	sbr.rel @p1 .LBB2_2-.Ltmp0, $4  }
0x29: {  	[tilespmem:s23+$0x16030] =	vst v0  }
0x2a: {  	[tilespmem:s23+$0x16040] =	vst v0  }
0x2b: {  	[tilespmem:s23+$0x16050] =	vst v0  }
0x2c: {  	[tilespmem:s23+$0x16060] =	vst v0;
	s23 =	sshra.s32 s26, $0x2;
	s26 =	sadd.s32 $0x200, s26  }
0x2d: {  	[tilespmem:s23+$0x16070] =	vst v0  }
0x2e: {  	[tilespmem:s23+$0x16000] =	vst v0  }
0x2f: {  	[tilespmem:s23+$0x16010] =	vst v0  }
0x30: {  	[tilespmem:s23+$0x16020] =	vst v0  }
0x31: {  	[tilespmem:s23+$0x16030] =	vst v0  }
0x32: {  	[tilespmem:s23+$0x16040] =	vst v0  }
0x33: {  	[tilespmem:s23+$0x16050] =	vst v0  }
0x34: {  	[tilespmem:s23+$0x16060] =	vst v0;
	s23 =	simm.s32 @!p0 $0x16000;
	s26 =	simm.s32 @!p0 $0xB  }
0x35: {  	[spmem:s6] =	stream.linear.scatter @!p0 [tilespmem:s23], [sflag:$0xB], $0x2800, $0x38;
	[tilespmem:$0x1D980] =	vst v63  }
0x36: {  	_ =	swait.ge @!p0 [sflag:s26], $0x2800  }
0x37: {  	[sflag:s26] =	ssyncset.done @!p0 $0x0  }
0x38: {  	s2 =	rddreg [dreg:$0x5];
	[sflag:s26] =	ssyncadd.s32 @!p0 $0xFFFFD800  }
0x39: {  	[spmem:s2] =	stream.linear.scatter @!p0 [tilespmem:s23], [sflag:$0xB], $0x2800, $0x38;
	[tilespmem:$0x1D980] =	vst v63  }
0x3a: {  	_ =	swait.ge @!p0 [sflag:s26], $0x2800  }
0x3b: {  	[sflag:s26] =	ssyncset.done @!p0 $0x0  }
0x3c: {  	s2 =	rddreg [dreg:$0x6];
	[sflag:s26] =	ssyncadd.s32 @!p0 $0xFFFFD800  }
0x3d: {  	[spmem:s2] =	stream.linear.scatter @!p0 [tilespmem:s23], [sflag:$0xB], $0x2800, $0x38;
	[tilespmem:$0x1D980] =	vst v63  }
0x3e: {  	_ =	swait.ge @!p0 [sflag:s26], $0x2800  }
0x3f: {  	[sflag:s26] =	ssyncset.done @!p0 $0x0  }
0x40: {  	s2 =	rddreg [dreg:$0x7];
	[sflag:s26] =	ssyncadd.s32 @!p0 $0xFFFFD800  }
0x41: {  	[spmem:s2] =	stream.linear.scatter @!p0 [tilespmem:s23], [sflag:$0xB], $0x2800, $0x38;
	[tilespmem:$0x1D980] =	vst v63  }
0x42: {  	_ =	swait.ge @!p0 [sflag:s26], $0x2800  }
0x43: {  	[sflag:s26] =	ssyncset.done @!p0 $0x0  }
0x44: {  	s2 =	rddreg [dreg:$0x8];
	[sflag:s26] =	ssyncadd.s32 @!p0 $0xFFFFD800  }
0x45: {  	[spmem:s2] =	stream.linear.scatter @!p0 [tilespmem:s23], [sflag:$0xB], $0x2800, $0x38;
	[tilespmem:$0x1D980] =	vst v63  }
0x46: {  	_ =	swait.ge @!p0 [sflag:s26], $0x2800  }
0x47: {  	[sflag:s26] =	ssyncset.done @!p0 $0x0  }
0x48: {  	s2 =	rddreg [dreg:$0x9];
	[sflag:s26] =	ssyncadd.s32 @!p0 $0xFFFFD800  }
0x49: {  	[spmem:s2] =	stream.linear.scatter @!p0 [tilespmem:s23], [sflag:$0xB], $0x2800, $0x38;
	[tilespmem:$0x1D980] =	vst v63  }
0x4a: {  	_ =	swait.ge @!p0 [sflag:s26], $0x2800  }
0x4b: {  	[sflag:s26] =	ssyncset.done @!p0 $0x0  }
0x4c: {  	s2 =	rddreg [dreg:$0xa];
	[sflag:s26] =	ssyncadd.s32 @!p0 $0xFFFFD800  }
0x4d: {  	[spmem:s2] =	stream.linear.scatter @!p0 [tilespmem:s23], [sflag:$0xB], $0x2800, $0x38;
	[tilespmem:$0x1D980] =	vst v63  }
0x4e: {  	_ =	swait.ge @!p0 [sflag:s26], $0x2800  }
0x4f: {  	[sflag:s26] =	ssyncset.done @!p0 $0x0  }
0x50: {  	s2 =	rddreg [dreg:$0xb];
	[sflag:s26] =	ssyncadd.s32 @!p0 $0xFFFFD800  }
0x51: {  	[spmem:s2] =	stream.linear.scatter @!p0 [tilespmem:s23], [sflag:$0xB], $0x2800, $0x38;
	[tilespmem:$0x1D980] =	vst v63  }
0x52: {  	_ =	swait.ge @!p0 [sflag:s26], $0x2800  }
0x53: {  	[sflag:s26] =	ssyncset.done @!p0 $0x0  }
0x54: {  	s2 =	rddreg [dreg:$0xc];
	[sflag:s26] =	ssyncadd.s32 @!p0 $0xFFFFD800  }
0x55: {  	[spmem:s2] =	stream.linear.scatter @!p0 [tilespmem:s23], [sflag:$0xB], $0x2800, $0x38;
	[tilespmem:$0x1D980] =	vst v63  }
0x56: {  	_ =	swait.ge @!p0 [sflag:s26], $0x2800  }
0x57: {  	[sflag:s26] =	ssyncset.done @!p0 $0x0  }
0x58: {  	s2 =	rddreg [dreg:$0xd];
	[sflag:s26] =	ssyncadd.s32 @!p0 $0xFFFFD800  }
0x59: {  	[spmem:s2] =	stream.linear.scatter @!p0 [tilespmem:s23], [sflag:$0xB], $0x2800, $0x38;
	[tilespmem:$0x1D980] =	vst v63  }
0x5a: {  	_ =	swait.ge @!p0 [sflag:s26], $0x2800  }
0x5b: {  	[sflag:s26] =	ssyncset.done @!p0 $0x0  }
0x5c: {  	s2 =	rddreg [dreg:$0xe];
	[sflag:s26] =	ssyncadd.s32 @!p0 $0xFFFFD800  }
0x5d: {  	[spmem:s2] =	stream.linear.scatter @!p0 [tilespmem:s23], [sflag:$0xB], $0x2800, $0x38;
	[tilespmem:$0x1D980] =	vst v63  }
0x5e: {  	_ =	swait.ge @!p0 [sflag:s26], $0x2800  }
0x5f: {  	[sflag:s26] =	ssyncset.done @!p0 $0x0  }
0x60: {  	s2 =	rddreg [dreg:$0xf];
	[sflag:s26] =	ssyncadd.s32 @!p0 $0xFFFFD800  }
0x61: {  	[spmem:s2] =	stream.linear.scatter @!p0 [tilespmem:s23], [sflag:$0xB], $0x2800, $0x38;
	[tilespmem:$0x1D980] =	vst v63  }
0x62: {  	_ =	swait.ge @!p0 [sflag:s26], $0x2800  }
0x63: {  	[sflag:s26] =	ssyncset.done @!p0 $0x0  }
0x64: {  	s2 =	rddreg [dreg:$0x10];
	[sflag:s26] =	ssyncadd.s32 @!p0 $0xFFFFD800  }
0x65: {  	[spmem:s2] =	stream.linear.scatter @!p0 [tilespmem:s23], [sflag:$0xB], $0x1400, $0x38;
	[tilespmem:$0x1D980] =	vst v63  }
0x66: {  	_ =	swait.ge @!p0 [sflag:s26], $0x1400  }
0x67: {  	[sflag:s26] =	ssyncset.done @!p0 $0x0  }
0x68: {  	s23 =	simm.s32 $0x1;
	[sflag:s26] =	ssyncadd.s32 @!p0 $0xFFFFEC00  }
0x69: {  	_ =	swait.ge [sflag:s23], $0x2710  }
0x6a: {  	[sflag:s23] =	ssyncset.done $0x0  }
0x6b: {  	[sflag:s23] =	ssyncadd.s32 $0xFFFFD8F0  }
0x6c: {  	[bflag:$0x0] =	sbarrier.arrive $0xFFFF  }
0x6d: {  	[tilespmem:s7], [sflag:$0x2] =	stream.indirect.gather [hbm4b:s1+s0], $0x80, s24, s0, $0xb8;
	[tilespmem:$0x1D980] =	vst v63  }
0x6e: {  	s23 =	simm.s32 $0x0;
	s25 =	rddreg [dreg:$0x11]  }
0x6f: {  	[tilespmem:s8], [sflag:$0x5] =	stream.linear.gather [hbm4b:s25+s23], $0x50, $0x38;
	[tilespmem:$0x1D980] =	vst v63  }
0x70: {  	s26 =	simm.s32 $0x138D0  }
0x71: {  	[tilespmem:s9], [sflag:$0x3] =	stream.indirect.gather [hbm4b:s1+s0], $0x80, s26, s0, $0xb8;
	[tilespmem:$0x1D980] =	vst v63  }
0x72: {  	s24 =	rddreg [dreg:$0x16]  }
0x73: {  	[tilespmem:s10], [sflag:$0x6] =	stream.linear.gather [hbm4b:s24+s23], $0x50, $0x38;
	[tilespmem:$0x1D980] =	vst v63  }
0x74: {  	_ =	swait.ge [sflag:s11], $0x2800  }
0x75: {  	[sflag:s11] =	ssyncset.done $0x0  }
0x76: {  	[sflag:s11] =	ssyncadd.s32 $0xFFFFD800  }
0x77: {  	_ =	swait.ge [sflag:s12], $0x50  }
0x78: {  	[sflag:s12] =	ssyncset.done $0x0  }
0x79: {  	[sflag:s12] =	ssyncadd.s32 $0xFFFFFFB0  }
0x7a: {  	[spmem:s3] =	stream.indirect.scatter.add.f32 [tilespmem:s7], [sflag:$0x8], $0x80, s8, s0, $0xb8;
	[tilespmem:$0x1D980] =	vst v63  }
0x7b: {  	s25 =	simm.s32 $0x13920  }
0x7c: {  	[tilespmem:s13], [sflag:$0x4] =	stream.indirect.gather [hbm4b:s1+s0], $0x80, s25, s0, $0xb8;
	[tilespmem:$0x1D980] =	vst v63  }
0x7d: {  	s26 =	rddreg [dreg:$0x17]  }
0x7e: {  	[tilespmem:s14], [sflag:$0x7] =	stream.linear.gather [hbm4b:s26+s23], $0x50, $0x38;
	[tilespmem:$0x1D980] =	vst v63  }
0x7f: {  	_ =	swait.ge [sflag:s15], $0x2800  }
0x80: {  	[sflag:s15] =	ssyncset.done $0x0  }
0x81: {  	[sflag:s15] =	ssyncadd.s32 $0xFFFFD800  }
0x82: {  	_ =	swait.ge [sflag:s16], $0x50  }
0x83: {  	[sflag:s16] =	ssyncset.done $0x0  }
0x84: {  	[sflag:s16] =	ssyncadd.s32 $0xFFFFFFB0  }
0x85: {  	[spmem:s3] =	stream.indirect.scatter.add.f32 [tilespmem:s9], [sflag:$0x9], $0x80, s10, s0, $0xb8;
	[tilespmem:$0x1D980] =	vst v63  }
0x86: {  	_ =	swait.ge [sflag:s17], $0x2800  }
0x87: {  	[sflag:s17] =	ssyncset.done $0x0;
	s24 =	rddreg [dreg:$0x15]  }
0x88: {  	s2 =	simm.s32 $0x13970;
	[sflag:s17] =	ssyncadd.s32 $0xFFFFD800;
	s25 =	sshrl.u32 s24, $0x3  }
0x89: {  	[tilespmem:s7], [sflag:$0x2] =	stream.indirect.gather [hbm4b:s1+s0], $0x80, s2, s0, $0xb8;
	[tilespmem:$0x1D980] =	vst v63  }
0x8a: {  	s26 =	sadd.s32 s5, s25  }
0x8b: {  	[tilespmem:s8], [sflag:$0x5] =	stream.linear.gather [hbm4b:s26+s4], $0x50, $0x38;
	[tilespmem:$0x1D980] =	vst v63  }
0x8c: {  	_ =	swait.ge [sflag:s18], $0x2800  }
0x8d: {  	[sflag:s18] =	ssyncset.done $0x0  }
0x8e: {  	[sflag:s18] =	ssyncadd.s32 $0xFFFFD800  }
0x8f: {  	_ =	swait.ge [sflag:s19], $0x50  }
0x90: {  	[sflag:s19] =	ssyncset.done $0x0  }
0x91: {  	[sflag:s19] =	ssyncadd.s32 $0xFFFFFFB0  }
0x92: {  	[spmem:s3] =	stream.indirect.scatter.add.f32 [tilespmem:s13], [sflag:$0xA], $0x80, s14, s0, $0xb8;
	[tilespmem:$0x1D980] =	vst v63  }
0x93: {  	_ =	swait.ge [sflag:s21], $0x2800  }
0x94: {  	[sflag:s21] =	ssyncset.done $0x0  }
0x95: {  	s2 =	simm.s32 $0x139C0;
	[sflag:s21] =	ssyncadd.s32 $0xFFFFD800  }
0x96: {  	[tilespmem:s9], [sflag:$0x3] =	stream.indirect.gather [hbm4b:s1+s0], $0x80, s2, s0, $0xb8;
	[tilespmem:$0x1D980] =	vst v63  }
0x97: {  	s25 =	rddreg [dreg:$0x14]  }
0x98: {  	[tilespmem:s10], [sflag:$0x6] =	stream.linear.gather [hbm4b:s25+s4], $0x50, $0x38;
	[tilespmem:$0x1D980] =	vst v63  }
0x99: {  	_ =	swait.ge [sflag:s11], $0x2800  }
0x9a: {  	[sflag:s11] =	ssyncset.done $0x0  }
0x9b: {  	[sflag:s11] =	ssyncadd.s32 $0xFFFFD800  }
0x9c: {  	_ =	swait.ge [sflag:s12], $0x50  }
0x9d: {  	[sflag:s12] =	ssyncset.done $0x0  }
0x9e: {  	[sflag:s12] =	ssyncadd.s32 $0xFFFFFFB0  }
0x9f: {  	[spmem:s3] =	stream.indirect.scatter.add.f32 [tilespmem:s7], [sflag:$0x8], $0x80, s8, s0, $0xb8;
	[tilespmem:$0x1D980] =	vst v63  }
0xa0: {  	_ =	swait.ge [sflag:s22], $0x2800  }
0xa1: {  	s28 =	sadd.s32 $0x1E, s20;
	[sflag:s22] =	ssyncset.done $0x0  }
0xa2: {  	s23 =	smov.u32 s20;
	s26 =	simm.s32 $0x13A10;
	[sflag:s22] =	ssyncadd.s32 $0xFFFFD800  }
0xa3: {  	[tilespmem:s13], [sflag:$0x4] =	stream.indirect.gather [hbm4b:s1+s0], $0x80, s26, s0, $0xb8;
	[tilespmem:$0x1D980] =	vst v63  }
0xa4: {  	s30 =	sadd.s32 $0xF0, s24;
	s29 =	sadd.s32 $0x1E, s25;
	s26 =	simm.s32 $0x3C0  }
.LBB2_4:
0xa5: {  	[tilespmem:s14], [sflag:$0x7] =	stream.linear.gather [hbm4b:s23+s4], $0x50, $0x38;
	[tilespmem:$0x1D980] =	vst v63  }
0xa6: {  	s2 =	smov.u32 s26;
	s23 =	smov.u32 s28  }
0xa7: {  	p1 =	sne.s32 s26, $0x9240;
	s26 =	sadd.s32 $0x3C0, s26;
	_ =	swait.ge [sflag:s15], $0x2800  }
0xa8: {  	[sflag:s15] =	ssyncset.done $0x0  }
0xa9: {  	[sflag:s15] =	ssyncadd.s32 $0xFFFFD800  }
0xaa: {  	_ =	swait.ge [sflag:s16], $0x50  }
0xab: {  	[sflag:s16] =	ssyncset.done $0x0  }
0xac: {  	[sflag:s16] =	ssyncadd.s32 $0xFFFFFFB0  }
0xad: {  	[spmem:s3] =	stream.indirect.scatter.add.f32 [tilespmem:s9], [sflag:$0x9], $0x80, s10, s0, $0xb8;
	[tilespmem:$0x1D980] =	vst v63  }
0xae: {  	_ =	swait.ge [sflag:s17], $0x2800  }
0xaf: {  	s2 =	sshra.s32 s2, $0x2;
	[sflag:s17] =	ssyncset.done $0x0  }
0xb0: {  	s25 =	sshrl.u32 s30, $0x3;
	s24 =	sadd.s32 $0x13970, s2;
	[sflag:s17] =	ssyncadd.s32 $0xFFFFD800  }
0xb1: {  	[tilespmem:s7], [sflag:$0x2] =	stream.indirect.gather [hbm4b:s1+s0], $0x80, s24, s0, $0xb8;
	[tilespmem:$0x1D980] =	vst v63  }
0xb2: {  	s24 =	sadd.s32 s5, s25  }
0xb3: {  	[tilespmem:s8], [sflag:$0x5] =	stream.linear.gather [hbm4b:s24+s4], $0x50, $0x38;
	[tilespmem:$0x1D980] =	vst v63  }
0xb4: {  	_ =	swait.ge [sflag:s18], $0x2800  }
0xb5: {  	[sflag:s18] =	ssyncset.done $0x0  }
0xb6: {  	[sflag:s18] =	ssyncadd.s32 $0xFFFFD800  }
0xb7: {  	_ =	swait.ge [sflag:s19], $0x50  }
0xb8: {  	[sflag:s19] =	ssyncset.done $0x0  }
0xb9: {  	[sflag:s19] =	ssyncadd.s32 $0xFFFFFFB0  }
0xba: {  	[spmem:s3] =	stream.indirect.scatter.add.f32 [tilespmem:s13], [sflag:$0xA], $0x80, s14, s0, $0xb8;
	[tilespmem:$0x1D980] =	vst v63  }
0xbb: {  	_ =	swait.ge [sflag:s21], $0x2800  }
0xbc: {  	[sflag:s21] =	ssyncset.done $0x0  }
0xbd: {  	s24 =	sadd.s32 $0x139C0, s2;
	[sflag:s21] =	ssyncadd.s32 $0xFFFFD800  }
0xbe: {  	[tilespmem:s9], [sflag:$0x3] =	stream.indirect.gather [hbm4b:s1+s0], $0x80, s24, s0, $0xb8;
	[tilespmem:$0x1D980] =	vst v63  }
0xbf: {  	_ = 	snop  }
0xc0: {  	[tilespmem:s10], [sflag:$0x6] =	stream.linear.gather [hbm4b:s29+s4], $0x50, $0x38;
	[tilespmem:$0x1D980] =	vst v63  }
0xc1: {  	_ =	swait.ge [sflag:s11], $0x2800  }
0xc2: {  	[sflag:s11] =	ssyncset.done $0x0  }
0xc3: {  	[sflag:s11] =	ssyncadd.s32 $0xFFFFD800  }
0xc4: {  	_ =	swait.ge [sflag:s12], $0x50  }
0xc5: {  	[sflag:s12] =	ssyncset.done $0x0  }
0xc6: {  	[sflag:s12] =	ssyncadd.s32 $0xFFFFFFB0  }
0xc7: {  	[spmem:s3] =	stream.indirect.scatter.add.f32 [tilespmem:s7], [sflag:$0x8], $0x80, s8, s0, $0xb8;
	[tilespmem:$0x1D980] =	vst v63  }
.Ltmp1:
0xc8: {  	_ =	swait.ge [sflag:s22], $0x2800;
	(pc) =	sbr.rel @p1 .LBB2_4-.Ltmp1, $4  }
0xc9: {  	[sflag:s22] =	ssyncset.done $0x0  }
0xca: {  	s2 =	sadd.s32 $0x13A10, s2;
	[sflag:s22] =	ssyncadd.s32 $0xFFFFD800  }
0xcb: {  	[tilespmem:s13], [sflag:$0x4] =	stream.indirect.gather [hbm4b:s1+s0], $0x80, s2, s0, $0xb8;
	[tilespmem:$0x1D980] =	vst v63  }
0xcc: {  	s28 =	sadd.s32 $0x1E, s28;
	s30 =	sadd.s32 $0xF0, s30;
	s29 =	sadd.s32 $0x1E, s29  }
0xcd: {  	[tilespmem:s14], [sflag:$0x7] =	stream.linear.gather [hbm4b:s23+s4], $0x50, $0x38;
	[tilespmem:$0x1D980] =	vst v63  }
0xce: {  	_ =	swait.ge [sflag:s15], $0x2800  }
0xcf: {  	[sflag:s15] =	ssyncset.done $0x0  }
0xd0: {  	[sflag:s15] =	ssyncadd.s32 $0xFFFFD800  }
0xd1: {  	_ =	swait.ge [sflag:s16], $0x50  }
0xd2: {  	[sflag:s16] =	ssyncset.done $0x0  }
0xd3: {  	[sflag:s16] =	ssyncadd.s32 $0xFFFFFFB0  }
0xd4: {  	[spmem:s3] =	stream.indirect.scatter.add.f32 [tilespmem:s9], [sflag:$0x9], $0x80, s10, s0, $0xb8;
	[tilespmem:$0x1D980] =	vst v63  }
0xd5: {  	_ =	swait.ge [sflag:s17], $0x2800  }
0xd6: {  	[sflag:s17] =	ssyncset.done $0x0  }
0xd7: {  	s2 =	simm.s32 $0x15EF0;
	[sflag:s17] =	ssyncadd.s32 $0xFFFFD800  }
0xd8: {  	[tilespmem:s7], [sflag:$0x2] =	stream.indirect.gather [hbm4b:s1+s0], $0x80, s2, s0, $0xb8;
	[tilespmem:$0x1D980] =	vst v63  }
0xd9: {  	s26 =	rddreg [dreg:$0x18]  }
0xda: {  	[tilespmem:s8], [sflag:$0x5] =	stream.linear.gather [hbm4b:s26+s4], $0x50, $0x38;
	[tilespmem:$0x1D980] =	vst v63  }
0xdb: {  	_ =	swait.ge [sflag:s18], $0x2800  }
0xdc: {  	[sflag:s18] =	ssyncset.done $0x0  }
0xdd: {  	[sflag:s18] =	ssyncadd.s32 $0xFFFFD800  }
0xde: {  	_ =	swait.ge [sflag:s19], $0x50  }
0xdf: {  	[sflag:s19] =	ssyncset.done $0x0  }
0xe0: {  	[sflag:s19] =	ssyncadd.s32 $0xFFFFFFB0  }
0xe1: {  	[spmem:s3] =	stream.indirect.scatter.add.f32 [tilespmem:s13], [sflag:$0xA], $0x80, s14, s0, $0xb8;
	[tilespmem:$0x1D980] =	vst v63  }
0xe2: {  	_ =	swait.ge [sflag:s21], $0x2800  }
0xe3: {  	[sflag:s21] =	ssyncset.done $0x0  }
0xe4: {  	s28 =	simm.s32 $0x15F40;
	[sflag:s21] =	ssyncadd.s32 $0xFFFFD800  }
0xe5: {  	[tilespmem:s9], [sflag:$0x3] =	stream.indirect.gather [hbm4b:s1+s0], $0x80, s28, s0, $0xb8;
	[tilespmem:$0x1D980] =	vst v63  }
0xe6: {  	s29 =	rddreg [dreg:$0x19]  }
0xe7: {  	[tilespmem:s10], [sflag:$0x6] =	stream.linear.gather [hbm4b:s29+s4], $0x50, $0x38;
	[tilespmem:$0x1D980] =	vst v63  }
0xe8: {  	_ =	swait.ge [sflag:s11], $0x2800  }
0xe9: {  	[sflag:s11] =	ssyncset.done $0x0  }
0xea: {  	[sflag:s11] =	ssyncadd.s32 $0xFFFFD800  }
0xeb: {  	_ =	swait.ge [sflag:s12], $0x50  }
0xec: {  	[sflag:s12] =	ssyncset.done $0x0  }
0xed: {  	[sflag:s12] =	ssyncadd.s32 $0xFFFFFFB0  }
0xee: {  	[spmem:s3] =	stream.indirect.scatter.add.f32 [tilespmem:s7], [sflag:$0x8], $0x80, s8, s0, $0xb8;
	[tilespmem:$0x1D980] =	vst v63  }
0xef: {  	_ =	swait.ge [sflag:s15], $0x2800  }
0xf0: {  	[sflag:s15] =	ssyncset.done $0x0  }
0xf1: {  	[sflag:s15] =	ssyncadd.s32 $0xFFFFD800  }
0xf2: {  	_ =	swait.ge [sflag:s16], $0x50  }
0xf3: {  	[sflag:s16] =	ssyncset.done $0x0  }
0xf4: {  	[sflag:s16] =	ssyncadd.s32 $0xFFFFFFB0  }
0xf5: {  	[spmem:s3] =	stream.indirect.scatter.add.f32 [tilespmem:s9], [sflag:$0x9], $0x80, s10, s0, $0xb8;
	[tilespmem:$0x1D980] =	vst v63  }
0xf6: {  	_ =	swait.ge [sflag:s22], $0x2800  }
0xf7: {  	[sflag:s22] =	ssyncset.done $0x0  }
0xf8: {  	[sflag:s22] =	ssyncadd.s32 $0xFFFFD800  }
0xf9: {  	_ =	swait.ge [sflag:s17], $0x2800  }
0xfa: {  	[sflag:s17] =	ssyncset.done $0x0  }
0xfb: {  	[sflag:s17] =	ssyncadd.s32 $0xFFFFD800  }
0xfc: {  	_ =	swait.ge [sflag:s21], $0x2800  }
0xfd: {  	[sflag:s21] =	ssyncset.done $0x0  }
0xfe: {  	s2 =	stileid.u32;
	[sflag:s21] =	ssyncadd.s32 $0xFFFFD800  }
0xff: {  	s2 =	sshll.u32 @!p0 s2, $0x6;
	[bflag:$0x0] =	sbarrier.arrive $0xFFFF  }
0x100: {  	s23 =	sshrl.u32 @!p0 s6, $0x3;
	s2 =	sor.u32 @!p0 $0x1C0B, s2;
	s24 =	rddreg [dreg:$0x12]  }
0x101: {  	[hbm:s24], [sflag:s2] =	dma.local @!p0 [spmem:s23], $0x3E80  }
0x102: {  	s2 =	simm.s32 @!p0 $0xB  }
0x103: {  	_ =	swait.ge @!p0 [sflag:s2], $0x3E80  }
0x104: {  	s31 =	sadd.s32 $0x1, s31;
	s30 =	rddreg [dreg:$0x13]  }
0x105: {  	p1 =	sne.s32 s31, s30  }
.Ltmp2:
0x106: {  	_ = 	snop;
	(pc) =	sbr.rel @p1 .LBB2_1-.Ltmp2, $3  }
0x107: {  	_ =	sdelay $0x1  }
0x108: {  	[sflag:s2] =	ssyncset.done @!p0 $0x0  }
0x109: {  	s24 =	simm.s32 $0x13880;
	[sflag:s2] =	ssyncadd.s32 @!p0 $0xFFFFC180  }
0x10a: {  	_ =	sfence.sel $0x180000  }
0x10b: {  	[bflag:$0x0] =	sbarrier.arrive $0xFFFF  }
0x10c: {  	_ =	strace $0x9000004D  }
0x10d: {  	s0 =	stileid.u32;
	[bflag:$0x2] =	sbarrier.arrive $0xFFFF  }
0x10e: {  	p0 =	sne.s32 s0, $0x0;
	s0 =	rddreg [dreg:$0x3]  }
0x10f: {  	s0 =	sadd.s32 @!p0 $0x100000, s0  }
0x110: {  	[sflag:s0] =	ssyncadd.tile.s32 @!p0 $0x1;
	_ =	shalt  }
.Lfunc_end2:
_tile_overlayer_lowered:
.L_overlay_start_2:
0x111: {  	(tag) =	ssettag $0x2  }
0x112: {  	s0 =	rddreg [dreg:$0x0];
	s2 =	stileid.u32  }
0x113: {  	s1 =	rddreg [dreg:$0x1];
	p0 =	sne.s32 s2, $0x0  }
0x114: {  	s3 =	rddreg [dreg:$0x2];
	[bflag:$0x3] =	sbarrier.arrive $0xFFFF;
	s2 =	simm.s32 @!p0 $0x1C0B  }
0x115: {  	[timem:s3], [sflag:s2] =	dma.local @!p0 [hbm:s0], s1  }
0x116: {  	s0 =	simm.s32 @!p0 $0xB  }
0x117: {  	_ =	swait.ge @!p0 [sflag:s0], s1  }
0x118: {  	s1 =	ssub.s32 @!p0 $0x0, s1;
	[sflag:s0] =	ssyncset.done @!p0 $0x0  }
0x119: {  	[sflag:s0] =	ssyncadd.s32 @!p0 s1  }
0x11a: {  	[bflag:$0x3] =	sbarrier.arrive $0xFFFF  }
0x11b: {  	_ =	shalt  }

// kernel: kernel.8.cloned.1.call-start
scs
__scs_entry_jumppad:
0x0: {  	(pc) =	sbr.rel $0x88, $3  }
0x1: {  	(tag) =	ssettag $0x0;
	lr =	simm.s32 $0x1  }
0x2: {  	[smem:$0x3F9B] =	sst lr;
	_ =	strace $0xD0000000  }
0x3: {  	_ = 	snop  }
0x4: {  	_ = 	snop  }
0x5: {  	_ = 	snop  }
0x6: {  	_ = 	snop  }
0x7: {  	_ = 	snop  }
__scs_overlays_trampoline_lowered:
0x8: {  	[smem:$0x3FAA] =	sst s0  }
0x9: {  	[smem:$0x3FAB] =	sst s1  }
0xa: {  	[smem:$0x3FAC] =	sst s2  }
0xb: {  	[smem:$0x3FAD] =	sst s3  }
0xc: {  	[smem:$0x3FAE] =	sst s4  }
0xd: {  	[smem:$0x3FAF] =	sst s5  }
0xe: {  	[smem:$0x3FB0] =	sst s6  }
0xf: {  	[smem:$0x3FB1] =	sst s7  }
0x10: {  	[smem:$0x3FB2] =	sst s8  }
0x11: {  	[smem:$0x3FB3] =	sst s9;
	s0 =	simm.s32 @!p0 $0x0  }
0x12: {  	s1 =	sld [smem:$0x3F99];
	s0 =	simm.s32 @p0 $0x1  }
0x13: {  	[smem:$0x3FB4] =	sst s0;
	s0 =	simm.s32 @!p1 $0x0  }
0x14: {  	s2 =	sld [smem:$0x3F98];
	s0 =	simm.s32 @p1 $0x1  }
0x15: {  	[smem:$0x3FB5] =	sst s0;
	s0 =	simm.s32 @!p2 $0x0  }
0x16: {  	s3 =	sld [smem:$0x3FDB];
	s0 =	simm.s32 @p2 $0x1  }
0x17: {  	s4 =	simm.s32 $0x1BF5;
	[smem:$0x3FB7] =	sst s0  }
0x18: {  	s0 =	sld [smem:$0x3F9A];
	_ =	swait.ge [sflag:s4], $0x0  }
0x19: {  	s7 =	sld [smem:$0x3F9B]  }
0x1a: {  	s8 =	sadd.s32 $0xFFFFE003, lr  }
0x1b: {  	s9 =	sadd.s32 $0xFFFFFEF7, lr;
	s5 =	simm.s32 $0xFFFFFFFF;
	p2 =	slt.u32 s8, $0xFFFFF086  }
0x1c: {  	p1 =	slt.u32 s9, $0xF7A;
	s5 =	simm.s32 @!p2 $0x0  }
0x1d: {  	s5 =	simm.s32 @p1 $0x1;
	p0 =	seq.s32 s7, s2  }
0x1e: {  	s7 =	smul.u32 @!p0 $0xF7A, s2;
	p2 =	seq.s32 @!p0 s5, $0x0  }
0x1f: {  	s9 =	smul.u32 $0xF7A, s1;
	s8 =	simm.s32 @!p0 $0x1BF5;
	p2 =	por !p2, p0  }
0x20: {  	[sflag:s8] =	ssyncset.s32 @!p0 $0xFFFFF086;
	s6 =	sadd.s32 @!p0 s3, s7;
	s7 =	simm.s32 @!p0 $0x108  }
0x21: {  	s3 =	sadd.s32 s3, s9;
	s6 =	sadd.s32 @!p0 $0x88, s6;
	s7 =	simm.s32 @p2 $0x1082  }
0x22: {  	[simem:s7], [sflag:s8] =	dma.local @!p0 [hbm:s6], $0xF7A  }
0x23: {  	s9 =	sor.u32 $0xD0000000, s2;
	s6 =	simm.s32 $0x108;
	_ =	swait.ge @!p0 [sflag:s8], $0x0  }
0x24: {  	s3 =	sadd.s32 $0x88, s3;
	s6 =	simm.s32 @!p1 $0x1082;
	[sflag:s4] =	ssyncset.s32 $0xFFFFF086  }
0x25: {  	[simem:s6], [sflag:s4] =	dma.local [hbm:s3], $0xF7A  }
0x26: {  	[smem:$0x3F9B] =	sst s1;
	(tag) =	ssettag s2;
	_ =	strace s9  }
0x27: {  	s1 =	sld [smem:$0x3FAB]  }
0x28: {  	s2 =	sld [smem:$0x3FAC]  }
0x29: {  	s4 =	sld [smem:$0x3FAE]  }
0x2a: {  	p0 =	seq.s32 s5, $0x0;
	s5 =	sld [smem:$0x3FAF]  }
0x2b: {  	s6 =	sld [smem:$0x3FB0]  }
0x2c: {  	s7 =	sld [smem:$0x3FB1]  }
0x2d: {  	s3 =	simm.s32 $0x108;
	s8 =	sld [smem:$0x3FB2]  }
0x2e: {  	s3 =	simm.s32 @!p0 $0x1082;
	s9 =	sld [smem:$0x3FB3]  }
0x2f: {  	lr =	sadd.s32 s0, s3;
	s0 =	sld [smem:$0x3FAA]  }
0x30: {  	s3 =	sld [smem:$0x3FAD]  }
0x31: {  	[smem:$0x3FB6] =	sst s10  }
0x32: {  	s10 =	sld [smem:$0x3FB4];
	_ =	sdelay $0x3  }
0x33: {  	p0 =	seq.s32 s10, $0x1;
	s10 =	sld [smem:$0x3FB6];
	_ =	sdelay $0x3  }
0x34: {  	[smem:$0x3FB6] =	sst s10  }
0x35: {  	s10 =	sld [smem:$0x3FB5];
	_ =	sdelay $0x3  }
0x36: {  	p1 =	seq.s32 s10, $0x1;
	s10 =	sld [smem:$0x3FB6];
	_ =	sdelay $0x3  }
0x37: {  	[smem:$0x3FB6] =	sst s10  }
0x38: {  	s10 =	sld [smem:$0x3FB7]  }
0x39: {  	_ = 	snop;
	(pc) =	sbr.ind lr, $3  }
0x3a: {  	_ = 	snop  }
0x3b: {  	_ = 	snop  }
0x3c: {  	p2 =	seq.s32 s10, $0x1;
	s10 =	sld [smem:$0x3FB6]  }
0x3d: {  	_ =	shalt  }
0x3e: {  	_ =	shalt  }
0x3f: {  	_ =	shalt  }
0x40: {  	_ =	shalt  }
0x41: {  	_ =	shalt  }
0x42: {  	_ =	shalt  }
0x43: {  	_ =	shalt  }
0x44: {  	_ =	shalt  }
0x45: {  	_ =	shalt  }
0x46: {  	_ =	shalt  }
0x47: {  	_ =	shalt  }
0x48: {  	_ =	shalt  }
0x49: {  	_ =	shalt  }
0x4a: {  	_ =	shalt  }
0x4b: {  	_ =	shalt  }
0x4c: {  	_ =	shalt  }
0x4d: {  	_ =	shalt  }
0x4e: {  	_ =	shalt  }
0x4f: {  	_ =	shalt  }
0x50: {  	_ =	shalt  }
0x51: {  	_ =	shalt  }
0x52: {  	_ =	shalt  }
0x53: {  	_ =	shalt  }
0x54: {  	_ =	shalt  }
0x55: {  	_ =	shalt  }
0x56: {  	_ =	shalt  }
0x57: {  	_ =	shalt  }
0x58: {  	_ =	shalt  }
0x59: {  	_ =	shalt  }
0x5a: {  	_ =	shalt  }
0x5b: {  	_ =	shalt  }
0x5c: {  	_ =	shalt  }
0x5d: {  	_ =	shalt  }
0x5e: {  	_ =	shalt  }
0x5f: {  	_ =	shalt  }
0x60: {  	_ =	shalt  }
0x61: {  	_ =	shalt  }
0x62: {  	_ =	shalt  }
0x63: {  	_ =	shalt  }
0x64: {  	_ =	shalt  }
0x65: {  	_ =	shalt  }
0x66: {  	_ =	shalt  }
0x67: {  	_ =	shalt  }
0x68: {  	_ =	shalt  }
0x69: {  	_ =	shalt  }
0x6a: {  	_ =	shalt  }
0x6b: {  	_ =	shalt  }
0x6c: {  	_ =	shalt  }
0x6d: {  	_ =	shalt  }
0x6e: {  	_ =	shalt  }
0x6f: {  	_ =	shalt  }
0x70: {  	_ =	shalt  }
0x71: {  	_ =	shalt  }
0x72: {  	_ =	shalt  }
0x73: {  	_ =	shalt  }
0x74: {  	_ =	shalt  }
0x75: {  	_ =	shalt  }
0x76: {  	_ =	shalt  }
0x77: {  	_ =	shalt  }
0x78: {  	_ =	shalt  }
0x79: {  	_ =	shalt  }
0x7a: {  	_ =	shalt  }
0x7b: {  	_ =	shalt  }
0x7c: {  	_ =	shalt  }
0x7d: {  	_ =	shalt  }
0x7e: {  	_ =	shalt  }
0x7f: {  	_ =	shalt  }
0x80: {  	_ =	shalt  }
0x81: {  	_ =	shalt  }
0x82: {  	_ =	shalt  }
0x83: {  	_ =	shalt  }
0x84: {  	_ =	shalt  }
0x85: {  	_ =	shalt  }
0x86: {  	_ =	shalt  }
0x87: {  	_ =	shalt  }
.Lfunc_end0:
.L_simem_size_0:
called_computation_lowered:
.L_overlay_start_0:
0x88: {  	s2 =	sld [smem:$0x3FD9]  }
0x89: {  	s3 =	sld [smem:$0x3FFE];
	_ =	sdelay $0x1  }
0x8a: {  	s1 =	srdreg.scid  }
0x8b: {  	s0 =	sand.u32 $0x1, s1  }
0x8c: {  	s17 =	sshll.u32 s0, $0xA;
	s2 =	sadd.s32 s3, s2  }
0x8d: {  	s2 =	sadd.s32 s2, s17  }
0x8e: {  	[smem:$0x3FC2] =	sst s2  }
0x8f: {  	_ = 	snop  }
0x90: {  	s2 =	sld [smem:$0x3FD0];
	(tm) =	ssettm $0x1  }
0x91: {  	s18 =	sld [smem:$0x3FFB];
	_ =	sdelay $0x3  }
0x92: {  	_ =	strace s18  }
0x93: {  	s3 =	sld [smem:$0x3FFC];
	_ =	sdelay $0x3  }
0x94: {  	_ =	strace s3  }
0x95: {  	s3 =	sld [smem:$0x3FFD];
	_ =	sdelay $0x3  }
0x96: {  	_ =	strace s3  }
0x97: {  	_ =	strace $0x8FFFFFFF  }
0x98: {  	s19 =	sld [smem:$0x3FDB];
	_ =	sdelay $0x1  }
0x99: {  	s4 =	simm.s32 $_scs_section_size  }
0x9a: {  	s5 =	simm.s32 $_size__tile_overlayer_lowered;
	s6 =	simm.s32 $_tile_overlayer_lowered  }
0x9b: {  	s22 =	simm.s32 $0x1BFF;
	s21 =	sshll.u32 s6, $0x1;
	s3 =	sadd.s32 s4, s19  }
0x9c: {  	s7 =	simm.s32 $0x0;
	s20 =	sshll.u32 s5, $0x1;
	s5 =	sadd.s32 s21, s3  }
0x9d: {  	[timem:s7], [sflag:s22] =	dma.local [hbm:s5], s20  }
0x9e: {  	_ =	swait.ge [sflag:s22], s20  }
0x9f: {  	s4 =	ssub.s32 $0x0, s20;
	[sflag:s22] =	ssyncset.done $0x0  }
0xa0: {  	[sflag:s22] =	ssyncadd.s32 s4;
	_ =	sdelay $0x1  }
0xa1: {  	s23 =	simm.s32 $0x1B8B  }
0xa2: {  	_ =	swait.ge [sflag:s23], $0x1  }
0xa3: {  	[sflag:s23] =	ssyncset.done $0x0  }
0xa4: {  	s25 =	simm.s32 $0x1B8E;
	s24 =	sld [smem:$0x3FFE];
	[sflag:s23] =	ssyncadd.s32 $0xFFFFFFFF  }
0xa5: {  	s26 =	simm.s32 $execute0_lowered;
	[smem:$0x3FD2] =	sst s25  }
0xa6: {  	s5 =	sshll.u32 s26, $0x1;
	_ =	strace $0x80000046;
	[dreg:$0x1] =	wrdreg $0xFFFFFFFF  }
0xa7: {  	s28 =	simm.s32 $_size_execute0_lowered;
	s3 =	sadd.s32 s3, s5;
	[dreg:$0x0] =	wrdreg $0x0  }
0xa8: {  	s5 =	sshll.u32 s28, $0x1;
	[dreg:$0x2] =	wrdreg s3  }
0xa9: {  	[dreg:$0x3] =	wrdreg s5  }
0xaa: {  	[dreg:$0x4] =	wrdreg $0xC0  }
0xab: {  	_ =	task [dreg:s7], $0x5FFFF  }
0xac: {  	[dreg:$0x1] =	wrdreg $0xFFFFFFFF  }
0xad: {  	[dreg:$0x0] =	wrdreg $0x60  }
0xae: {  	[dreg:$0x2] =	wrdreg s24  }
0xaf: {  	[dreg:$0x3] =	wrdreg s2  }
0xb0: {  	[dreg:$0x4] =	wrdreg $0x0  }
0xb1: {  	[dreg:$0x5] =	wrdreg $0x9  }
0xb2: {  	_ =	task.clear_ibuf [dreg:s7], $0x6FFFF;
	_ =	strace $0x90000046  }
0xb3: {  	s29 =	simm.s32 $0x9;
	_ =	strace $0x80000048  }
0xb4: {  	_ =	swait.ge [sflag:s29], $0x1  }
0xb5: {  	[sflag:s29] =	ssyncadd.s32 $0xFFFFFFFF  }
0xb6: {  	_ =	strace $0x90000048  }
0xb7: {  	_ =	sfence  }
0xb8: {  	s30 =	sld [smem:$0x0];
	_ =	sdelay $0x2  }
0xb9: {  	s31 =	sshll.u32 s1, $0xD;
	s1 =	sshrl.u32 s1, $0x2  }
0xba: {  	s3 =	sand.u32 $0x4000, s31;
	s1 =	sadd.s32 s1, s30  }
0xbb: {  	s0 =	sor.u32 s3, s0;
	s1 =	sshll.u32 s1, $0x11  }
0xbc: {  	s0 =	sor.u32 s1, s0  }
0xbd: {  	s0 =	sadd.s32 $0x8F2B, s0  }
0xbe: {  	[sflag:s0] =	ssyncadd.remote.s32 $0x1  }
0xbf: {  	_ =	sfence.sel $0xFFFF  }
0xc0: {  	[dreg:$0x0] =	wrdreg $0xFFFFFFFF;
	(pc) =	sbr.abs _section_cstart, $3  }
0xc1: {  	[dreg:$0x1] =	wrdreg $0xFFFFFFFF  }
0xc2: {  	_ =	task.clear_ibuf [dreg:s7], $0x2FFFF;
	_ =	strace $0x9FFFFFFF  }
0xc3: {  	(tm) =	ssettm $0x7FFFFFFF  }
tec
execute0_lowered:
.L_overlay_start_1:
0x0: {  	(tag) =	ssettag $0x1  }
0x1: {  	s0 =	rddreg [dreg:$0x0]  }
0x2: {  	s2 =	rddreg [dreg:$0x1]  }
0x3: {  	s1 =	rddreg [dreg:$0x2];
	s3 =	srdreg.scid  }
0x4: {  	s8 =	stileid.u32;
	s17 =	simm.s32 $0x7;
	s18 =	simm.s32 $0x580  }
0x5: {  	s19 =	simm.s32 $0x600;
	s20 =	simm.s32 $0x1;
	s21 =	simm.s32 $0x50  }
0x6: {  	s22 =	simm.s32 $0x500;
	s28 =	simm.s32 $0x5;
	s29 =	simm.s32 $0x6  }
0x7: {  	s30 =	simm.s32 $0x0;
	s5 =	sand.u32 $0x1, s3;
	s11 =	smul.u32 $0x280, s8  }
0x8: {  	s3 =	simm.s32 $0x0;
	s14 =	smul.u32 $0x2710, s8;
	s4 =	sshll.u32 s5, $0x4  }
0x9: {  	[smem:$0x7FF] =	sst s3;
	s6 =	ssub.s32 $0x2, s5;
	s12 =	smul.u32 $0x2800, s5  }
0xa: {  	s13 =	smul.u32 $0x27100, s5;
	s4 =	sor.u32 s8, s4;
	_ =	strace $0x80000047  }
0xb: {  	s23 =	sshrl.u32 s6, $0x1;
	s5 =	sadd.s32 s11, s1;
	s7 =	smul.u32 $0x2710, s4  }
0xc: {  	s4 =	sadd.s32 $0xBE00, s0;
	s0 =	ssub.s32 s6, s23;
	s11 =	sadd.s32 s11, s12  }
0xd: {  	s15 =	sadd.s32 s14, s13;
	s23 =	simm.s32 $0x680;
	s11 =	sshrl.u32 s11, $0x3  }
0xe: {  	s25 =	sadd.s32 $0x190, s15;
	s13 =	sadd.s32 $0x140, s15;
	s12 =	smax.u32 s0, $0x1  }
0xf: {  	s15 =	sadd.s32 $0xF0, s15;
	s24 =	sshrl.u32 s7, $0x3;
	s11 =	sadd.s32 s2, s11  }
0x10: {  	s26 =	sshrl.u32 s25, $0x3;
	s31 =	sshrl.u32 s13, $0x3;
	s25 =	simm.s32 $0x4  }
0x11: {  	s6 =	sadd.s32 s4, s24;
	s13 =	sadd.s32 s26, s4;
	s14 =	sadd.s32 s31, s4  }
0x12: {  	s24 =	simm.s32 $0x2;
	s26 =	simm.s32 $0x3;
	s7 =	sadd.s32 $0xA, s6  }
0x13: {  	v0 =	vimm.f32 $0.0e+00;
	v1 =	vimm.f32 $1.000000000e+00;
	s8 =	sadd.s32 $0x14, s6;
	s9 =	sadd.s32 $0x4CE, s6;
	s10 =	sadd.s32 $0x4D8, s6  }
.LBB2_1:
0x14: {  	[tilespmem:$0x280] =	vst v0  }
0x15: {  	[tilespmem:$0x290] =	vst v0  }
0x16: {  	[tilespmem:$0x2A0] =	vst v0  }
0x17: {  	[tilespmem:$0x2B0] =	vst v0  }
0x18: {  	[tilespmem:$0x2C0] =	vst v0  }
0x19: {  	[tilespmem:$0x2D0] =	vst v0  }
0x1a: {  	[tilespmem:$0x2E0] =	vst v0  }
0x1b: {  	[tilespmem:$0x2F0] =	vst v0  }
0x1c: {  	[tilespmem:$0x300] =	vst v0  }
0x1d: {  	[tilespmem:$0x310] =	vst v0  }
0x1e: {  	[tilespmem:$0x320] =	vst v0  }
0x1f: {  	[tilespmem:$0x330] =	vst v0  }
0x20: {  	[tilespmem:$0x340] =	vst v0  }
0x21: {  	[tilespmem:$0x350] =	vst v0  }
0x22: {  	[tilespmem:$0x360] =	vst v0  }
0x23: {  	[tilespmem:$0x370] =	vst v0  }
0x24: {  	[tilespmem:$0x380] =	vst v0  }
0x25: {  	[tilespmem:$0x390] =	vst v0  }
0x26: {  	[tilespmem:$0x3A0] =	vst v0  }
0x27: {  	[tilespmem:$0x3B0] =	vst v0  }
0x28: {  	[tilespmem:$0x3C0] =	vst v0  }
0x29: {  	[tilespmem:$0x3D0] =	vst v0  }
0x2a: {  	[tilespmem:$0x3E0] =	vst v0  }
0x2b: {  	[tilespmem:$0x3F0] =	vst v0  }
0x2c: {  	[tilespmem:$0x400] =	vst v0  }
0x2d: {  	[tilespmem:$0x410] =	vst v0  }
0x2e: {  	[tilespmem:$0x420] =	vst v0  }
0x2f: {  	[tilespmem:$0x430] =	vst v0  }
0x30: {  	[tilespmem:$0x440] =	vst v0  }
0x31: {  	[tilespmem:$0x450] =	vst v0  }
0x32: {  	[tilespmem:$0x460] =	vst v0  }
0x33: {  	[tilespmem:$0x470] =	vst v0  }
0x34: {  	[tilespmem:$0x480] =	vst v0  }
0x35: {  	[tilespmem:$0x490] =	vst v0  }
0x36: {  	[tilespmem:$0x4A0] =	vst v0  }
0x37: {  	[tilespmem:$0x4B0] =	vst v0  }
0x38: {  	[tilespmem:$0x4C0] =	vst v0  }
0x39: {  	[tilespmem:$0x4D0] =	vst v0  }
0x3a: {  	[tilespmem:$0x4E0] =	vst v0  }
0x3b: {  	[tilespmem:$0x4F0] =	vst v0  }
0x3c: {  	[tilespmem:$0x500] =	vst v1  }
0x3d: {  	[tilespmem:$0x510] =	vst v1  }
0x3e: {  	[tilespmem:$0x520] =	vst v1  }
0x3f: {  	[tilespmem:$0x530] =	vst v1  }
0x40: {  	[tilespmem:$0x540] =	vst v1;
	s0 =	simm.s32 $0x280  }
0x41: {  	[spmem:s5] =	stream.linear.scatter [tilespmem:s0], [sflag:$0x7], $0x280, $0x38;
	[tilespmem:$0x700] =	vst v63  }
0x42: {  	_ =	swait.ge [sflag:s17], $0x280  }
0x43: {  	[sflag:s17] =	ssyncset.done $0x0  }
0x44: {  	[sflag:s17] =	ssyncadd.s32 $0xFFFFFD80  }
0x45: {  	[bflag:$0x0] =	sbarrier.arrive $0xFFFF  }
0x46: {  	[tilespmem:s18], [sflag:$0x1] =	stream.linear.gather [hbm4b:s6+s3], $0x50, $0x38;
	[tilespmem:$0x700] =	vst v63  }
0x47: {  	_ = 	snop  }
0x48: {  	[tilespmem:s19], [sflag:$0x2] =	stream.linear.gather [hbm4b:s7+s3], $0x50, $0x38;
	[tilespmem:$0x700] =	vst v63  }
0x49: {  	_ =	swait.ge [sflag:s20], $0x50  }
0x4a: {  	[sflag:s20] =	ssyncset.done $0x0  }
0x4b: {  	[sflag:s20] =	ssyncadd.s32 $0xFFFFFFB0  }
0x4c: {  	[spmem:s1] =	stream.indirect.scatter.add.f32 [tilespmem:s22], [sflag:$0x4], $0x1, s18, s21, $0xb8;
	[tilespmem:$0x700] =	vst v63  }
0x4d: {  	_ = 	snop  }
0x4e: {  	[tilespmem:s23], [sflag:$0x3] =	stream.linear.gather [hbm4b:s8+s3], $0x50, $0x38;
	[tilespmem:$0x700] =	vst v63  }
0x4f: {  	_ =	swait.ge [sflag:s24], $0x50  }
0x50: {  	[sflag:s24] =	ssyncset.done $0x0  }
0x51: {  	[sflag:s24] =	ssyncadd.s32 $0xFFFFFFB0  }
0x52: {  	[spmem:s1] =	stream.indirect.scatter.add.f32 [tilespmem:s22], [sflag:$0x5], $0x1, s19, s21, $0xb8;
	[tilespmem:$0x700] =	vst v63  }
0x53: {  	_ =	swait.ge [sflag:s25], $0x50  }
0x54: {  	s2 =	sshrl.u32 s15, $0x3;
	[sflag:s25] =	ssyncset.done $0x0  }
0x55: {  	s0 =	sadd.s32 s4, s2;
	[sflag:s25] =	ssyncadd.s32 $0xFFFFFFB0  }
0x56: {  	[tilespmem:s18], [sflag:$0x1] =	stream.linear.gather [hbm4b:s0+s3], $0x50, $0x38;
	[tilespmem:$0x700] =	vst v63  }
0x57: {  	_ =	swait.ge [sflag:s26], $0x50  }
0x58: {  	[sflag:s26] =	ssyncset.done $0x0  }
0x59: {  	[sflag:s26] =	ssyncadd.s32 $0xFFFFFFB0  }
0x5a: {  	[spmem:s1] =	stream.indirect.scatter.add.f32 [tilespmem:s22], [sflag:$0x6], $0x1, s23, s21, $0xb8;
	[tilespmem:$0x700] =	vst v63  }
0x5b: {  	_ =	swait.ge [sflag:s28], $0x50  }
0x5c: {  	[sflag:s28] =	ssyncset.done $0x0  }
0x5d: {  	s16 =	sadd.s32 $0x0, s14;
	[sflag:s28] =	ssyncadd.s32 $0xFFFFFFB0  }
0x5e: {  	[tilespmem:s19], [sflag:$0x2] =	stream.linear.gather [hbm4b:s16+s3], $0x50, $0x38;
	[tilespmem:$0x700] =	vst v63  }
0x5f: {  	_ =	swait.ge [sflag:s20], $0x50  }
0x60: {  	[sflag:s20] =	ssyncset.done $0x0  }
0x61: {  	[sflag:s20] =	ssyncadd.s32 $0xFFFFFFB0  }
0x62: {  	[spmem:s1] =	stream.indirect.scatter.add.f32 [tilespmem:s22], [sflag:$0x4], $0x1, s18, s21, $0xb8;
	[tilespmem:$0x700] =	vst v63  }
0x63: {  	_ =	swait.ge [sflag:s29], $0x50  }
0x64: {  	s31 =	simm.s32 $0x1E;
	[sflag:s29] =	ssyncset.done $0x0  }
0x65: {  	s2 =	sadd.s32 $0x0, s13;
	s0 =	sadd.s32 $0xF0, s15;
	[sflag:s29] =	ssyncadd.s32 $0xFFFFFFB0  }
.LBB2_2:
0x66: {  	[tilespmem:s23], [sflag:$0x3] =	stream.linear.gather [hbm4b:s2+s3], $0x50, $0x38;
	[tilespmem:$0x700] =	vst v63  }
0x67: {  	s2 =	smov.u32 s31  }
0x68: {  	p0 =	sne.s32 s31, $0x492;
	s31 =	sadd.s32 $0x1E, s31;
	_ =	swait.ge [sflag:s24], $0x50  }
0x69: {  	[sflag:s24] =	ssyncset.done $0x0  }
0x6a: {  	[sflag:s24] =	ssyncadd.s32 $0xFFFFFFB0  }
0x6b: {  	[spmem:s1] =	stream.indirect.scatter.add.f32 [tilespmem:s22], [sflag:$0x5], $0x1, s19, s21, $0xb8;
	[tilespmem:$0x700] =	vst v63  }
0x6c: {  	_ =	swait.ge [sflag:s25], $0x50  }
0x6d: {  	s16 =	sshrl.u32 s0, $0x3;
	[sflag:s25] =	ssyncset.done $0x0  }
0x6e: {  	s16 =	sadd.s32 s4, s16;
	[sflag:s25] =	ssyncadd.s32 $0xFFFFFFB0  }
0x6f: {  	[tilespmem:s18], [sflag:$0x1] =	stream.linear.gather [hbm4b:s16+s3], $0x50, $0x38;
	[tilespmem:$0x700] =	vst v63  }
0x70: {  	_ =	swait.ge [sflag:s26], $0x50  }
0x71: {  	[sflag:s26] =	ssyncset.done $0x0  }
0x72: {  	[sflag:s26] =	ssyncadd.s32 $0xFFFFFFB0  }
0x73: {  	[spmem:s1] =	stream.indirect.scatter.add.f32 [tilespmem:s22], [sflag:$0x6], $0x1, s23, s21, $0xb8;
	[tilespmem:$0x700] =	vst v63  }
0x74: {  	_ =	swait.ge [sflag:s28], $0x50  }
0x75: {  	[sflag:s28] =	ssyncset.done $0x0  }
0x76: {  	s16 =	sadd.s32 s2, s14;
	[sflag:s28] =	ssyncadd.s32 $0xFFFFFFB0  }
0x77: {  	[tilespmem:s19], [sflag:$0x2] =	stream.linear.gather [hbm4b:s16+s3], $0x50, $0x38;
	[tilespmem:$0x700] =	vst v63  }
0x78: {  	_ =	swait.ge [sflag:s20], $0x50  }
0x79: {  	[sflag:s20] =	ssyncset.done $0x0  }
.Ltmp0:
0x7a: {  	[sflag:s20] =	ssyncadd.s32 $0xFFFFFFB0;
	(pc) =	sbr.rel @p0 .LBB2_2-.Ltmp0, $4  }
0x7b: {  	[spmem:s1] =	stream.indirect.scatter.add.f32 [tilespmem:s22], [sflag:$0x4], $0x1, s18, s21, $0xb8;
	[tilespmem:$0x700] =	vst v63  }
0x7c: {  	_ =	swait.ge [sflag:s29], $0x50  }
0x7d: {  	[sflag:s29] =	ssyncset.done $0x0  }
0x7e: {  	s0 =	sadd.s32 $0xF0, s0;
	s2 =	sadd.s32 s2, s13;
	[sflag:s29] =	ssyncadd.s32 $0xFFFFFFB0  }
0x7f: {  	[tilespmem:s23], [sflag:$0x3] =	stream.linear.gather [hbm4b:s2+s3], $0x50, $0x38;
	[tilespmem:$0x700] =	vst v63  }
0x80: {  	_ =	swait.ge [sflag:s24], $0x50  }
0x81: {  	[sflag:s24] =	ssyncset.done $0x0  }
0x82: {  	[sflag:s24] =	ssyncadd.s32 $0xFFFFFFB0  }
0x83: {  	[spmem:s1] =	stream.indirect.scatter.add.f32 [tilespmem:s22], [sflag:$0x5], $0x1, s19, s21, $0xb8;
	[tilespmem:$0x700] =	vst v63  }
0x84: {  	_ =	swait.ge [sflag:s25], $0x50  }
0x85: {  	[sflag:s25] =	ssyncset.done $0x0  }
0x86: {  	[sflag:s25] =	ssyncadd.s32 $0xFFFFFFB0  }
0x87: {  	[tilespmem:s18], [sflag:$0x1] =	stream.linear.gather [hbm4b:s9+s3], $0x50, $0x38;
	[tilespmem:$0x700] =	vst v63  }
0x88: {  	_ =	swait.ge [sflag:s26], $0x50  }
0x89: {  	[sflag:s26] =	ssyncset.done $0x0  }
0x8a: {  	[sflag:s26] =	ssyncadd.s32 $0xFFFFFFB0  }
0x8b: {  	[spmem:s1] =	stream.indirect.scatter.add.f32 [tilespmem:s22], [sflag:$0x6], $0x1, s23, s21, $0xb8;
	[tilespmem:$0x700] =	vst v63  }
0x8c: {  	_ =	swait.ge [sflag:s28], $0x50  }
0x8d: {  	[sflag:s28] =	ssyncset.done $0x0  }
0x8e: {  	[sflag:s28] =	ssyncadd.s32 $0xFFFFFFB0  }
0x8f: {  	[tilespmem:s19], [sflag:$0x2] =	stream.linear.gather [hbm4b:s10+s3], $0x50, $0x38;
	[tilespmem:$0x700] =	vst v63  }
0x90: {  	_ =	swait.ge [sflag:s20], $0x50  }
0x91: {  	[sflag:s20] =	ssyncset.done $0x0  }
0x92: {  	[sflag:s20] =	ssyncadd.s32 $0xFFFFFFB0  }
0x93: {  	[spmem:s1] =	stream.indirect.scatter.add.f32 [tilespmem:s22], [sflag:$0x4], $0x1, s18, s21, $0xb8;
	[tilespmem:$0x700] =	vst v63  }
0x94: {  	_ =	swait.ge [sflag:s24], $0x50  }
0x95: {  	[sflag:s24] =	ssyncset.done $0x0  }
0x96: {  	[sflag:s24] =	ssyncadd.s32 $0xFFFFFFB0  }
0x97: {  	[spmem:s1] =	stream.indirect.scatter.add.f32 [tilespmem:s22], [sflag:$0x5], $0x1, s19, s21, $0xb8;
	[tilespmem:$0x700] =	vst v63  }
0x98: {  	_ =	swait.ge [sflag:s29], $0x50  }
0x99: {  	[sflag:s29] =	ssyncset.done $0x0  }
0x9a: {  	[sflag:s29] =	ssyncadd.s32 $0xFFFFFFB0  }
0x9b: {  	_ =	swait.ge [sflag:s25], $0x50  }
0x9c: {  	[sflag:s25] =	ssyncset.done $0x0  }
0x9d: {  	[sflag:s25] =	ssyncadd.s32 $0xFFFFFFB0  }
0x9e: {  	s0 =	stileid.u32;
	_ =	swait.ge [sflag:s28], $0x50  }
0x9f: {  	s31 =	sshrl.u32 s5, $0x3;
	s30 =	sadd.s32 $0x1, s30;
	[sflag:s28] =	ssyncset.done $0x0  }
0xa0: {  	s0 =	sshll.u32 s0, $0x6;
	p0 =	sne.s32 s30, s12;
	[sflag:s28] =	ssyncadd.s32 $0xFFFFFFB0  }
.Ltmp1:
0xa1: {  	s0 =	sor.u32 $0x1C07, s0;
	[bflag:$0x0] =	sbarrier.arrive $0xFFFF;
	(pc) =	sbr.rel @p0 .LBB2_1-.Ltmp1, $4  }
0xa2: {  	[hbm:s11], [sflag:s0] =	dma.local [spmem:s31], $0x50  }
0xa3: {  	_ =	swait.ge [sflag:s17], $0x50  }
0xa4: {  	[sflag:s17] =	ssyncset.done $0x0  }
0xa5: {  	[sflag:s17] =	ssyncadd.s32 $0xFFFFFFB0  }
0xa6: {  	_ =	sfence.sel $0x180000  }
0xa7: {  	[bflag:$0x0] =	sbarrier.arrive $0xFFFF  }
0xa8: {  	_ =	strace $0x90000047  }
0xa9: {  	s0 =	stileid.u32;
	[bflag:$0x2] =	sbarrier.arrive $0xFFFF  }
0xaa: {  	p0 =	sne.s32 s0, $0x0;
	s0 =	rddreg [dreg:$0x3]  }
0xab: {  	s0 =	sadd.s32 @!p0 $0x100000, s0  }
0xac: {  	[sflag:s0] =	ssyncadd.tile.s32 @!p0 $0x1;
	_ =	shalt  }
.Lfunc_end2:
_tile_overlayer_lowered:
.L_overlay_start_2:
0xad: {  	(tag) =	ssettag $0x2  }
0xae: {  	s0 =	rddreg [dreg:$0x0];
	s2 =	stileid.u32  }
0xaf: {  	s1 =	rddreg [dreg:$0x1];
	p0 =	sne.s32 s2, $0x0  }
0xb0: {  	s3 =	rddreg [dreg:$0x2];
	[bflag:$0x3] =	sbarrier.arrive $0xFFFF;
	s2 =	simm.s32 @!p0 $0x1C07  }
0xb1: {  	[timem:s3], [sflag:s2] =	dma.local @!p0 [hbm:s0], s1  }
0xb2: {  	s0 =	simm.s32 @!p0 $0x7  }
0xb3: {  	_ =	swait.ge @!p0 [sflag:s0], s1  }
0xb4: {  	s1 =	ssub.s32 @!p0 $0x0, s1;
	[sflag:s0] =	ssyncset.done @!p0 $0x0  }
0xb5: {  	[sflag:s0] =	ssyncadd.s32 @!p0 s1  }
0xb6: {  	[bflag:$0x3] =	sbarrier.arrive $0xFFFF  }
0xb7: {  	_ =	shalt  }

</sc_bundles>
